<compile_context>
chip_gen: v7x
topology: tpu7x:2x2x1
jax: 0.10.2.dev20260603
libtpu: 0.0.44.dev20260713+nightly
codegen_flags: <defaults>
</compile_context>

<pallas_src>
import functools

import numpy as np
import jax
import jax.numpy as jnp
from jax import lax
from jax.experimental import pallas as pl
from jax.experimental.pallas import tpu as pltpu
from jax.experimental.pallas import tpu_sc as plsc

NC, NS, L = 2, 16, 16
NW = NC * NS
H = W = 512
NPIX = H * W
PXC = NPIX // NS
PXW = NPIX // NW
NVECH = PXC // L
NVECA = PXW // L

C01 = np.float32(127.0 / 255.0)
CBACK = np.float32(255.0 / 127.0)
F256 = np.float32(256.0)
F255 = np.float32(255.0)
DENOM = np.float32(NPIX - 1)

_BR = 256
_UH = 16
_UA = 16


@functools.lru_cache(maxsize=None)
def _mesh():
  return plsc.VectorSubcoreMesh(
      core_axis_name="c", subcore_axis_name="s", num_cores=NC,
      num_subcores=NS)


def _pre_body(s_ref, t_ref, ys_ref, yt_ref):
  xs = (s_ref[0] + np.float32(1.0)) * C01
  ys_ref[...] = xs.reshape(-1)

  def bf(v):
    return v.astype(jnp.bfloat16).astype(jnp.float32)
  yt = (bf((t_ref[0] + np.float32(1.0)) * C01) * np.float32(0.298828125)
        + bf((t_ref[1] + np.float32(1.0)) * C01) * np.float32(0.5859375)
        + bf((t_ref[2] + np.float32(1.0)) * C01) * np.float32(0.11376953125))
  yt_ref[...] = yt.reshape(-1)


def _sc_body(ys_hbm, yt_hbm, fs_hbm, out_hbm, sbuf, tbuf, hbuf, hout, idxb,
             hb, fsb, cdfi, cdfs, cdft, pxm, abuf, obuf, shard, sem1, sem2):
  sid = lax.axis_index("s")
  cid = lax.axis_index("c")
  cp1 = pltpu.async_copy(ys_hbm.at[pl.ds(sid * PXC, PXC)], sbuf, sem1)
  cp2 = pltpu.async_copy(yt_hbm.at[pl.ds(sid * PXC, PXC)], tbuf, sem2)
  pltpu.sync_copy(fs_hbm, fsb)

  lane = lax.iota(jnp.int32, L)
  lane256 = lane * 256
  zvec = jnp.zeros((L,), jnp.int32)
  z255 = jnp.full((L,), 255, jnp.int32)
  ones = jnp.full((L,), 1, jnp.int32)

  def zero_hout(c, _):
    hout[pl.ds(c * L, L)] = zvec
    idxb[pl.ds(c * L, L)] = lane + c * L
    return 0
  lax.fori_loop(0, 512 // L, zero_hout, 0)

  @pl.when(sid == 0)
  def _():
    pltpu.sync_copy(hout, shard)

  def zero_body(c, _):
    for u in range(16):
      hbuf[pl.ds(c * (16 * L) + u * L, L)] = zvec
    return 0
  lax.fori_loop(0, 2 * 16 * 256 // (16 * L), zero_body, 0)
  cp1.wait()
  cp2.wait()

  def px_hist(i, _):
    base = i * (_UH * L)
    xs = [sbuf[pl.ds(base + u * L, L)] for u in range(_UH)]
    ys = [tbuf[pl.ds(base + u * L, L)] for u in range(_UH)]
    adr_s = [lane256 + jnp.clip((v * F256).astype(jnp.int32), 0, 255)
             for v in xs]
    adr_t = [lane256 + jnp.clip((v * F256).astype(jnp.int32), 0, 255) + 4096
             for v in ys]
    for u in range(_UH):
      plsc.addupdate_scatter(hbuf, [adr_s[u]], ones)
    for u in range(_UH):
      plsc.addupdate_scatter(hbuf, [adr_t[u]], ones)
    return 0
  lax.fori_loop(0, NVECH // _UH, px_hist, 0)

  def red_body(c, _):
    a_s = hbuf[pl.ds(c * L, L)]
    a_t = hbuf[pl.ds(4096 + c * L, L)]
    for l in range(1, 16):
      a_s = a_s + hbuf[pl.ds(l * 256 + c * L, L)]
      a_t = a_t + hbuf[pl.ds(4096 + l * 256 + c * L, L)]
    hout[pl.ds(c * L, L)] = a_s
    hout[pl.ds(256 + c * L, L)] = a_t
    return 0
  lax.fori_loop(0, 256 // L, red_body, 0)

  plsc.subcore_barrier()
  pltpu.sync_copy(hout, shard.at[idxb], add=True)
  plsc.subcore_barrier()
  pltpu.sync_copy(shard, hb)

  vs = [hb[pl.ds(c * L, L)] for c in range(16)]
  ws = [hb[pl.ds(256 + c * L, L)] for c in range(16)]
  pv, pw = [zvec], [zvec]
  for c in range(1, 16):
    pv.append(pv[-1] + vs[c - 1])
    pw.append(pw[-1] + ws[c - 1])
  offv = [jnp.sum(p) for p in pv]
  offw = [jnp.sum(p) for p in pw]
  csv = [plsc.cumsum(v) for v in vs]
  csw = [plsc.cumsum(w) for w in ws]
  for c in range(16):
    cdfi[pl.ds(c * L, L)] = csv[c] + offv[c]
    cdfi[pl.ds(256 + c * L, L)] = csw[c] + offw[c]

  cmin_s = plsc.load_gather(cdfi, [zvec])
  cmin_t = plsc.load_gather(cdfi, [zvec + 256])

  def norm_body(c, _):
    v = cdfi[pl.ds(c * L, L)]
    w = cdfi[pl.ds(256 + c * L, L)]
    cdfs[pl.ds(c * L, L)] = (v - cmin_s).astype(jnp.float32) / DENOM
    cdft[pl.ds(c * L, L)] = (w - cmin_t).astype(jnp.float32) / DENOM
    return 0
  lax.fori_loop(0, 256 // L, norm_body, 0)

  dxlo = plsc.load_gather(cdft, [zvec])
  dxhi = plsc.load_gather(cdft, [z255])
  fs0 = plsc.load_gather(fsb, [zvec])
  fs255 = plsc.load_gather(fsb, [z255])

  def lut_body(k, _):
    xs = [cdfs[pl.ds((k * 4 + u) * L, L)] for u in range(4)]
    poss = [zvec] * 4
    for step in (128, 64, 32, 16, 8, 4, 2, 1):
      nposs = [pos + step for pos in poss]
      dvals = [plsc.load_gather(cdft, [npos - 1]) for npos in nposs]
      poss = [jnp.where(dvals[u] <= xs[u], nposs[u], poss[u])
              for u in range(4)]
    ind1s = [jnp.minimum(pos, 255) for pos in poss]
    ind0s = [jnp.maximum(ind1 - 1, 0) for ind1 in ind1s]
    dx0s = [plsc.load_gather(cdft, [i]) for i in ind0s]
    dx1s = [plsc.load_gather(cdft, [i]) for i in ind1s]
    dy0s = [plsc.load_gather(fsb, [i]) for i in ind0s]
    dy1s = [plsc.load_gather(fsb, [i]) for i in ind1s]
    for u in range(4):
      x = xs[u]
      denom = dx1s[u] - dx0s[u]
      safe = jnp.where(denom == np.float32(0.0), np.float32(1.0), denom)
      px = dy0s[u] + (dy1s[u] - dy0s[u]) * (x - dx0s[u]) / safe
      px = jnp.where(x <= dxlo, fs0, jnp.where(x >= dxhi, fs255, px))
      pxm[pl.ds((k * 4 + u) * L, L)] = px
    return 0
  lax.fori_loop(0, 256 // (4 * L), lut_body, 0)
  pxm[pl.ds(256, L)] = jnp.zeros((L,), jnp.float32)

  def ab_body(j, _):
    i0 = lane + j * L
    i1 = i0 + 1
    p0 = plsc.load_gather(pxm, [i0])
    p1 = plsc.load_gather(pxm, [i1])
    f0 = plsc.load_gather(fsb, [i0])
    f1 = plsc.load_gather(fsb, [i1])
    b = (p1 - p0) / (f1 - f0)
    abuf[pl.ds(j * L, L)] = p0 - b * f0
    abuf[pl.ds(256 + j * L, L)] = b
    return 0
  lax.fori_loop(0, 256 // L, ab_body, 0)

  dy0v = plsc.load_gather(pxm, [zvec])
  dy255v = plsc.load_gather(pxm, [z255])

  cbase = cid * PXW

  def px_apply(i, _):
    base = cbase + i * (_UA * L)
    xv = [sbuf[pl.ds(base + u * L, L)] for u in range(_UA)]
    i0 = [jnp.clip((x * F255).astype(jnp.int32), 0, 254) for x in xv]
    av = [plsc.load_gather(abuf, [j]) for j in i0]
    bv = [plsc.load_gather(abuf, [j + 256]) for j in i0]
    for u in range(_UA):
      x = xv[u]
      y = av[u] + bv[u] * x
      y = jnp.where(x <= fs0, dy0v, jnp.where(x >= fs255, dy255v, y))
      y = jnp.clip(y, np.float32(0.0), np.float32(1.0))
      obuf[pl.ds(i * (_UA * L) + u * L, L)] = y * CBACK - np.float32(1.0)
    return 0
  lax.fori_loop(0, NVECA // _UA, px_apply, 0)

  pltpu.sync_copy(obuf, out_hbm.at[pl.ds(sid * PXC + cid * PXW, PXW)])


@functools.lru_cache(maxsize=None)
def _calls():
  pre_call = pl.pallas_call(
      _pre_body,
      grid=(H // _BR,),
      in_specs=[
          pl.BlockSpec((1, _BR, W), lambda i: (0, i, 0)),
          pl.BlockSpec((3, _BR, W), lambda i: (0, i, 0)),
      ],
      out_specs=[
          pl.BlockSpec((_BR * W,), lambda i: (i,)),
          pl.BlockSpec((_BR * W,), lambda i: (i,)),
      ],
      out_shape=[
          jax.ShapeDtypeStruct((NPIX,), jnp.float32),
          jax.ShapeDtypeStruct((NPIX,), jnp.float32),
      ],
  )

  sc_call = pl.kernel(
      _sc_body,
      out_type=jax.ShapeDtypeStruct((NPIX,), jnp.float32),
      mesh=_mesh(),
      compiler_params=pltpu.CompilerParams(needs_layout_passes=False),
      scratch_types=[
          pltpu.VMEM((PXC,), jnp.float32),
          pltpu.VMEM((PXC,), jnp.float32),
          pltpu.VMEM((2 * 16 * 256,), jnp.int32),
          pltpu.VMEM((512,), jnp.int32),
          pltpu.VMEM((512,), jnp.int32),
          pltpu.VMEM((512,), jnp.int32),
          pltpu.VMEM((272,), jnp.float32),
          pltpu.VMEM((512,), jnp.int32),
          pltpu.VMEM((256,), jnp.float32),
          pltpu.VMEM((256,), jnp.float32),
          pltpu.VMEM((272,), jnp.float32),
          pltpu.VMEM((512,), jnp.float32),
          pltpu.VMEM((PXW,), jnp.float32),
          pltpu.VMEM_SHARED((512,), jnp.int32),
          pltpu.SemaphoreType.DMA,
          pltpu.SemaphoreType.DMA,
      ],
  )
  return pre_call, sc_call


@jax.jit
def kernel(src, tgt):
  tps = jnp.transpose(src, (2, 0, 1))
  tpt = jnp.transpose(tgt, (2, 0, 1))
  fs = jnp.clip(
      jnp.arange(0.0, 1.00001, 1.0 / 255.0, dtype=jnp.float32), 0.0, 1.0)
  fs_pad = jnp.concatenate(
      [fs, jnp.arange(2.0, 18.0, 1.0, dtype=jnp.float32)])
  pre_call, sc_call = _calls()
  ys, yt = pre_call(tps, tpt)
  out = sc_call(ys, yt, fs_pad)
  return out.reshape(H, W, 1)

# --- scband reference (transcript-rebuilt; emitter-appended) ---
"""Pipeline reference for scband-histogram-matcher-14534169330278 (READ-ONLY COPY).

The authoritative reference and input builder live on the scoring server;
editing this copy changes nothing except your own understanding.
"""

import jax, jax.numpy as jnp
import numpy as np

_YUV = jnp.array([[0.299, -0.14714119, 0.61497538],
                  [0.587, -0.28886916, -0.51496512],
                  [0.114, 0.43601035, -0.10001026]], dtype=jnp.float32)


def _rescale_0_1(img):
    return (img + 1.0) * (127.0 / 255.0)


def _rescale_back(img):
    return img * (255.0 / 127.0) - 1.0


def _equalize_histogram(image):
    h, w = image.shape
    # tf.histogram_fixed_width over [0,1] with 256 bins
    idx = jnp.clip(jnp.floor(image * 256.0).astype(jnp.int32), 0, 255)
    hist = jnp.zeros((256,), jnp.int32).at[idx.reshape(-1)].add(1)
    cdf = jnp.cumsum(hist)
    cdf_min = jnp.min(cdf)
    pix_cnt = h * w
    return (cdf - cdf_min).astype(jnp.float32) / jnp.float32(pix_cnt - 1)


def _interpolate(dx, dy, x):
    delVals = dx[None, :] - x[:, None]
    ind1 = jnp.argmax(jnp.sign(delVals), axis=1)
    ind0 = jnp.clip(ind1 - 1, 0, 255)
    denom = dx[ind1] - dx[ind0]
    safe = jnp.where(denom == 0.0, 1.0, denom)
    interp = dy[ind0] + (dy[ind1] - dy[ind0]) * (x - dx[ind0]) / safe
    return jnp.where(x <= dx[0], dy[0],
                     jnp.where(x >= dx[-1], dy[-1], interp))


def setup_inputs(seed: int = 0) -> dict:
    key = jax.random.key(seed)
    k1, k2 = jax.random.split(key)
    src = jax.random.uniform(k1, (512, 512, 3), dtype=jnp.float32)
    tgt = jax.random.uniform(k2, (512, 512, 3), dtype=jnp.float32)
    return {"src": src, "tgt": tgt}


def reference(src, tgt):
    src = _rescale_0_1(src)
    tgt = _rescale_0_1(tgt)
    tgt = tgt @ _YUV  # rgb_to_yuv
    h, w, _ = src.shape
    floating_space = jnp.clip(
        jnp.arange(0.0, 1.00001, 1.0 / 255.0, dtype=jnp.float32), 0.0, 1.0)
    source = src[:, :, 0]
    target = tgt[:, :, 0]
    cdfsrc = _equalize_histogram(source)
    cdftgt = _equalize_histogram(target)
    pxmap = _interpolate(cdftgt, floating_space, cdfsrc)
    pxmap = _interpolate(floating_space, pxmap, source.reshape(h * w))
    pxmap = pxmap.reshape(h, w)
    pxmap = pxmap.reshape(h, w, 1)
    res = jnp.clip(pxmap, 0.0, 1.0)
    res = _rescale_back(res)
    return res

if __name__ == "__main__":
    import jax
    _d = setup_inputs()
    print(jax.jit(kernel)(*tuple(_d.values())))

</pallas_src>

<mosaic_0001>
#map = affine_map<(d0, d1) -> (0)>
module attributes {stable_mosaic.version = 14 : i64} {
  func.func @_sc_body(%arg0: i32, %arg1: i32, %arg2: memref<262144xf32, #tpu.memory_space<hbm>>, %arg3: memref<262144xf32, #tpu.memory_space<hbm>>, %arg4: memref<272xf32, #tpu.memory_space<hbm>>, %arg5: memref<262144xf32, #tpu.memory_space<hbm>>, %arg6: memref<16384xf32, #tpu.memory_space<vmem>>, %arg7: memref<16384xf32, #tpu.memory_space<vmem>>, %arg8: memref<8192xi32, #tpu.memory_space<vmem>>, %arg9: memref<512xi32, #tpu.memory_space<vmem>>, %arg10: memref<512xi32, #tpu.memory_space<vmem>>, %arg11: memref<512xi32, #tpu.memory_space<vmem>>, %arg12: memref<272xf32, #tpu.memory_space<vmem>>, %arg13: memref<512xi32, #tpu.memory_space<vmem>>, %arg14: memref<256xf32, #tpu.memory_space<vmem>>, %arg15: memref<256xf32, #tpu.memory_space<vmem>>, %arg16: memref<272xf32, #tpu.memory_space<vmem>>, %arg17: memref<512xf32, #tpu.memory_space<vmem>>, %arg18: memref<8192xf32, #tpu.memory_space<vmem>>, %arg19: memref<512xi32, #tpu.memory_space<vmem_shared>>, %arg20: memref<!tpu.dma_semaphore, #tpu.memory_space<semaphore_mem>>, %arg21: memref<!tpu.dma_semaphore, #tpu.memory_space<semaphore_mem>>) attributes {dimension_semantics = [#tpu.dimension_semantics<core_parallel>, #tpu.dimension_semantics<subcore_parallel>], iteration_bounds = array<i64: 2, 16>, scalar_prefetch = 0 : i64, scratch_operands = 16 : i64, tpu.core_type = #tpu.core_type<sc_vector_subcore>, window_params = [{transform_indices = #map}, {transform_indices = #map}, {transform_indices = #map}, {transform_indices = #map}]} {
    %mul3A = arith.constant 16384 : i32
    %mul3A_0 = arith.muli %arg1, %mul3A : i32
    %dma_start3A = tpu.memref_slice %arg2[%mul3A_0] : memref<262144xf32, #tpu.memory_space<hbm>> -> memref<16384xf32, #tpu.memory_space<hbm>>
    %dma_start3A_1 = tpu.memref_slice %arg2[%mul3A_0] : memref<262144xf32, #tpu.memory_space<hbm>> -> memref<16384xf32, #tpu.memory_space<hbm>>
    tpu.enqueue_dma source(%dma_start3A_1 : memref<16384xf32, #tpu.memory_space<hbm>>) target(%arg6 : memref<16384xf32, #tpu.memory_space<vmem>>) target_semaphore(%arg20 : memref<!tpu.dma_semaphore, #tpu.memory_space<semaphore_mem>>)
    %mul3A_2 = arith.constant 16384 : i32
    %mul3A_3 = arith.muli %arg1, %mul3A_2 : i32
    %dma_start3A_4 = tpu.memref_slice %arg3[%mul3A_3] : memref<262144xf32, #tpu.memory_space<hbm>> -> memref<16384xf32, #tpu.memory_space<hbm>>
    %dma_start3A_5 = tpu.memref_slice %arg3[%mul3A_3] : memref<262144xf32, #tpu.memory_space<hbm>> -> memref<16384xf32, #tpu.memory_space<hbm>>
    tpu.enqueue_dma source(%dma_start3A_5 : memref<16384xf32, #tpu.memory_space<hbm>>) target(%arg7 : memref<16384xf32, #tpu.memory_space<vmem>>) target_semaphore(%arg21 : memref<!tpu.dma_semaphore, #tpu.memory_space<semaphore_mem>>)
    "tpu.region"() ({
      %run_scoped3A = tpu.sem_alloc : memref<!tpu.dma_semaphore, #tpu.memory_space<semaphore_mem>>
      tpu.enqueue_dma source(%arg4 : memref<272xf32, #tpu.memory_space<hbm>>) target(%arg12 : memref<272xf32, #tpu.memory_space<vmem>>) target_semaphore(%run_scoped3A : memref<!tpu.dma_semaphore, #tpu.memory_space<semaphore_mem>>)
      tpu.wait_dma2 semaphore(%run_scoped3A : memref<!tpu.dma_semaphore, #tpu.memory_space<semaphore_mem>>) src(%arg4 : memref<272xf32, #tpu.memory_space<hbm>>) dst(%arg12 : memref<272xf32, #tpu.memory_space<vmem>>)
      tpu.yield
    }) : () -> ()
    %iota3A = tpu.iota {dimensions = array<i32: 0>} : vector<16xi32>
    %mul3A_6 = arith.constant 256 : i32
    %mul3A_7 = vector.broadcast %mul3A_6 : i32 to vector<16xi32>
    %mul3A_8 = arith.muli %iota3A, %mul3A_7 : vector<16xi32>
    %broadcast_in_dim3A = arith.constant 0 : i32
    %broadcast_in_dim3A_9 = vector.broadcast %broadcast_in_dim3A : i32 to vector<16xi32>
    %broadcast_in_dim3A_10 = arith.constant 255 : i32
    %broadcast_in_dim3A_11 = vector.broadcast %broadcast_in_dim3A_10 : i32 to vector<16xi32>
    %broadcast_in_dim3A_12 = arith.constant 1 : i32
    %broadcast_in_dim3A_13 = vector.broadcast %broadcast_in_dim3A_12 : i32 to vector<16xi32>
    %scan3A = arith.constant 0 : i32
    %scan3A_14 = arith.constant 0 : i32
    %scan3A_15 = arith.constant 32 : i32
    %scan3A_16 = arith.addi %scan3A_14, %scan3A_15 : i32
    %scan3A_17 = arith.constant 1 : i32
    %scan3A_18 = scf.for %scan3A_537 = %scan3A_14 to %scan3A_16 step %scan3A_17 iter_args(%scan3A_538 = %scan3A) -> (i32)  : i32 {
      %mul3A_539 = arith.constant 16 : i32
      %mul3A_540 = arith.muli %scan3A_537, %mul3A_539 : i32
      %swap3A_541 = arith.index_cast %mul3A_540 : i32 to index
      %swap3A_542 = tpu.vector_load %arg9[%swap3A_541] {strides = array<i32>} : memref<512xi32, #tpu.memory_space<vmem>>, vector<16xi32>,
      tpu.vector_store %arg9[%swap3A_541], %broadcast_in_dim3A_9 {strides = array<i32>} : memref<512xi32, #tpu.memory_space<vmem>>, vector<16xi32>,
      %mul3A_543 = arith.constant 16 : i32
      %mul3A_544 = arith.muli %scan3A_537, %mul3A_543 : i32
      %add3A_545 = vector.broadcast %mul3A_544 : i32 to vector<16xi32>
      %add3A_546 = arith.addi %iota3A, %add3A_545 : vector<16xi32>
      %mul3A_547 = arith.constant 16 : i32
      %mul3A_548 = arith.muli %scan3A_537, %mul3A_547 : i32
      %swap3A_549 = arith.index_cast %mul3A_548 : i32 to index
      %swap3A_550 = tpu.vector_load %arg10[%swap3A_549] {strides = array<i32>} : memref<512xi32, #tpu.memory_space<vmem>>, vector<16xi32>,
      tpu.vector_store %arg10[%swap3A_549], %add3A_546 {strides = array<i32>} : memref<512xi32, #tpu.memory_space<vmem>>, vector<16xi32>,
      %scan3A_551 = arith.constant 0 : i32
      scf.yield %scan3A_551 : i32
    }
    %scan3A_19 = arith.constant 32 : i32
    %eq3A = arith.constant 0 : i32
    %eq3A_20 = arith.cmpi eq, %arg1, %eq3A : i32
    %convert_element_type3A = arith.extui %eq3A_20 : i1 to i32
    %cond3A = arith.constant 0 : i32
    %cond3A_21 = arith.cmpi ne, %convert_element_type3A, %cond3A : i32
    scf.if %cond3A_21 {
      "tpu.region"() ({
        %run_scoped3A = tpu.sem_alloc : memref<!tpu.dma_semaphore, #tpu.memory_space<semaphore_mem>>
        tpu.enqueue_dma source(%arg9 : memref<512xi32, #tpu.memory_space<vmem>>) target(%arg19 : memref<512xi32, #tpu.memory_space<vmem_shared>>) target_semaphore(%run_scoped3A : memref<!tpu.dma_semaphore, #tpu.memory_space<semaphore_mem>>)
        tpu.wait_dma2 semaphore(%run_scoped3A : memref<!tpu.dma_semaphore, #tpu.memory_space<semaphore_mem>>) src(%arg9 : memref<512xi32, #tpu.memory_space<vmem>>) dst(%arg19 : memref<512xi32, #tpu.memory_space<vmem_shared>>)
        tpu.yield
      }) : () -> ()
    } else {
    }
    %scan3A_22 = arith.constant 0 : i32
    %scan3A_23 = arith.constant 0 : i32
    %scan3A_24 = arith.constant 32 : i32
    %scan3A_25 = arith.addi %scan3A_23, %scan3A_24 : i32
    %scan3A_26 = arith.constant 1 : i32
    %scan3A_27 = scf.for %scan3A_537 = %scan3A_23 to %scan3A_25 step %scan3A_26 iter_args(%scan3A_538 = %scan3A_22) -> (i32)  : i32 {
      %mul3A_539 = arith.constant 256 : i32
      %mul3A_540 = arith.muli %scan3A_537, %mul3A_539 : i32
      %add3A_541 = arith.constant 0 : i32
      %add3A_542 = arith.addi %mul3A_540, %add3A_541 : i32
      %swap3A_543 = arith.index_cast %add3A_542 : i32 to index
      %swap3A_544 = tpu.vector_load %arg8[%swap3A_543] {strides = array<i32>} : memref<8192xi32, #tpu.memory_space<vmem>>, vector<16xi32>,
      tpu.vector_store %arg8[%swap3A_543], %broadcast_in_dim3A_9 {strides = array<i32>} : memref<8192xi32, #tpu.memory_space<vmem>>, vector<16xi32>,
      %mul3A_545 = arith.constant 256 : i32
      %mul3A_546 = arith.muli %scan3A_537, %mul3A_545 : i32
      %add3A_547 = arith.constant 16 : i32
      %add3A_548 = arith.addi %mul3A_546, %add3A_547 : i32
      %swap3A_549 = arith.index_cast %add3A_548 : i32 to index
      %swap3A_550 = tpu.vector_load %arg8[%swap3A_549] {strides = array<i32>} : memref<8192xi32, #tpu.memory_space<vmem>>, vector<16xi32>,
      tpu.vector_store %arg8[%swap3A_549], %broadcast_in_dim3A_9 {strides = array<i32>} : memref<8192xi32, #tpu.memory_space<vmem>>, vector<16xi32>,
      %mul3A_551 = arith.constant 256 : i32
      %mul3A_552 = arith.muli %scan3A_537, %mul3A_551 : i32
      %add3A_553 = arith.constant 32 : i32
      %add3A_554 = arith.addi %mul3A_552, %add3A_553 : i32
      %swap3A_555 = arith.index_cast %add3A_554 : i32 to index
      %swap3A_556 = tpu.vector_load %arg8[%swap3A_555] {strides = array<i32>} : memref<8192xi32, #tpu.memory_space<vmem>>, vector<16xi32>,
      tpu.vector_store %arg8[%swap3A_555], %broadcast_in_dim3A_9 {strides = array<i32>} : memref<8192xi32, #tpu.memory_space<vmem>>, vector<16xi32>,
      %mul3A_557 = arith.constant 256 : i32
      %mul3A_558 = arith.muli %scan3A_537, %mul3A_557 : i32
      %add3A_559 = arith.constant 48 : i32
      %add3A_560 = arith.addi %mul3A_558, %add3A_559 : i32
      %swap3A_561 = arith.index_cast %add3A_560 : i32 to index
      %swap3A_562 = tpu.vector_load %arg8[%swap3A_561] {strides = array<i32>} : memref<8192xi32, #tpu.memory_space<vmem>>, vector<16xi32>,
      tpu.vector_store %arg8[%swap3A_561], %broadcast_in_dim3A_9 {strides = array<i32>} : memref<8192xi32, #tpu.memory_space<vmem>>, vector<16xi32>,
      %mul3A_563 = arith.constant 256 : i32
      %mul3A_564 = arith.muli %scan3A_537, %mul3A_563 : i32
      %add3A_565 = arith.constant 64 : i32
      %add3A_566 = arith.addi %mul3A_564, %add3A_565 : i32
      %swap3A_567 = arith.index_cast %add3A_566 : i32 to index
      %swap3A_568 = tpu.vector_load %arg8[%swap3A_567] {strides = array<i32>} : memref<8192xi32, #tpu.memory_space<vmem>>, vector<16xi32>,
      tpu.vector_store %arg8[%swap3A_567], %broadcast_in_dim3A_9 {strides = array<i32>} : memref<8192xi32, #tpu.memory_space<vmem>>, vector<16xi32>,
      %mul3A_569 = arith.constant 256 : i32
      %mul3A_570 = arith.muli %scan3A_537, %mul3A_569 : i32
      %add3A_571 = arith.constant 80 : i32
      %add3A_572 = arith.addi %mul3A_570, %add3A_571 : i32
      %swap3A_573 = arith.index_cast %add3A_572 : i32 to index
      %swap3A_574 = tpu.vector_load %arg8[%swap3A_573] {strides = array<i32>} : memref<8192xi32, #tpu.memory_space<vmem>>, vector<16xi32>,
      tpu.vector_store %arg8[%swap3A_573], %broadcast_in_dim3A_9 {strides = array<i32>} : memref<8192xi32, #tpu.memory_space<vmem>>, vector<16xi32>,
      %mul3A_575 = arith.constant 256 : i32
      %mul3A_576 = arith.muli %scan3A_537, %mul3A_575 : i32
      %add3A_577 = arith.constant 96 : i32
      %add3A_578 = arith.addi %mul3A_576, %add3A_577 : i32
      %swap3A_579 = arith.index_cast %add3A_578 : i32 to index
      %swap3A_580 = tpu.vector_load %arg8[%swap3A_579] {strides = array<i32>} : memref<8192xi32, #tpu.memory_space<vmem>>, vector<16xi32>,
      tpu.vector_store %arg8[%swap3A_579], %broadcast_in_dim3A_9 {strides = array<i32>} : memref<8192xi32, #tpu.memory_space<vmem>>, vector<16xi32>,
      %mul3A_581 = arith.constant 256 : i32
      %mul3A_582 = arith.muli %scan3A_537, %mul3A_581 : i32
      %add3A_583 = arith.constant 112 : i32
      %add3A_584 = arith.addi %mul3A_582, %add3A_583 : i32
      %swap3A_585 = arith.index_cast %add3A_584 : i32 to index
      %swap3A_586 = tpu.vector_load %arg8[%swap3A_585] {strides = array<i32>} : memref<8192xi32, #tpu.memory_space<vmem>>, vector<16xi32>,
      tpu.vector_store %arg8[%swap3A_585], %broadcast_in_dim3A_9 {strides = array<i32>} : memref<8192xi32, #tpu.memory_space<vmem>>, vector<16xi32>,
      %mul3A_587 = arith.constant 256 : i32
      %mul3A_588 = arith.muli %scan3A_537, %mul3A_587 : i32
      %add3A_589 = arith.constant 128 : i32
      %add3A_590 = arith.addi %mul3A_588, %add3A_589 : i32
      %swap3A_591 = arith.index_cast %add3A_590 : i32 to index
      %swap3A_592 = tpu.vector_load %arg8[%swap3A_591] {strides = array<i32>} : memref<8192xi32, #tpu.memory_space<vmem>>, vector<16xi32>,
      tpu.vector_store %arg8[%swap3A_591], %broadcast_in_dim3A_9 {strides = array<i32>} : memref<8192xi32, #tpu.memory_space<vmem>>, vector<16xi32>,
      %mul3A_593 = arith.constant 256 : i32
      %mul3A_594 = arith.muli %scan3A_537, %mul3A_593 : i32
      %add3A_595 = arith.constant 144 : i32
      %add3A_596 = arith.addi %mul3A_594, %add3A_595 : i32
      %swap3A_597 = arith.index_cast %add3A_596 : i32 to index
      %swap3A_598 = tpu.vector_load %arg8[%swap3A_597] {strides = array<i32>} : memref<8192xi32, #tpu.memory_space<vmem>>, vector<16xi32>,
      tpu.vector_store %arg8[%swap3A_597], %broadcast_in_dim3A_9 {strides = array<i32>} : memref<8192xi32, #tpu.memory_space<vmem>>, vector<16xi32>,
      %mul3A_599 = arith.constant 256 : i32
      %mul3A_600 = arith.muli %scan3A_537, %mul3A_599 : i32
      %add3A_601 = arith.constant 160 : i32
      %add3A_602 = arith.addi %mul3A_600, %add3A_601 : i32
      %swap3A_603 = arith.index_cast %add3A_602 : i32 to index
      %swap3A_604 = tpu.vector_load %arg8[%swap3A_603] {strides = array<i32>} : memref<8192xi32, #tpu.memory_space<vmem>>, vector<16xi32>,
      tpu.vector_store %arg8[%swap3A_603], %broadcast_in_dim3A_9 {strides = array<i32>} : memref<8192xi32, #tpu.memory_space<vmem>>, vector<16xi32>,
      %mul3A_605 = arith.constant 256 : i32
      %mul3A_606 = arith.muli %scan3A_537, %mul3A_605 : i32
      %add3A_607 = arith.constant 176 : i32
      %add3A_608 = arith.addi %mul3A_606, %add3A_607 : i32
      %swap3A_609 = arith.index_cast %add3A_608 : i32 to index
      %swap3A_610 = tpu.vector_load %arg8[%swap3A_609] {strides = array<i32>} : memref<8192xi32, #tpu.memory_space<vmem>>, vector<16xi32>,
      tpu.vector_store %arg8[%swap3A_609], %broadcast_in_dim3A_9 {strides = array<i32>} : memref<8192xi32, #tpu.memory_space<vmem>>, vector<16xi32>,
      %mul3A_611 = arith.constant 256 : i32
      %mul3A_612 = arith.muli %scan3A_537, %mul3A_611 : i32
      %add3A_613 = arith.constant 192 : i32
      %add3A_614 = arith.addi %mul3A_612, %add3A_613 : i32
      %swap3A_615 = arith.index_cast %add3A_614 : i32 to index
      %swap3A_616 = tpu.vector_load %arg8[%swap3A_615] {strides = array<i32>} : memref<8192xi32, #tpu.memory_space<vmem>>, vector<16xi32>,
      tpu.vector_store %arg8[%swap3A_615], %broadcast_in_dim3A_9 {strides = array<i32>} : memref<8192xi32, #tpu.memory_space<vmem>>, vector<16xi32>,
      %mul3A_617 = arith.constant 256 : i32
      %mul3A_618 = arith.muli %scan3A_537, %mul3A_617 : i32
      %add3A_619 = arith.constant 208 : i32
      %add3A_620 = arith.addi %mul3A_618, %add3A_619 : i32
      %swap3A_621 = arith.index_cast %add3A_620 : i32 to index
      %swap3A_622 = tpu.vector_load %arg8[%swap3A_621] {strides = array<i32>} : memref<8192xi32, #tpu.memory_space<vmem>>, vector<16xi32>,
      tpu.vector_store %arg8[%swap3A_621], %broadcast_in_dim3A_9 {strides = array<i32>} : memref<8192xi32, #tpu.memory_space<vmem>>, vector<16xi32>,
      %mul3A_623 = arith.constant 256 : i32
      %mul3A_624 = arith.muli %scan3A_537, %mul3A_623 : i32
      %add3A_625 = arith.constant 224 : i32
      %add3A_626 = arith.addi %mul3A_624, %add3A_625 : i32
      %swap3A_627 = arith.index_cast %add3A_626 : i32 to index
      %swap3A_628 = tpu.vector_load %arg8[%swap3A_627] {strides = array<i32>} : memref<8192xi32, #tpu.memory_space<vmem>>, vector<16xi32>,
      tpu.vector_store %arg8[%swap3A_627], %broadcast_in_dim3A_9 {strides = array<i32>} : memref<8192xi32, #tpu.memory_space<vmem>>, vector<16xi32>,
      %mul3A_629 = arith.constant 256 : i32
      %mul3A_630 = arith.muli %scan3A_537, %mul3A_629 : i32
      %add3A_631 = arith.constant 240 : i32
      %add3A_632 = arith.addi %mul3A_630, %add3A_631 : i32
      %swap3A_633 = arith.index_cast %add3A_632 : i32 to index
      %swap3A_634 = tpu.vector_load %arg8[%swap3A_633] {strides = array<i32>} : memref<8192xi32, #tpu.memory_space<vmem>>, vector<16xi32>,
      tpu.vector_store %arg8[%swap3A_633], %broadcast_in_dim3A_9 {strides = array<i32>} : memref<8192xi32, #tpu.memory_space<vmem>>, vector<16xi32>,
      %scan3A_635 = arith.constant 0 : i32
      scf.yield %scan3A_635 : i32
    }
    %scan3A_28 = arith.constant 32 : i32
    %dma_wait3A = tpu.memref_slice %arg2[%mul3A_0] : memref<262144xf32, #tpu.memory_space<hbm>> -> memref<16384xf32, #tpu.memory_space<hbm>>
    %dma_wait3A_29 = tpu.memref_slice %arg2[%mul3A_0] : memref<262144xf32, #tpu.memory_space<hbm>> -> memref<16384xf32, #tpu.memory_space<hbm>>
    tpu.wait_dma2 semaphore(%arg20 : memref<!tpu.dma_semaphore, #tpu.memory_space<semaphore_mem>>) src(%dma_wait3A_29 : memref<16384xf32, #tpu.memory_space<hbm>>) dst(%arg6 : memref<16384xf32, #tpu.memory_space<vmem>>)
    %dma_wait3A_30 = tpu.memref_slice %arg3[%mul3A_3] : memref<262144xf32, #tpu.memory_space<hbm>> -> memref<16384xf32, #tpu.memory_space<hbm>>
    %dma_wait3A_31 = tpu.memref_slice %arg3[%mul3A_3] : memref<262144xf32, #tpu.memory_space<hbm>> -> memref<16384xf32, #tpu.memory_space<hbm>>
    tpu.wait_dma2 semaphore(%arg21 : memref<!tpu.dma_semaphore, #tpu.memory_space<semaphore_mem>>) src(%dma_wait3A_31 : memref<16384xf32, #tpu.memory_space<hbm>>) dst(%arg7 : memref<16384xf32, #tpu.memory_space<vmem>>)
    %scan3A_32 = arith.constant 0 : i32
    %scan3A_33 = arith.constant 0 : i32
    %scan3A_34 = arith.constant 64 : i32
    %scan3A_35 = arith.addi %scan3A_33, %scan3A_34 : i32
    %scan3A_36 = arith.constant 1 : i32
    %scan3A_37 = scf.for %scan3A_537 = %scan3A_33 to %scan3A_35 step %scan3A_36 iter_args(%scan3A_538 = %scan3A_32) -> (i32)  : i32 {
      %mul3A_539 = arith.constant 256 : i32
      %mul3A_540 = arith.muli %scan3A_537, %mul3A_539 : i32
      %add3A_541 = arith.constant 0 : i32
      %add3A_542 = arith.addi %mul3A_540, %add3A_541 : i32
      %get3A_543 = arith.index_cast %add3A_542 : i32 to index
      %get3A_544 = tpu.vector_load %arg6[%get3A_543] {strides = array<i32>} : memref<16384xf32, #tpu.memory_space<vmem>>, vector<16xf32>,
      %add3A_545 = arith.constant 16 : i32
      %add3A_546 = arith.addi %mul3A_540, %add3A_545 : i32
      %get3A_547 = arith.index_cast %add3A_546 : i32 to index
      %get3A_548 = tpu.vector_load %arg6[%get3A_547] {strides = array<i32>} : memref<16384xf32, #tpu.memory_space<vmem>>, vector<16xf32>,
      %add3A_549 = arith.constant 32 : i32
      %add3A_550 = arith.addi %mul3A_540, %add3A_549 : i32
      %get3A_551 = arith.index_cast %add3A_550 : i32 to index
      %get3A_552 = tpu.vector_load %arg6[%get3A_551] {strides = array<i32>} : memref<16384xf32, #tpu.memory_space<vmem>>, vector<16xf32>,
      %add3A_553 = arith.constant 48 : i32
      %add3A_554 = arith.addi %mul3A_540, %add3A_553 : i32
      %get3A_555 = arith.index_cast %add3A_554 : i32 to index
      %get3A_556 = tpu.vector_load %arg6[%get3A_555] {strides = array<i32>} : memref<16384xf32, #tpu.memory_space<vmem>>, vector<16xf32>,
      %add3A_557 = arith.constant 64 : i32
      %add3A_558 = arith.addi %mul3A_540, %add3A_557 : i32
      %get3A_559 = arith.index_cast %add3A_558 : i32 to index
      %get3A_560 = tpu.vector_load %arg6[%get3A_559] {strides = array<i32>} : memref<16384xf32, #tpu.memory_space<vmem>>, vector<16xf32>,
      %add3A_561 = arith.constant 80 : i32
      %add3A_562 = arith.addi %mul3A_540, %add3A_561 : i32
      %get3A_563 = arith.index_cast %add3A_562 : i32 to index
      %get3A_564 = tpu.vector_load %arg6[%get3A_563] {strides = array<i32>} : memref<16384xf32, #tpu.memory_space<vmem>>, vector<16xf32>,
      %add3A_565 = arith.constant 96 : i32
      %add3A_566 = arith.addi %mul3A_540, %add3A_565 : i32
      %get3A_567 = arith.index_cast %add3A_566 : i32 to index
      %get3A_568 = tpu.vector_load %arg6[%get3A_567] {strides = array<i32>} : memref<16384xf32, #tpu.memory_space<vmem>>, vector<16xf32>,
      %add3A_569 = arith.constant 112 : i32
      %add3A_570 = arith.addi %mul3A_540, %add3A_569 : i32
      %get3A_571 = arith.index_cast %add3A_570 : i32 to index
      %get3A_572 = tpu.vector_load %arg6[%get3A_571] {strides = array<i32>} : memref<16384xf32, #tpu.memory_space<vmem>>, vector<16xf32>,
      %add3A_573 = arith.constant 128 : i32
      %add3A_574 = arith.addi %mul3A_540, %add3A_573 : i32
      %get3A_575 = arith.index_cast %add3A_574 : i32 to index
      %get3A_576 = tpu.vector_load %arg6[%get3A_575] {strides = array<i32>} : memref<16384xf32, #tpu.memory_space<vmem>>, vector<16xf32>,
      %add3A_577 = arith.constant 144 : i32
      %add3A_578 = arith.addi %mul3A_540, %add3A_577 : i32
      %get3A_579 = arith.index_cast %add3A_578 : i32 to index
      %get3A_580 = tpu.vector_load %arg6[%get3A_579] {strides = array<i32>} : memref<16384xf32, #tpu.memory_space<vmem>>, vector<16xf32>,
      %add3A_581 = arith.constant 160 : i32
      %add3A_582 = arith.addi %mul3A_540, %add3A_581 : i32
      %get3A_583 = arith.index_cast %add3A_582 : i32 to index
      %get3A_584 = tpu.vector_load %arg6[%get3A_583] {strides = array<i32>} : memref<16384xf32, #tpu.memory_space<vmem>>, vector<16xf32>,
      %add3A_585 = arith.constant 176 : i32
      %add3A_586 = arith.addi %mul3A_540, %add3A_585 : i32
      %get3A_587 = arith.index_cast %add3A_586 : i32 to index
      %get3A_588 = tpu.vector_load %arg6[%get3A_587] {strides = array<i32>} : memref<16384xf32, #tpu.memory_space<vmem>>, vector<16xf32>,
      %add3A_589 = arith.constant 192 : i32
      %add3A_590 = arith.addi %mul3A_540, %add3A_589 : i32
      %get3A_591 = arith.index_cast %add3A_590 : i32 to index
      %get3A_592 = tpu.vector_load %arg6[%get3A_591] {strides = array<i32>} : memref<16384xf32, #tpu.memory_space<vmem>>, vector<16xf32>,
      %add3A_593 = arith.constant 208 : i32
      %add3A_594 = arith.addi %mul3A_540, %add3A_593 : i32
      %get3A_595 = arith.index_cast %add3A_594 : i32 to index
      %get3A_596 = tpu.vector_load %arg6[%get3A_595] {strides = array<i32>} : memref<16384xf32, #tpu.memory_space<vmem>>, vector<16xf32>,
      %add3A_597 = arith.constant 224 : i32
      %add3A_598 = arith.addi %mul3A_540, %add3A_597 : i32
      %get3A_599 = arith.index_cast %add3A_598 : i32 to index
      %get3A_600 = tpu.vector_load %arg6[%get3A_599] {strides = array<i32>} : memref<16384xf32, #tpu.memory_space<vmem>>, vector<16xf32>,
      %add3A_601 = arith.constant 240 : i32
      %add3A_602 = arith.addi %mul3A_540, %add3A_601 : i32
      %get3A_603 = arith.index_cast %add3A_602 : i32 to index
      %get3A_604 = tpu.vector_load %arg6[%get3A_603] {strides = array<i32>} : memref<16384xf32, #tpu.memory_space<vmem>>, vector<16xf32>,
      %add3A_605 = arith.constant 0 : i32
      %add3A_606 = arith.addi %mul3A_540, %add3A_605 : i32
      %get3A_607 = arith.index_cast %add3A_606 : i32 to index
      %get3A_608 = tpu.vector_load %arg7[%get3A_607] {strides = array<i32>} : memref<16384xf32, #tpu.memory_space<vmem>>, vector<16xf32>,
      %add3A_609 = arith.constant 16 : i32
      %add3A_610 = arith.addi %mul3A_540, %add3A_609 : i32
      %get3A_611 = arith.index_cast %add3A_610 : i32 to index
      %get3A_612 = tpu.vector_load %arg7[%get3A_611] {strides = array<i32>} : memref<16384xf32, #tpu.memory_space<vmem>>, vector<16xf32>,
      %add3A_613 = arith.constant 32 : i32
      %add3A_614 = arith.addi %mul3A_540, %add3A_613 : i32
      %get3A_615 = arith.index_cast %add3A_614 : i32 to index
      %get3A_616 = tpu.vector_load %arg7[%get3A_615] {strides = array<i32>} : memref<16384xf32, #tpu.memory_space<vmem>>, vector<16xf32>,
      %add3A_617 = arith.constant 48 : i32
      %add3A_618 = arith.addi %mul3A_540, %add3A_617 : i32
      %get3A_619 = arith.index_cast %add3A_618 : i32 to index
      %get3A_620 = tpu.vector_load %arg7[%get3A_619] {strides = array<i32>} : memref<16384xf32, #tpu.memory_space<vmem>>, vector<16xf32>,
      %add3A_621 = arith.constant 64 : i32
      %add3A_622 = arith.addi %mul3A_540, %add3A_621 : i32
      %get3A_623 = arith.index_cast %add3A_622 : i32 to index
      %get3A_624 = tpu.vector_load %arg7[%get3A_623] {strides = array<i32>} : memref<16384xf32, #tpu.memory_space<vmem>>, vector<16xf32>,
      %add3A_625 = arith.constant 80 : i32
      %add3A_626 = arith.addi %mul3A_540, %add3A_625 : i32
      %get3A_627 = arith.index_cast %add3A_626 : i32 to index
      %get3A_628 = tpu.vector_load %arg7[%get3A_627] {strides = array<i32>} : memref<16384xf32, #tpu.memory_space<vmem>>, vector<16xf32>,
      %add3A_629 = arith.constant 96 : i32
      %add3A_630 = arith.addi %mul3A_540, %add3A_629 : i32
      %get3A_631 = arith.index_cast %add3A_630 : i32 to index
      %get3A_632 = tpu.vector_load %arg7[%get3A_631] {strides = array<i32>} : memref<16384xf32, #tpu.memory_space<vmem>>, vector<16xf32>,
      %add3A_633 = arith.constant 112 : i32
      %add3A_634 = arith.addi %mul3A_540, %add3A_633 : i32
      %get3A_635 = arith.index_cast %add3A_634 : i32 to index
      %get3A_636 = tpu.vector_load %arg7[%get3A_635] {strides = array<i32>} : memref<16384xf32, #tpu.memory_space<vmem>>, vector<16xf32>,
      %add3A_637 = arith.constant 128 : i32
      %add3A_638 = arith.addi %mul3A_540, %add3A_637 : i32
      %get3A_639 = arith.index_cast %add3A_638 : i32 to index
      %get3A_640 = tpu.vector_load %arg7[%get3A_639] {strides = array<i32>} : memref<16384xf32, #tpu.memory_space<vmem>>, vector<16xf32>,
      %add3A_641 = arith.constant 144 : i32
      %add3A_642 = arith.addi %mul3A_540, %add3A_641 : i32
      %get3A_643 = arith.index_cast %add3A_642 : i32 to index
      %get3A_644 = tpu.vector_load %arg7[%get3A_643] {strides = array<i32>} : memref<16384xf32, #tpu.memory_space<vmem>>, vector<16xf32>,
      %add3A_645 = arith.constant 160 : i32
      %add3A_646 = arith.addi %mul3A_540, %add3A_645 : i32
      %get3A_647 = arith.index_cast %add3A_646 : i32 to index
      %get3A_648 = tpu.vector_load %arg7[%get3A_647] {strides = array<i32>} : memref<16384xf32, #tpu.memory_space<vmem>>, vector<16xf32>,
      %add3A_649 = arith.constant 176 : i32
      %add3A_650 = arith.addi %mul3A_540, %add3A_649 : i32
      %get3A_651 = arith.index_cast %add3A_650 : i32 to index
      %get3A_652 = tpu.vector_load %arg7[%get3A_651] {strides = array<i32>} : memref<16384xf32, #tpu.memory_space<vmem>>, vector<16xf32>,
      %add3A_653 = arith.constant 192 : i32
      %add3A_654 = arith.addi %mul3A_540, %add3A_653 : i32
      %get3A_655 = arith.index_cast %add3A_654 : i32 to index
      %get3A_656 = tpu.vector_load %arg7[%get3A_655] {strides = array<i32>} : memref<16384xf32, #tpu.memory_space<vmem>>, vector<16xf32>,
      %add3A_657 = arith.constant 208 : i32
      %add3A_658 = arith.addi %mul3A_540, %add3A_657 : i32
      %get3A_659 = arith.index_cast %add3A_658 : i32 to index
      %get3A_660 = tpu.vector_load %arg7[%get3A_659] {strides = array<i32>} : memref<16384xf32, #tpu.memory_space<vmem>>, vector<16xf32>,
      %add3A_661 = arith.constant 224 : i32
      %add3A_662 = arith.addi %mul3A_540, %add3A_661 : i32
      %get3A_663 = arith.index_cast %add3A_662 : i32 to index
      %get3A_664 = tpu.vector_load %arg7[%get3A_663] {strides = array<i32>} : memref<16384xf32, #tpu.memory_space<vmem>>, vector<16xf32>,
      %add3A_665 = arith.constant 240 : i32
      %add3A_666 = arith.addi %mul3A_540, %add3A_665 : i32
      %get3A_667 = arith.index_cast %add3A_666 : i32 to index
      %get3A_668 = tpu.vector_load %arg7[%get3A_667] {strides = array<i32>} : memref<16384xf32, #tpu.memory_space<vmem>>, vector<16xf32>,
      %mul3A_669 = arith.constant 2.560000e+02 : f32
      %mul3A_670 = vector.broadcast %mul3A_669 : f32 to vector<16xf32>
      %mul3A_671 = arith.mulf %get3A_544, %mul3A_670 : vector<16xf32>
      %convert_element_type3A_672 = arith.fptosi %mul3A_671 : vector<16xf32> to vector<16xi32>
      %jit3A = arith.constant 0 : i32
      %jit3A_673 = arith.constant 255 : i32
      %max3A = vector.broadcast %jit3A : i32 to vector<16xi32>
      %max3A_674 = arith.maxsi %max3A, %convert_element_type3A_672 : vector<16xi32>
      %min3A = vector.broadcast %jit3A_673 : i32 to vector<16xi32>
      %min3A_675 = arith.minsi %min3A, %max3A_674 : vector<16xi32>
      %add3A_676 = arith.addi %mul3A_8, %min3A_675 : vector<16xi32>
      %mul3A_677 = arith.constant 2.560000e+02 : f32
      %mul3A_678 = vector.broadcast %mul3A_677 : f32 to vector<16xf32>
      %mul3A_679 = arith.mulf %get3A_548, %mul3A_678 : vector<16xf32>
      %convert_element_type3A_680 = arith.fptosi %mul3A_679 : vector<16xf32> to vector<16xi32>
      %jit3A_681 = arith.constant 0 : i32
      %jit3A_682 = arith.constant 255 : i32
      %max3A_683 = vector.broadcast %jit3A_681 : i32 to vector<16xi32>
      %max3A_684 = arith.maxsi %max3A_683, %convert_element_type3A_680 : vector<16xi32>
      %min3A_685 = vector.broadcast %jit3A_682 : i32 to vector<16xi32>
      %min3A_686 = arith.minsi %min3A_685, %max3A_684 : vector<16xi32>
      %add3A_687 = arith.addi %mul3A_8, %min3A_686 : vector<16xi32>
      %mul3A_688 = arith.constant 2.560000e+02 : f32
      %mul3A_689 = vector.broadcast %mul3A_688 : f32 to vector<16xf32>
      %mul3A_690 = arith.mulf %get3A_552, %mul3A_689 : vector<16xf32>
      %convert_element_type3A_691 = arith.fptosi %mul3A_690 : vector<16xf32> to vector<16xi32>
      %jit3A_692 = arith.constant 0 : i32
      %jit3A_693 = arith.constant 255 : i32
      %max3A_694 = vector.broadcast %jit3A_692 : i32 to vector<16xi32>
      %max3A_695 = arith.maxsi %max3A_694, %convert_element_type3A_691 : vector<16xi32>
      %min3A_696 = vector.broadcast %jit3A_693 : i32 to vector<16xi32>
      %min3A_697 = arith.minsi %min3A_696, %max3A_695 : vector<16xi32>
      %add3A_698 = arith.addi %mul3A_8, %min3A_697 : vector<16xi32>
      %mul3A_699 = arith.constant 2.560000e+02 : f32
      %mul3A_700 = vector.broadcast %mul3A_699 : f32 to vector<16xf32>
      %mul3A_701 = arith.mulf %get3A_556, %mul3A_700 : vector<16xf32>
      %convert_element_type3A_702 = arith.fptosi %mul3A_701 : vector<16xf32> to vector<16xi32>
      %jit3A_703 = arith.constant 0 : i32
      %jit3A_704 = arith.constant 255 : i32
      %max3A_705 = vector.broadcast %jit3A_703 : i32 to vector<16xi32>
      %max3A_706 = arith.maxsi %max3A_705, %convert_element_type3A_702 : vector<16xi32>
      %min3A_707 = vector.broadcast %jit3A_704 : i32 to vector<16xi32>
      %min3A_708 = arith.minsi %min3A_707, %max3A_706 : vector<16xi32>
      %add3A_709 = arith.addi %mul3A_8, %min3A_708 : vector<16xi32>
      %mul3A_710 = arith.constant 2.560000e+02 : f32
      %mul3A_711 = vector.broadcast %mul3A_710 : f32 to vector<16xf32>
      %mul3A_712 = arith.mulf %get3A_560, %mul3A_711 : vector<16xf32>
      %convert_element_type3A_713 = arith.fptosi %mul3A_712 : vector<16xf32> to vector<16xi32>
      %jit3A_714 = arith.constant 0 : i32
      %jit3A_715 = arith.constant 255 : i32
      %max3A_716 = vector.broadcast %jit3A_714 : i32 to vector<16xi32>
      %max3A_717 = arith.maxsi %max3A_716, %convert_element_type3A_713 : vector<16xi32>
      %min3A_718 = vector.broadcast %jit3A_715 : i32 to vector<16xi32>
      %min3A_719 = arith.minsi %min3A_718, %max3A_717 : vector<16xi32>
      %add3A_720 = arith.addi %mul3A_8, %min3A_719 : vector<16xi32>
      %mul3A_721 = arith.constant 2.560000e+02 : f32
      %mul3A_722 = vector.broadcast %mul3A_721 : f32 to vector<16xf32>
      %mul3A_723 = arith.mulf %get3A_564, %mul3A_722 : vector<16xf32>
      %convert_element_type3A_724 = arith.fptosi %mul3A_723 : vector<16xf32> to vector<16xi32>
      %jit3A_725 = arith.constant 0 : i32
      %jit3A_726 = arith.constant 255 : i32
      %max3A_727 = vector.broadcast %jit3A_725 : i32 to vector<16xi32>
      %max3A_728 = arith.maxsi %max3A_727, %convert_element_type3A_724 : vector<16xi32>
      %min3A_729 = vector.broadcast %jit3A_726 : i32 to vector<16xi32>
      %min3A_730 = arith.minsi %min3A_729, %max3A_728 : vector<16xi32>
      %add3A_731 = arith.addi %mul3A_8, %min3A_730 : vector<16xi32>
      %mul3A_732 = arith.constant 2.560000e+02 : f32
      %mul3A_733 = vector.broadcast %mul3A_732 : f32 to vector<16xf32>
      %mul3A_734 = arith.mulf %get3A_568, %mul3A_733 : vector<16xf32>
      %convert_element_type3A_735 = arith.fptosi %mul3A_734 : vector<16xf32> to vector<16xi32>
      %jit3A_736 = arith.constant 0 : i32
      %jit3A_737 = arith.constant 255 : i32
      %max3A_738 = vector.broadcast %jit3A_736 : i32 to vector<16xi32>
      %max3A_739 = arith.maxsi %max3A_738, %convert_element_type3A_735 : vector<16xi32>
      %min3A_740 = vector.broadcast %jit3A_737 : i32 to vector<16xi32>
      %min3A_741 = arith.minsi %min3A_740, %max3A_739 : vector<16xi32>
      %add3A_742 = arith.addi %mul3A_8, %min3A_741 : vector<16xi32>
      %mul3A_743 = arith.constant 2.560000e+02 : f32
      %mul3A_744 = vector.broadcast %mul3A_743 : f32 to vector<16xf32>
      %mul3A_745 = arith.mulf %get3A_572, %mul3A_744 : vector<16xf32>
      %convert_element_type3A_746 = arith.fptosi %mul3A_745 : vector<16xf32> to vector<16xi32>
      %jit3A_747 = arith.constant 0 : i32
      %jit3A_748 = arith.constant 255 : i32
      %max3A_749 = vector.broadcast %jit3A_747 : i32 to vector<16xi32>
      %max3A_750 = arith.maxsi %max3A_749, %convert_element_type3A_746 : vector<16xi32>
      %min3A_751 = vector.broadcast %jit3A_748 : i32 to vector<16xi32>
      %min3A_752 = arith.minsi %min3A_751, %max3A_750 : vector<16xi32>
      %add3A_753 = arith.addi %mul3A_8, %min3A_752 : vector<16xi32>
      %mul3A_754 = arith.constant 2.560000e+02 : f32
      %mul3A_755 = vector.broadcast %mul3A_754 : f32 to vector<16xf32>
      %mul3A_756 = arith.mulf %get3A_576, %mul3A_755 : vector<16xf32>
      %convert_element_type3A_757 = arith.fptosi %mul3A_756 : vector<16xf32> to vector<16xi32>
      %jit3A_758 = arith.constant 0 : i32
      %jit3A_759 = arith.constant 255 : i32
      %max3A_760 = vector.broadcast %jit3A_758 : i32 to vector<16xi32>
      %max3A_761 = arith.maxsi %max3A_760, %convert_element_type3A_757 : vector<16xi32>
      %min3A_762 = vector.broadcast %jit3A_759 : i32 to vector<16xi32>
      %min3A_763 = arith.minsi %min3A_762, %max3A_761 : vector<16xi32>
      %add3A_764 = arith.addi %mul3A_8, %min3A_763 : vector<16xi32>
      %mul3A_765 = arith.constant 2.560000e+02 : f32
      %mul3A_766 = vector.broadcast %mul3A_765 : f32 to vector<16xf32>
      %mul3A_767 = arith.mulf %get3A_580, %mul3A_766 : vector<16xf32>
      %convert_element_type3A_768 = arith.fptosi %mul3A_767 : vector<16xf32> to vector<16xi32>
      %jit3A_769 = arith.constant 0 : i32
      %jit3A_770 = arith.constant 255 : i32
      %max3A_771 = vector.broadcast %jit3A_769 : i32 to vector<16xi32>
      %max3A_772 = arith.maxsi %max3A_771, %convert_element_type3A_768 : vector<16xi32>
      %min3A_773 = vector.broadcast %jit3A_770 : i32 to vector<16xi32>
      %min3A_774 = arith.minsi %min3A_773, %max3A_772 : vector<16xi32>
      %add3A_775 = arith.addi %mul3A_8, %min3A_774 : vector<16xi32>
      %mul3A_776 = arith.constant 2.560000e+02 : f32
      %mul3A_777 = vector.broadcast %mul3A_776 : f32 to vector<16xf32>
      %mul3A_778 = arith.mulf %get3A_584, %mul3A_777 : vector<16xf32>
      %convert_element_type3A_779 = arith.fptosi %mul3A_778 : vector<16xf32> to vector<16xi32>
      %jit3A_780 = arith.constant 0 : i32
      %jit3A_781 = arith.constant 255 : i32
      %max3A_782 = vector.broadcast %jit3A_780 : i32 to vector<16xi32>
      %max3A_783 = arith.maxsi %max3A_782, %convert_element_type3A_779 : vector<16xi32>
      %min3A_784 = vector.broadcast %jit3A_781 : i32 to vector<16xi32>
      %min3A_785 = arith.minsi %min3A_784, %max3A_783 : vector<16xi32>
      %add3A_786 = arith.addi %mul3A_8, %min3A_785 : vector<16xi32>
      %mul3A_787 = arith.constant 2.560000e+02 : f32
      %mul3A_788 = vector.broadcast %mul3A_787 : f32 to vector<16xf32>
      %mul3A_789 = arith.mulf %get3A_588, %mul3A_788 : vector<16xf32>
      %convert_element_type3A_790 = arith.fptosi %mul3A_789 : vector<16xf32> to vector<16xi32>
      %jit3A_791 = arith.constant 0 : i32
      %jit3A_792 = arith.constant 255 : i32
      %max3A_793 = vector.broadcast %jit3A_791 : i32 to vector<16xi32>
      %max3A_794 = arith.maxsi %max3A_793, %convert_element_type3A_790 : vector<16xi32>
      %min3A_795 = vector.broadcast %jit3A_792 : i32 to vector<16xi32>
      %min3A_796 = arith.minsi %min3A_795, %max3A_794 : vector<16xi32>
      %add3A_797 = arith.addi %mul3A_8, %min3A_796 : vector<16xi32>
      %mul3A_798 = arith.constant 2.560000e+02 : f32
      %mul3A_799 = vector.broadcast %mul3A_798 : f32 to vector<16xf32>
      %mul3A_800 = arith.mulf %get3A_592, %mul3A_799 : vector<16xf32>
      %convert_element_type3A_801 = arith.fptosi %mul3A_800 : vector<16xf32> to vector<16xi32>
      %jit3A_802 = arith.constant 0 : i32
      %jit3A_803 = arith.constant 255 : i32
      %max3A_804 = vector.broadcast %jit3A_802 : i32 to vector<16xi32>
      %max3A_805 = arith.maxsi %max3A_804, %convert_element_type3A_801 : vector<16xi32>
      %min3A_806 = vector.broadcast %jit3A_803 : i32 to vector<16xi32>
      %min3A_807 = arith.minsi %min3A_806, %max3A_805 : vector<16xi32>
      %add3A_808 = arith.addi %mul3A_8, %min3A_807 : vector<16xi32>
      %mul3A_809 = arith.constant 2.560000e+02 : f32
      %mul3A_810 = vector.broadcast %mul3A_809 : f32 to vector<16xf32>
      %mul3A_811 = arith.mulf %get3A_596, %mul3A_810 : vector<16xf32>
      %convert_element_type3A_812 = arith.fptosi %mul3A_811 : vector<16xf32> to vector<16xi32>
      %jit3A_813 = arith.constant 0 : i32
      %jit3A_814 = arith.constant 255 : i32
      %max3A_815 = vector.broadcast %jit3A_813 : i32 to vector<16xi32>
      %max3A_816 = arith.maxsi %max3A_815, %convert_element_type3A_812 : vector<16xi32>
      %min3A_817 = vector.broadcast %jit3A_814 : i32 to vector<16xi32>
      %min3A_818 = arith.minsi %min3A_817, %max3A_816 : vector<16xi32>
      %add3A_819 = arith.addi %mul3A_8, %min3A_818 : vector<16xi32>
      %mul3A_820 = arith.constant 2.560000e+02 : f32
      %mul3A_821 = vector.broadcast %mul3A_820 : f32 to vector<16xf32>
      %mul3A_822 = arith.mulf %get3A_600, %mul3A_821 : vector<16xf32>
      %convert_element_type3A_823 = arith.fptosi %mul3A_822 : vector<16xf32> to vector<16xi32>
      %jit3A_824 = arith.constant 0 : i32
      %jit3A_825 = arith.constant 255 : i32
      %max3A_826 = vector.broadcast %jit3A_824 : i32 to vector<16xi32>
      %max3A_827 = arith.maxsi %max3A_826, %convert_element_type3A_823 : vector<16xi32>
      %min3A_828 = vector.broadcast %jit3A_825 : i32 to vector<16xi32>
      %min3A_829 = arith.minsi %min3A_828, %max3A_827 : vector<16xi32>
      %add3A_830 = arith.addi %mul3A_8, %min3A_829 : vector<16xi32>
      %mul3A_831 = arith.constant 2.560000e+02 : f32
      %mul3A_832 = vector.broadcast %mul3A_831 : f32 to vector<16xf32>
      %mul3A_833 = arith.mulf %get3A_604, %mul3A_832 : vector<16xf32>
      %convert_element_type3A_834 = arith.fptosi %mul3A_833 : vector<16xf32> to vector<16xi32>
      %jit3A_835 = arith.constant 0 : i32
      %jit3A_836 = arith.constant 255 : i32
      %max3A_837 = vector.broadcast %jit3A_835 : i32 to vector<16xi32>
      %max3A_838 = arith.maxsi %max3A_837, %convert_element_type3A_834 : vector<16xi32>
      %min3A_839 = vector.broadcast %jit3A_836 : i32 to vector<16xi32>
      %min3A_840 = arith.minsi %min3A_839, %max3A_838 : vector<16xi32>
      %add3A_841 = arith.addi %mul3A_8, %min3A_840 : vector<16xi32>
      %mul3A_842 = arith.constant 2.560000e+02 : f32
      %mul3A_843 = vector.broadcast %mul3A_842 : f32 to vector<16xf32>
      %mul3A_844 = arith.mulf %get3A_608, %mul3A_843 : vector<16xf32>
      %convert_element_type3A_845 = arith.fptosi %mul3A_844 : vector<16xf32> to vector<16xi32>
      %jit3A_846 = arith.constant 0 : i32
      %jit3A_847 = arith.constant 255 : i32
      %max3A_848 = vector.broadcast %jit3A_846 : i32 to vector<16xi32>
      %max3A_849 = arith.maxsi %max3A_848, %convert_element_type3A_845 : vector<16xi32>
      %min3A_850 = vector.broadcast %jit3A_847 : i32 to vector<16xi32>
      %min3A_851 = arith.minsi %min3A_850, %max3A_849 : vector<16xi32>
      %add3A_852 = arith.addi %mul3A_8, %min3A_851 : vector<16xi32>
      %add3A_853 = arith.constant 4096 : i32
      %add3A_854 = vector.broadcast %add3A_853 : i32 to vector<16xi32>
      %add3A_855 = arith.addi %add3A_852, %add3A_854 : vector<16xi32>
      %mul3A_856 = arith.constant 2.560000e+02 : f32
      %mul3A_857 = vector.broadcast %mul3A_856 : f32 to vector<16xf32>
      %mul3A_858 = arith.mulf %get3A_612, %mul3A_857 : vector<16xf32>
      %convert_element_type3A_859 = arith.fptosi %mul3A_858 : vector<16xf32> to vector<16xi32>
      %jit3A_860 = arith.constant 0 : i32
      %jit3A_861 = arith.constant 255 : i32
      %max3A_862 = vector.broadcast %jit3A_860 : i32 to vector<16xi32>
      %max3A_863 = arith.maxsi %max3A_862, %convert_element_type3A_859 : vector<16xi32>
      %min3A_864 = vector.broadcast %jit3A_861 : i32 to vector<16xi32>
      %min3A_865 = arith.minsi %min3A_864, %max3A_863 : vector<16xi32>
      %add3A_866 = arith.addi %mul3A_8, %min3A_865 : vector<16xi32>
      %add3A_867 = arith.constant 4096 : i32
      %add3A_868 = vector.broadcast %add3A_867 : i32 to vector<16xi32>
      %add3A_869 = arith.addi %add3A_866, %add3A_868 : vector<16xi32>
      %mul3A_870 = arith.constant 2.560000e+02 : f32
      %mul3A_871 = vector.broadcast %mul3A_870 : f32 to vector<16xf32>
      %mul3A_872 = arith.mulf %get3A_616, %mul3A_871 : vector<16xf32>
      %convert_element_type3A_873 = arith.fptosi %mul3A_872 : vector<16xf32> to vector<16xi32>
      %jit3A_874 = arith.constant 0 : i32
      %jit3A_875 = arith.constant 255 : i32
      %max3A_876 = vector.broadcast %jit3A_874 : i32 to vector<16xi32>
      %max3A_877 = arith.maxsi %max3A_876, %convert_element_type3A_873 : vector<16xi32>
      %min3A_878 = vector.broadcast %jit3A_875 : i32 to vector<16xi32>
      %min3A_879 = arith.minsi %min3A_878, %max3A_877 : vector<16xi32>
      %add3A_880 = arith.addi %mul3A_8, %min3A_879 : vector<16xi32>
      %add3A_881 = arith.constant 4096 : i32
      %add3A_882 = vector.broadcast %add3A_881 : i32 to vector<16xi32>
      %add3A_883 = arith.addi %add3A_880, %add3A_882 : vector<16xi32>
      %mul3A_884 = arith.constant 2.560000e+02 : f32
      %mul3A_885 = vector.broadcast %mul3A_884 : f32 to vector<16xf32>
      %mul3A_886 = arith.mulf %get3A_620, %mul3A_885 : vector<16xf32>
      %convert_element_type3A_887 = arith.fptosi %mul3A_886 : vector<16xf32> to vector<16xi32>
      %jit3A_888 = arith.constant 0 : i32
      %jit3A_889 = arith.constant 255 : i32
      %max3A_890 = vector.broadcast %jit3A_888 : i32 to vector<16xi32>
      %max3A_891 = arith.maxsi %max3A_890, %convert_element_type3A_887 : vector<16xi32>
      %min3A_892 = vector.broadcast %jit3A_889 : i32 to vector<16xi32>
      %min3A_893 = arith.minsi %min3A_892, %max3A_891 : vector<16xi32>
      %add3A_894 = arith.addi %mul3A_8, %min3A_893 : vector<16xi32>
      %add3A_895 = arith.constant 4096 : i32
      %add3A_896 = vector.broadcast %add3A_895 : i32 to vector<16xi32>
      %add3A_897 = arith.addi %add3A_894, %add3A_896 : vector<16xi32>
      %mul3A_898 = arith.constant 2.560000e+02 : f32
      %mul3A_899 = vector.broadcast %mul3A_898 : f32 to vector<16xf32>
      %mul3A_900 = arith.mulf %get3A_624, %mul3A_899 : vector<16xf32>
      %convert_element_type3A_901 = arith.fptosi %mul3A_900 : vector<16xf32> to vector<16xi32>
      %jit3A_902 = arith.constant 0 : i32
      %jit3A_903 = arith.constant 255 : i32
      %max3A_904 = vector.broadcast %jit3A_902 : i32 to vector<16xi32>
      %max3A_905 = arith.maxsi %max3A_904, %convert_element_type3A_901 : vector<16xi32>
      %min3A_906 = vector.broadcast %jit3A_903 : i32 to vector<16xi32>
      %min3A_907 = arith.minsi %min3A_906, %max3A_905 : vector<16xi32>
      %add3A_908 = arith.addi %mul3A_8, %min3A_907 : vector<16xi32>
      %add3A_909 = arith.constant 4096 : i32
      %add3A_910 = vector.broadcast %add3A_909 : i32 to vector<16xi32>
      %add3A_911 = arith.addi %add3A_908, %add3A_910 : vector<16xi32>
      %mul3A_912 = arith.constant 2.560000e+02 : f32
      %mul3A_913 = vector.broadcast %mul3A_912 : f32 to vector<16xf32>
      %mul3A_914 = arith.mulf %get3A_628, %mul3A_913 : vector<16xf32>
      %convert_element_type3A_915 = arith.fptosi %mul3A_914 : vector<16xf32> to vector<16xi32>
      %jit3A_916 = arith.constant 0 : i32
      %jit3A_917 = arith.constant 255 : i32
      %max3A_918 = vector.broadcast %jit3A_916 : i32 to vector<16xi32>
      %max3A_919 = arith.maxsi %max3A_918, %convert_element_type3A_915 : vector<16xi32>
      %min3A_920 = vector.broadcast %jit3A_917 : i32 to vector<16xi32>
      %min3A_921 = arith.minsi %min3A_920, %max3A_919 : vector<16xi32>
      %add3A_922 = arith.addi %mul3A_8, %min3A_921 : vector<16xi32>
      %add3A_923 = arith.constant 4096 : i32
      %add3A_924 = vector.broadcast %add3A_923 : i32 to vector<16xi32>
      %add3A_925 = arith.addi %add3A_922, %add3A_924 : vector<16xi32>
      %mul3A_926 = arith.constant 2.560000e+02 : f32
      %mul3A_927 = vector.broadcast %mul3A_926 : f32 to vector<16xf32>
      %mul3A_928 = arith.mulf %get3A_632, %mul3A_927 : vector<16xf32>
      %convert_element_type3A_929 = arith.fptosi %mul3A_928 : vector<16xf32> to vector<16xi32>
      %jit3A_930 = arith.constant 0 : i32
      %jit3A_931 = arith.constant 255 : i32
      %max3A_932 = vector.broadcast %jit3A_930 : i32 to vector<16xi32>
      %max3A_933 = arith.maxsi %max3A_932, %convert_element_type3A_929 : vector<16xi32>
      %min3A_934 = vector.broadcast %jit3A_931 : i32 to vector<16xi32>
      %min3A_935 = arith.minsi %min3A_934, %max3A_933 : vector<16xi32>
      %add3A_936 = arith.addi %mul3A_8, %min3A_935 : vector<16xi32>
      %add3A_937 = arith.constant 4096 : i32
      %add3A_938 = vector.broadcast %add3A_937 : i32 to vector<16xi32>
      %add3A_939 = arith.addi %add3A_936, %add3A_938 : vector<16xi32>
      %mul3A_940 = arith.constant 2.560000e+02 : f32
      %mul3A_941 = vector.broadcast %mul3A_940 : f32 to vector<16xf32>
      %mul3A_942 = arith.mulf %get3A_636, %mul3A_941 : vector<16xf32>
      %convert_element_type3A_943 = arith.fptosi %mul3A_942 : vector<16xf32> to vector<16xi32>
      %jit3A_944 = arith.constant 0 : i32
      %jit3A_945 = arith.constant 255 : i32
      %max3A_946 = vector.broadcast %jit3A_944 : i32 to vector<16xi32>
      %max3A_947 = arith.maxsi %max3A_946, %convert_element_type3A_943 : vector<16xi32>
      %min3A_948 = vector.broadcast %jit3A_945 : i32 to vector<16xi32>
      %min3A_949 = arith.minsi %min3A_948, %max3A_947 : vector<16xi32>
      %add3A_950 = arith.addi %mul3A_8, %min3A_949 : vector<16xi32>
      %add3A_951 = arith.constant 4096 : i32
      %add3A_952 = vector.broadcast %add3A_951 : i32 to vector<16xi32>
      %add3A_953 = arith.addi %add3A_950, %add3A_952 : vector<16xi32>
      %mul3A_954 = arith.constant 2.560000e+02 : f32
      %mul3A_955 = vector.broadcast %mul3A_954 : f32 to vector<16xf32>
      %mul3A_956 = arith.mulf %get3A_640, %mul3A_955 : vector<16xf32>
      %convert_element_type3A_957 = arith.fptosi %mul3A_956 : vector<16xf32> to vector<16xi32>
      %jit3A_958 = arith.constant 0 : i32
      %jit3A_959 = arith.constant 255 : i32
      %max3A_960 = vector.broadcast %jit3A_958 : i32 to vector<16xi32>
      %max3A_961 = arith.maxsi %max3A_960, %convert_element_type3A_957 : vector<16xi32>
      %min3A_962 = vector.broadcast %jit3A_959 : i32 to vector<16xi32>
      %min3A_963 = arith.minsi %min3A_962, %max3A_961 : vector<16xi32>
      %add3A_964 = arith.addi %mul3A_8, %min3A_963 : vector<16xi32>
      %add3A_965 = arith.constant 4096 : i32
      %add3A_966 = vector.broadcast %add3A_965 : i32 to vector<16xi32>
      %add3A_967 = arith.addi %add3A_964, %add3A_966 : vector<16xi32>
      %mul3A_968 = arith.constant 2.560000e+02 : f32
      %mul3A_969 = vector.broadcast %mul3A_968 : f32 to vector<16xf32>
      %mul3A_970 = arith.mulf %get3A_644, %mul3A_969 : vector<16xf32>
      %convert_element_type3A_971 = arith.fptosi %mul3A_970 : vector<16xf32> to vector<16xi32>
      %jit3A_972 = arith.constant 0 : i32
      %jit3A_973 = arith.constant 255 : i32
      %max3A_974 = vector.broadcast %jit3A_972 : i32 to vector<16xi32>
      %max3A_975 = arith.maxsi %max3A_974, %convert_element_type3A_971 : vector<16xi32>
      %min3A_976 = vector.broadcast %jit3A_973 : i32 to vector<16xi32>
      %min3A_977 = arith.minsi %min3A_976, %max3A_975 : vector<16xi32>
      %add3A_978 = arith.addi %mul3A_8, %min3A_977 : vector<16xi32>
      %add3A_979 = arith.constant 4096 : i32
      %add3A_980 = vector.broadcast %add3A_979 : i32 to vector<16xi32>
      %add3A_981 = arith.addi %add3A_978, %add3A_980 : vector<16xi32>
      %mul3A_982 = arith.constant 2.560000e+02 : f32
      %mul3A_983 = vector.broadcast %mul3A_982 : f32 to vector<16xf32>
      %mul3A_984 = arith.mulf %get3A_648, %mul3A_983 : vector<16xf32>
      %convert_element_type3A_985 = arith.fptosi %mul3A_984 : vector<16xf32> to vector<16xi32>
      %jit3A_986 = arith.constant 0 : i32
      %jit3A_987 = arith.constant 255 : i32
      %max3A_988 = vector.broadcast %jit3A_986 : i32 to vector<16xi32>
      %max3A_989 = arith.maxsi %max3A_988, %convert_element_type3A_985 : vector<16xi32>
      %min3A_990 = vector.broadcast %jit3A_987 : i32 to vector<16xi32>
      %min3A_991 = arith.minsi %min3A_990, %max3A_989 : vector<16xi32>
      %add3A_992 = arith.addi %mul3A_8, %min3A_991 : vector<16xi32>
      %add3A_993 = arith.constant 4096 : i32
      %add3A_994 = vector.broadcast %add3A_993 : i32 to vector<16xi32>
      %add3A_995 = arith.addi %add3A_992, %add3A_994 : vector<16xi32>
      %mul3A_996 = arith.constant 2.560000e+02 : f32
      %mul3A_997 = vector.broadcast %mul3A_996 : f32 to vector<16xf32>
      %mul3A_998 = arith.mulf %get3A_652, %mul3A_997 : vector<16xf32>
      %convert_element_type3A_999 = arith.fptosi %mul3A_998 : vector<16xf32> to vector<16xi32>
      %jit3A_1000 = arith.constant 0 : i32
      %jit3A_1001 = arith.constant 255 : i32
      %max3A_1002 = vector.broadcast %jit3A_1000 : i32 to vector<16xi32>
      %max3A_1003 = arith.maxsi %max3A_1002, %convert_element_type3A_999 : vector<16xi32>
      %min3A_1004 = vector.broadcast %jit3A_1001 : i32 to vector<16xi32>
      %min3A_1005 = arith.minsi %min3A_1004, %max3A_1003 : vector<16xi32>
      %add3A_1006 = arith.addi %mul3A_8, %min3A_1005 : vector<16xi32>
      %add3A_1007 = arith.constant 4096 : i32
      %add3A_1008 = vector.broadcast %add3A_1007 : i32 to vector<16xi32>
      %add3A_1009 = arith.addi %add3A_1006, %add3A_1008 : vector<16xi32>
      %mul3A_1010 = arith.constant 2.560000e+02 : f32
      %mul3A_1011 = vector.broadcast %mul3A_1010 : f32 to vector<16xf32>
      %mul3A_1012 = arith.mulf %get3A_656, %mul3A_1011 : vector<16xf32>
      %convert_element_type3A_1013 = arith.fptosi %mul3A_1012 : vector<16xf32> to vector<16xi32>
      %jit3A_1014 = arith.constant 0 : i32
      %jit3A_1015 = arith.constant 255 : i32
      %max3A_1016 = vector.broadcast %jit3A_1014 : i32 to vector<16xi32>
      %max3A_1017 = arith.maxsi %max3A_1016, %convert_element_type3A_1013 : vector<16xi32>
      %min3A_1018 = vector.broadcast %jit3A_1015 : i32 to vector<16xi32>
      %min3A_1019 = arith.minsi %min3A_1018, %max3A_1017 : vector<16xi32>
      %add3A_1020 = arith.addi %mul3A_8, %min3A_1019 : vector<16xi32>
      %add3A_1021 = arith.constant 4096 : i32
      %add3A_1022 = vector.broadcast %add3A_1021 : i32 to vector<16xi32>
      %add3A_1023 = arith.addi %add3A_1020, %add3A_1022 : vector<16xi32>
      %mul3A_1024 = arith.constant 2.560000e+02 : f32
      %mul3A_1025 = vector.broadcast %mul3A_1024 : f32 to vector<16xf32>
      %mul3A_1026 = arith.mulf %get3A_660, %mul3A_1025 : vector<16xf32>
      %convert_element_type3A_1027 = arith.fptosi %mul3A_1026 : vector<16xf32> to vector<16xi32>
      %jit3A_1028 = arith.constant 0 : i32
      %jit3A_1029 = arith.constant 255 : i32
      %max3A_1030 = vector.broadcast %jit3A_1028 : i32 to vector<16xi32>
      %max3A_1031 = arith.maxsi %max3A_1030, %convert_element_type3A_1027 : vector<16xi32>
      %min3A_1032 = vector.broadcast %jit3A_1029 : i32 to vector<16xi32>
      %min3A_1033 = arith.minsi %min3A_1032, %max3A_1031 : vector<16xi32>
      %add3A_1034 = arith.addi %mul3A_8, %min3A_1033 : vector<16xi32>
      %add3A_1035 = arith.constant 4096 : i32
      %add3A_1036 = vector.broadcast %add3A_1035 : i32 to vector<16xi32>
      %add3A_1037 = arith.addi %add3A_1034, %add3A_1036 : vector<16xi32>
      %mul3A_1038 = arith.constant 2.560000e+02 : f32
      %mul3A_1039 = vector.broadcast %mul3A_1038 : f32 to vector<16xf32>
      %mul3A_1040 = arith.mulf %get3A_664, %mul3A_1039 : vector<16xf32>
      %convert_element_type3A_1041 = arith.fptosi %mul3A_1040 : vector<16xf32> to vector<16xi32>
      %jit3A_1042 = arith.constant 0 : i32
      %jit3A_1043 = arith.constant 255 : i32
      %max3A_1044 = vector.broadcast %jit3A_1042 : i32 to vector<16xi32>
      %max3A_1045 = arith.maxsi %max3A_1044, %convert_element_type3A_1041 : vector<16xi32>
      %min3A_1046 = vector.broadcast %jit3A_1043 : i32 to vector<16xi32>
      %min3A_1047 = arith.minsi %min3A_1046, %max3A_1045 : vector<16xi32>
      %add3A_1048 = arith.addi %mul3A_8, %min3A_1047 : vector<16xi32>
      %add3A_1049 = arith.constant 4096 : i32
      %add3A_1050 = vector.broadcast %add3A_1049 : i32 to vector<16xi32>
      %add3A_1051 = arith.addi %add3A_1048, %add3A_1050 : vector<16xi32>
      %mul3A_1052 = arith.constant 2.560000e+02 : f32
      %mul3A_1053 = vector.broadcast %mul3A_1052 : f32 to vector<16xf32>
      %mul3A_1054 = arith.mulf %get3A_668, %mul3A_1053 : vector<16xf32>
      %convert_element_type3A_1055 = arith.fptosi %mul3A_1054 : vector<16xf32> to vector<16xi32>
      %jit3A_1056 = arith.constant 0 : i32
      %jit3A_1057 = arith.constant 255 : i32
      %max3A_1058 = vector.broadcast %jit3A_1056 : i32 to vector<16xi32>
      %max3A_1059 = arith.maxsi %max3A_1058, %convert_element_type3A_1055 : vector<16xi32>
      %min3A_1060 = vector.broadcast %jit3A_1057 : i32 to vector<16xi32>
      %min3A_1061 = arith.minsi %min3A_1060, %max3A_1059 : vector<16xi32>
      %add3A_1062 = arith.addi %mul3A_8, %min3A_1061 : vector<16xi32>
      %add3A_1063 = arith.constant 4096 : i32
      %add3A_1064 = vector.broadcast %add3A_1063 : i32 to vector<16xi32>
      %add3A_1065 = arith.addi %add3A_1062, %add3A_1064 : vector<16xi32>
      tpu.vector_store_idx %arg8[%add3A_676], %broadcast_in_dim3A_13 {add = true} : memref<8192xi32, #tpu.memory_space<vmem>>[vector<16xi32>], vector<16xi32>,
      tpu.vector_store_idx %arg8[%add3A_687], %broadcast_in_dim3A_13 {add = true} : memref<8192xi32, #tpu.memory_space<vmem>>[vector<16xi32>], vector<16xi32>,
      tpu.vector_store_idx %arg8[%add3A_698], %broadcast_in_dim3A_13 {add = true} : memref<8192xi32, #tpu.memory_space<vmem>>[vector<16xi32>], vector<16xi32>,
      tpu.vector_store_idx %arg8[%add3A_709], %broadcast_in_dim3A_13 {add = true} : memref<8192xi32, #tpu.memory_space<vmem>>[vector<16xi32>], vector<16xi32>,
      tpu.vector_store_idx %arg8[%add3A_720], %broadcast_in_dim3A_13 {add = true} : memref<8192xi32, #tpu.memory_space<vmem>>[vector<16xi32>], vector<16xi32>,
      tpu.vector_store_idx %arg8[%add3A_731], %broadcast_in_dim3A_13 {add = true} : memref<8192xi32, #tpu.memory_space<vmem>>[vector<16xi32>], vector<16xi32>,
      tpu.vector_store_idx %arg8[%add3A_742], %broadcast_in_dim3A_13 {add = true} : memref<8192xi32, #tpu.memory_space<vmem>>[vector<16xi32>], vector<16xi32>,
      tpu.vector_store_idx %arg8[%add3A_753], %broadcast_in_dim3A_13 {add = true} : memref<8192xi32, #tpu.memory_space<vmem>>[vector<16xi32>], vector<16xi32>,
      tpu.vector_store_idx %arg8[%add3A_764], %broadcast_in_dim3A_13 {add = true} : memref<8192xi32, #tpu.memory_space<vmem>>[vector<16xi32>], vector<16xi32>,
      tpu.vector_store_idx %arg8[%add3A_775], %broadcast_in_dim3A_13 {add = true} : memref<8192xi32, #tpu.memory_space<vmem>>[vector<16xi32>], vector<16xi32>,
      tpu.vector_store_idx %arg8[%add3A_786], %broadcast_in_dim3A_13 {add = true} : memref<8192xi32, #tpu.memory_space<vmem>>[vector<16xi32>], vector<16xi32>,
      tpu.vector_store_idx %arg8[%add3A_797], %broadcast_in_dim3A_13 {add = true} : memref<8192xi32, #tpu.memory_space<vmem>>[vector<16xi32>], vector<16xi32>,
      tpu.vector_store_idx %arg8[%add3A_808], %broadcast_in_dim3A_13 {add = true} : memref<8192xi32, #tpu.memory_space<vmem>>[vector<16xi32>], vector<16xi32>,
      tpu.vector_store_idx %arg8[%add3A_819], %broadcast_in_dim3A_13 {add = true} : memref<8192xi32, #tpu.memory_space<vmem>>[vector<16xi32>], vector<16xi32>,
      tpu.vector_store_idx %arg8[%add3A_830], %broadcast_in_dim3A_13 {add = true} : memref<8192xi32, #tpu.memory_space<vmem>>[vector<16xi32>], vector<16xi32>,
      tpu.vector_store_idx %arg8[%add3A_841], %broadcast_in_dim3A_13 {add = true} : memref<8192xi32, #tpu.memory_space<vmem>>[vector<16xi32>], vector<16xi32>,
      tpu.vector_store_idx %arg8[%add3A_855], %broadcast_in_dim3A_13 {add = true} : memref<8192xi32, #tpu.memory_space<vmem>>[vector<16xi32>], vector<16xi32>,
      tpu.vector_store_idx %arg8[%add3A_869], %broadcast_in_dim3A_13 {add = true} : memref<8192xi32, #tpu.memory_space<vmem>>[vector<16xi32>], vector<16xi32>,
      tpu.vector_store_idx %arg8[%add3A_883], %broadcast_in_dim3A_13 {add = true} : memref<8192xi32, #tpu.memory_space<vmem>>[vector<16xi32>], vector<16xi32>,
      tpu.vector_store_idx %arg8[%add3A_897], %broadcast_in_dim3A_13 {add = true} : memref<8192xi32, #tpu.memory_space<vmem>>[vector<16xi32>], vector<16xi32>,
      tpu.vector_store_idx %arg8[%add3A_911], %broadcast_in_dim3A_13 {add = true} : memref<8192xi32, #tpu.memory_space<vmem>>[vector<16xi32>], vector<16xi32>,
      tpu.vector_store_idx %arg8[%add3A_925], %broadcast_in_dim3A_13 {add = true} : memref<8192xi32, #tpu.memory_space<vmem>>[vector<16xi32>], vector<16xi32>,
      tpu.vector_store_idx %arg8[%add3A_939], %broadcast_in_dim3A_13 {add = true} : memref<8192xi32, #tpu.memory_space<vmem>>[vector<16xi32>], vector<16xi32>,
      tpu.vector_store_idx %arg8[%add3A_953], %broadcast_in_dim3A_13 {add = true} : memref<8192xi32, #tpu.memory_space<vmem>>[vector<16xi32>], vector<16xi32>,
      tpu.vector_store_idx %arg8[%add3A_967], %broadcast_in_dim3A_13 {add = true} : memref<8192xi32, #tpu.memory_space<vmem>>[vector<16xi32>], vector<16xi32>,
      tpu.vector_store_idx %arg8[%add3A_981], %broadcast_in_dim3A_13 {add = true} : memref<8192xi32, #tpu.memory_space<vmem>>[vector<16xi32>], vector<16xi32>,
      tpu.vector_store_idx %arg8[%add3A_995], %broadcast_in_dim3A_13 {add = true} : memref<8192xi32, #tpu.memory_space<vmem>>[vector<16xi32>], vector<16xi32>,
      tpu.vector_store_idx %arg8[%add3A_1009], %broadcast_in_dim3A_13 {add = true} : memref<8192xi32, #tpu.memory_space<vmem>>[vector<16xi32>], vector<16xi32>,
      tpu.vector_store_idx %arg8[%add3A_1023], %broadcast_in_dim3A_13 {add = true} : memref<8192xi32, #tpu.memory_space<vmem>>[vector<16xi32>], vector<16xi32>,
      tpu.vector_store_idx %arg8[%add3A_1037], %broadcast_in_dim3A_13 {add = true} : memref<8192xi32, #tpu.memory_space<vmem>>[vector<16xi32>], vector<16xi32>,
      tpu.vector_store_idx %arg8[%add3A_1051], %broadcast_in_dim3A_13 {add = true} : memref<8192xi32, #tpu.memory_space<vmem>>[vector<16xi32>], vector<16xi32>,
      tpu.vector_store_idx %arg8[%add3A_1065], %broadcast_in_dim3A_13 {add = true} : memref<8192xi32, #tpu.memory_space<vmem>>[vector<16xi32>], vector<16xi32>,
      %scan3A_1066 = arith.constant 0 : i32
      scf.yield %scan3A_1066 : i32
    }
    %scan3A_38 = arith.constant 64 : i32
    %scan3A_39 = arith.constant 0 : i32
    %scan3A_40 = arith.constant 0 : i32
    %scan3A_41 = arith.constant 16 : i32
    %scan3A_42 = arith.addi %scan3A_40, %scan3A_41 : i32
    %scan3A_43 = arith.constant 1 : i32
    %scan3A_44 = scf.for %scan3A_537 = %scan3A_40 to %scan3A_42 step %scan3A_43 iter_args(%scan3A_538 = %scan3A_39) -> (i32)  : i32 {
      %mul3A_539 = arith.constant 16 : i32
      %mul3A_540 = arith.muli %scan3A_537, %mul3A_539 : i32
      %get3A_541 = arith.index_cast %mul3A_540 : i32 to index
      %get3A_542 = tpu.vector_load %arg8[%get3A_541] {strides = array<i32>} : memref<8192xi32, #tpu.memory_space<vmem>>, vector<16xi32>,
      %mul3A_543 = arith.constant 16 : i32
      %mul3A_544 = arith.muli %scan3A_537, %mul3A_543 : i32
      %add3A_545 = arith.constant 4096 : i32
      %add3A_546 = arith.addi %add3A_545, %mul3A_544 : i32
      %get3A_547 = arith.index_cast %add3A_546 : i32 to index
      %get3A_548 = tpu.vector_load %arg8[%get3A_547] {strides = array<i32>} : memref<8192xi32, #tpu.memory_space<vmem>>, vector<16xi32>,
      %mul3A_549 = arith.constant 16 : i32
      %mul3A_550 = arith.muli %scan3A_537, %mul3A_549 : i32
      %add3A_551 = arith.constant 256 : i32
      %add3A_552 = arith.addi %add3A_551, %mul3A_550 : i32
      %get3A_553 = arith.index_cast %add3A_552 : i32 to index
      %get3A_554 = tpu.vector_load %arg8[%get3A_553] {strides = array<i32>} : memref<8192xi32, #tpu.memory_space<vmem>>, vector<16xi32>,
      %add3A_555 = arith.addi %get3A_542, %get3A_554 : vector<16xi32>
      %mul3A_556 = arith.constant 16 : i32
      %mul3A_557 = arith.muli %scan3A_537, %mul3A_556 : i32
      %add3A_558 = arith.constant 4352 : i32
      %add3A_559 = arith.addi %add3A_558, %mul3A_557 : i32
      %get3A_560 = arith.index_cast %add3A_559 : i32 to index
      %get3A_561 = tpu.vector_load %arg8[%get3A_560] {strides = array<i32>} : memref<8192xi32, #tpu.memory_space<vmem>>, vector<16xi32>,
      %add3A_562 = arith.addi %get3A_548, %get3A_561 : vector<16xi32>
      %mul3A_563 = arith.constant 16 : i32
      %mul3A_564 = arith.muli %scan3A_537, %mul3A_563 : i32
      %add3A_565 = arith.constant 512 : i32
      %add3A_566 = arith.addi %add3A_565, %mul3A_564 : i32
      %get3A_567 = arith.index_cast %add3A_566 : i32 to index
      %get3A_568 = tpu.vector_load %arg8[%get3A_567] {strides = array<i32>} : memref<8192xi32, #tpu.memory_space<vmem>>, vector<16xi32>,
      %add3A_569 = arith.addi %add3A_555, %get3A_568 : vector<16xi32>
      %mul3A_570 = arith.constant 16 : i32
      %mul3A_571 = arith.muli %scan3A_537, %mul3A_570 : i32
      %add3A_572 = arith.constant 4608 : i32
      %add3A_573 = arith.addi %add3A_572, %mul3A_571 : i32
      %get3A_574 = arith.index_cast %add3A_573 : i32 to index
      %get3A_575 = tpu.vector_load %arg8[%get3A_574] {strides = array<i32>} : memref<8192xi32, #tpu.memory_space<vmem>>, vector<16xi32>,
      %add3A_576 = arith.addi %add3A_562, %get3A_575 : vector<16xi32>
      %mul3A_577 = arith.constant 16 : i32
      %mul3A_578 = arith.muli %scan3A_537, %mul3A_577 : i32
      %add3A_579 = arith.constant 768 : i32
      %add3A_580 = arith.addi %add3A_579, %mul3A_578 : i32
      %get3A_581 = arith.index_cast %add3A_580 : i32 to index
      %get3A_582 = tpu.vector_load %arg8[%get3A_581] {strides = array<i32>} : memref<8192xi32, #tpu.memory_space<vmem>>, vector<16xi32>,
      %add3A_583 = arith.addi %add3A_569, %get3A_582 : vector<16xi32>
      %mul3A_584 = arith.constant 16 : i32
      %mul3A_585 = arith.muli %scan3A_537, %mul3A_584 : i32
      %add3A_586 = arith.constant 4864 : i32
      %add3A_587 = arith.addi %add3A_586, %mul3A_585 : i32
      %get3A_588 = arith.index_cast %add3A_587 : i32 to index
      %get3A_589 = tpu.vector_load %arg8[%get3A_588] {strides = array<i32>} : memref<8192xi32, #tpu.memory_space<vmem>>, vector<16xi32>,
      %add3A_590 = arith.addi %add3A_576, %get3A_589 : vector<16xi32>
      %mul3A_591 = arith.constant 16 : i32
      %mul3A_592 = arith.muli %scan3A_537, %mul3A_591 : i32
      %add3A_593 = arith.constant 1024 : i32
      %add3A_594 = arith.addi %add3A_593, %mul3A_592 : i32
      %get3A_595 = arith.index_cast %add3A_594 : i32 to index
      %get3A_596 = tpu.vector_load %arg8[%get3A_595] {strides = array<i32>} : memref<8192xi32, #tpu.memory_space<vmem>>, vector<16xi32>,
      %add3A_597 = arith.addi %add3A_583, %get3A_596 : vector<16xi32>
      %mul3A_598 = arith.constant 16 : i32
      %mul3A_599 = arith.muli %scan3A_537, %mul3A_598 : i32
      %add3A_600 = arith.constant 5120 : i32
      %add3A_601 = arith.addi %add3A_600, %mul3A_599 : i32
      %get3A_602 = arith.index_cast %add3A_601 : i32 to index
      %get3A_603 = tpu.vector_load %arg8[%get3A_602] {strides = array<i32>} : memref<8192xi32, #tpu.memory_space<vmem>>, vector<16xi32>,
      %add3A_604 = arith.addi %add3A_590, %get3A_603 : vector<16xi32>
      %mul3A_605 = arith.constant 16 : i32
      %mul3A_606 = arith.muli %scan3A_537, %mul3A_605 : i32
      %add3A_607 = arith.constant 1280 : i32
      %add3A_608 = arith.addi %add3A_607, %mul3A_606 : i32
      %get3A_609 = arith.index_cast %add3A_608 : i32 to index
      %get3A_610 = tpu.vector_load %arg8[%get3A_609] {strides = array<i32>} : memref<8192xi32, #tpu.memory_space<vmem>>, vector<16xi32>,
      %add3A_611 = arith.addi %add3A_597, %get3A_610 : vector<16xi32>
      %mul3A_612 = arith.constant 16 : i32
      %mul3A_613 = arith.muli %scan3A_537, %mul3A_612 : i32
      %add3A_614 = arith.constant 5376 : i32
      %add3A_615 = arith.addi %add3A_614, %mul3A_613 : i32
      %get3A_616 = arith.index_cast %add3A_615 : i32 to index
      %get3A_617 = tpu.vector_load %arg8[%get3A_616] {strides = array<i32>} : memref<8192xi32, #tpu.memory_space<vmem>>, vector<16xi32>,
      %add3A_618 = arith.addi %add3A_604, %get3A_617 : vector<16xi32>
      %mul3A_619 = arith.constant 16 : i32
      %mul3A_620 = arith.muli %scan3A_537, %mul3A_619 : i32
      %add3A_621 = arith.constant 1536 : i32
      %add3A_622 = arith.addi %add3A_621, %mul3A_620 : i32
      %get3A_623 = arith.index_cast %add3A_622 : i32 to index
      %get3A_624 = tpu.vector_load %arg8[%get3A_623] {strides = array<i32>} : memref<8192xi32, #tpu.memory_space<vmem>>, vector<16xi32>,
      %add3A_625 = arith.addi %add3A_611, %get3A_624 : vector<16xi32>
      %mul3A_626 = arith.constant 16 : i32
      %mul3A_627 = arith.muli %scan3A_537, %mul3A_626 : i32
      %add3A_628 = arith.constant 5632 : i32
      %add3A_629 = arith.addi %add3A_628, %mul3A_627 : i32
      %get3A_630 = arith.index_cast %add3A_629 : i32 to index
      %get3A_631 = tpu.vector_load %arg8[%get3A_630] {strides = array<i32>} : memref<8192xi32, #tpu.memory_space<vmem>>, vector<16xi32>,
      %add3A_632 = arith.addi %add3A_618, %get3A_631 : vector<16xi32>
      %mul3A_633 = arith.constant 16 : i32
      %mul3A_634 = arith.muli %scan3A_537, %mul3A_633 : i32
      %add3A_635 = arith.constant 1792 : i32
      %add3A_636 = arith.addi %add3A_635, %mul3A_634 : i32
      %get3A_637 = arith.index_cast %add3A_636 : i32 to index
      %get3A_638 = tpu.vector_load %arg8[%get3A_637] {strides = array<i32>} : memref<8192xi32, #tpu.memory_space<vmem>>, vector<16xi32>,
      %add3A_639 = arith.addi %add3A_625, %get3A_638 : vector<16xi32>
      %mul3A_640 = arith.constant 16 : i32
      %mul3A_641 = arith.muli %scan3A_537, %mul3A_640 : i32
      %add3A_642 = arith.constant 5888 : i32
      %add3A_643 = arith.addi %add3A_642, %mul3A_641 : i32
      %get3A_644 = arith.index_cast %add3A_643 : i32 to index
      %get3A_645 = tpu.vector_load %arg8[%get3A_644] {strides = array<i32>} : memref<8192xi32, #tpu.memory_space<vmem>>, vector<16xi32>,
      %add3A_646 = arith.addi %add3A_632, %get3A_645 : vector<16xi32>
      %mul3A_647 = arith.constant 16 : i32
      %mul3A_648 = arith.muli %scan3A_537, %mul3A_647 : i32
      %add3A_649 = arith.constant 2048 : i32
      %add3A_650 = arith.addi %add3A_649, %mul3A_648 : i32
      %get3A_651 = arith.index_cast %add3A_650 : i32 to index
      %get3A_652 = tpu.vector_load %arg8[%get3A_651] {strides = array<i32>} : memref<8192xi32, #tpu.memory_space<vmem>>, vector<16xi32>,
      %add3A_653 = arith.addi %add3A_639, %get3A_652 : vector<16xi32>
      %mul3A_654 = arith.constant 16 : i32
      %mul3A_655 = arith.muli %scan3A_537, %mul3A_654 : i32
      %add3A_656 = arith.constant 6144 : i32
      %add3A_657 = arith.addi %add3A_656, %mul3A_655 : i32
      %get3A_658 = arith.index_cast %add3A_657 : i32 to index
      %get3A_659 = tpu.vector_load %arg8[%get3A_658] {strides = array<i32>} : memref<8192xi32, #tpu.memory_space<vmem>>, vector<16xi32>,
      %add3A_660 = arith.addi %add3A_646, %get3A_659 : vector<16xi32>
      %mul3A_661 = arith.constant 16 : i32
      %mul3A_662 = arith.muli %scan3A_537, %mul3A_661 : i32
      %add3A_663 = arith.constant 2304 : i32
      %add3A_664 = arith.addi %add3A_663, %mul3A_662 : i32
      %get3A_665 = arith.index_cast %add3A_664 : i32 to index
      %get3A_666 = tpu.vector_load %arg8[%get3A_665] {strides = array<i32>} : memref<8192xi32, #tpu.memory_space<vmem>>, vector<16xi32>,
      %add3A_667 = arith.addi %add3A_653, %get3A_666 : vector<16xi32>
      %mul3A_668 = arith.constant 16 : i32
      %mul3A_669 = arith.muli %scan3A_537, %mul3A_668 : i32
      %add3A_670 = arith.constant 6400 : i32
      %add3A_671 = arith.addi %add3A_670, %mul3A_669 : i32
      %get3A_672 = arith.index_cast %add3A_671 : i32 to index
      %get3A_673 = tpu.vector_load %arg8[%get3A_672] {strides = array<i32>} : memref<8192xi32, #tpu.memory_space<vmem>>, vector<16xi32>,
      %add3A_674 = arith.addi %add3A_660, %get3A_673 : vector<16xi32>
      %mul3A_675 = arith.constant 16 : i32
      %mul3A_676 = arith.muli %scan3A_537, %mul3A_675 : i32
      %add3A_677 = arith.constant 2560 : i32
      %add3A_678 = arith.addi %add3A_677, %mul3A_676 : i32
      %get3A_679 = arith.index_cast %add3A_678 : i32 to index
      %get3A_680 = tpu.vector_load %arg8[%get3A_679] {strides = array<i32>} : memref<8192xi32, #tpu.memory_space<vmem>>, vector<16xi32>,
      %add3A_681 = arith.addi %add3A_667, %get3A_680 : vector<16xi32>
      %mul3A_682 = arith.constant 16 : i32
      %mul3A_683 = arith.muli %scan3A_537, %mul3A_682 : i32
      %add3A_684 = arith.constant 6656 : i32
      %add3A_685 = arith.addi %add3A_684, %mul3A_683 : i32
      %get3A_686 = arith.index_cast %add3A_685 : i32 to index
      %get3A_687 = tpu.vector_load %arg8[%get3A_686] {strides = array<i32>} : memref<8192xi32, #tpu.memory_space<vmem>>, vector<16xi32>,
      %add3A_688 = arith.addi %add3A_674, %get3A_687 : vector<16xi32>
      %mul3A_689 = arith.constant 16 : i32
      %mul3A_690 = arith.muli %scan3A_537, %mul3A_689 : i32
      %add3A_691 = arith.constant 2816 : i32
      %add3A_692 = arith.addi %add3A_691, %mul3A_690 : i32
      %get3A_693 = arith.index_cast %add3A_692 : i32 to index
      %get3A_694 = tpu.vector_load %arg8[%get3A_693] {strides = array<i32>} : memref<8192xi32, #tpu.memory_space<vmem>>, vector<16xi32>,
      %add3A_695 = arith.addi %add3A_681, %get3A_694 : vector<16xi32>
      %mul3A_696 = arith.constant 16 : i32
      %mul3A_697 = arith.muli %scan3A_537, %mul3A_696 : i32
      %add3A_698 = arith.constant 6912 : i32
      %add3A_699 = arith.addi %add3A_698, %mul3A_697 : i32
      %get3A_700 = arith.index_cast %add3A_699 : i32 to index
      %get3A_701 = tpu.vector_load %arg8[%get3A_700] {strides = array<i32>} : memref<8192xi32, #tpu.memory_space<vmem>>, vector<16xi32>,
      %add3A_702 = arith.addi %add3A_688, %get3A_701 : vector<16xi32>
      %mul3A_703 = arith.constant 16 : i32
      %mul3A_704 = arith.muli %scan3A_537, %mul3A_703 : i32
      %add3A_705 = arith.constant 3072 : i32
      %add3A_706 = arith.addi %add3A_705, %mul3A_704 : i32
      %get3A_707 = arith.index_cast %add3A_706 : i32 to index
      %get3A_708 = tpu.vector_load %arg8[%get3A_707] {strides = array<i32>} : memref<8192xi32, #tpu.memory_space<vmem>>, vector<16xi32>,
      %add3A_709 = arith.addi %add3A_695, %get3A_708 : vector<16xi32>
      %mul3A_710 = arith.constant 16 : i32
      %mul3A_711 = arith.muli %scan3A_537, %mul3A_710 : i32
      %add3A_712 = arith.constant 7168 : i32
      %add3A_713 = arith.addi %add3A_712, %mul3A_711 : i32
      %get3A_714 = arith.index_cast %add3A_713 : i32 to index
      %get3A_715 = tpu.vector_load %arg8[%get3A_714] {strides = array<i32>} : memref<8192xi32, #tpu.memory_space<vmem>>, vector<16xi32>,
      %add3A_716 = arith.addi %add3A_702, %get3A_715 : vector<16xi32>
      %mul3A_717 = arith.constant 16 : i32
      %mul3A_718 = arith.muli %scan3A_537, %mul3A_717 : i32
      %add3A_719 = arith.constant 3328 : i32
      %add3A_720 = arith.addi %add3A_719, %mul3A_718 : i32
      %get3A_721 = arith.index_cast %add3A_720 : i32 to index
      %get3A_722 = tpu.vector_load %arg8[%get3A_721] {strides = array<i32>} : memref<8192xi32, #tpu.memory_space<vmem>>, vector<16xi32>,
      %add3A_723 = arith.addi %add3A_709, %get3A_722 : vector<16xi32>
      %mul3A_724 = arith.constant 16 : i32
      %mul3A_725 = arith.muli %scan3A_537, %mul3A_724 : i32
      %add3A_726 = arith.constant 7424 : i32
      %add3A_727 = arith.addi %add3A_726, %mul3A_725 : i32
      %get3A_728 = arith.index_cast %add3A_727 : i32 to index
      %get3A_729 = tpu.vector_load %arg8[%get3A_728] {strides = array<i32>} : memref<8192xi32, #tpu.memory_space<vmem>>, vector<16xi32>,
      %add3A_730 = arith.addi %add3A_716, %get3A_729 : vector<16xi32>
      %mul3A_731 = arith.constant 16 : i32
      %mul3A_732 = arith.muli %scan3A_537, %mul3A_731 : i32
      %add3A_733 = arith.constant 3584 : i32
      %add3A_734 = arith.addi %add3A_733, %mul3A_732 : i32
      %get3A_735 = arith.index_cast %add3A_734 : i32 to index
      %get3A_736 = tpu.vector_load %arg8[%get3A_735] {strides = array<i32>} : memref<8192xi32, #tpu.memory_space<vmem>>, vector<16xi32>,
      %add3A_737 = arith.addi %add3A_723, %get3A_736 : vector<16xi32>
      %mul3A_738 = arith.constant 16 : i32
      %mul3A_739 = arith.muli %scan3A_537, %mul3A_738 : i32
      %add3A_740 = arith.constant 7680 : i32
      %add3A_741 = arith.addi %add3A_740, %mul3A_739 : i32
      %get3A_742 = arith.index_cast %add3A_741 : i32 to index
      %get3A_743 = tpu.vector_load %arg8[%get3A_742] {strides = array<i32>} : memref<8192xi32, #tpu.memory_space<vmem>>, vector<16xi32>,
      %add3A_744 = arith.addi %add3A_730, %get3A_743 : vector<16xi32>
      %mul3A_745 = arith.constant 16 : i32
      %mul3A_746 = arith.muli %scan3A_537, %mul3A_745 : i32
      %add3A_747 = arith.constant 3840 : i32
      %add3A_748 = arith.addi %add3A_747, %mul3A_746 : i32
      %get3A_749 = arith.index_cast %add3A_748 : i32 to index
      %get3A_750 = tpu.vector_load %arg8[%get3A_749] {strides = array<i32>} : memref<8192xi32, #tpu.memory_space<vmem>>, vector<16xi32>,
      %add3A_751 = arith.addi %add3A_737, %get3A_750 : vector<16xi32>
      %mul3A_752 = arith.constant 16 : i32
      %mul3A_753 = arith.muli %scan3A_537, %mul3A_752 : i32
      %add3A_754 = arith.constant 7936 : i32
      %add3A_755 = arith.addi %add3A_754, %mul3A_753 : i32
      %get3A_756 = arith.index_cast %add3A_755 : i32 to index
      %get3A_757 = tpu.vector_load %arg8[%get3A_756] {strides = array<i32>} : memref<8192xi32, #tpu.memory_space<vmem>>, vector<16xi32>,
      %add3A_758 = arith.addi %add3A_744, %get3A_757 : vector<16xi32>
      %mul3A_759 = arith.constant 16 : i32
      %mul3A_760 = arith.muli %scan3A_537, %mul3A_759 : i32
      %swap3A_761 = arith.index_cast %mul3A_760 : i32 to index
      %swap3A_762 = tpu.vector_load %arg9[%swap3A_761] {strides = array<i32>} : memref<512xi32, #tpu.memory_space<vmem>>, vector<16xi32>,
      tpu.vector_store %arg9[%swap3A_761], %add3A_751 {strides = array<i32>} : memref<512xi32, #tpu.memory_space<vmem>>, vector<16xi32>,
      %mul3A_763 = arith.constant 16 : i32
      %mul3A_764 = arith.muli %scan3A_537, %mul3A_763 : i32
      %add3A_765 = arith.constant 256 : i32
      %add3A_766 = arith.addi %add3A_765, %mul3A_764 : i32
      %swap3A_767 = arith.index_cast %add3A_766 : i32 to index
      %swap3A_768 = tpu.vector_load %arg9[%swap3A_767] {strides = array<i32>} : memref<512xi32, #tpu.memory_space<vmem>>, vector<16xi32>,
      tpu.vector_store %arg9[%swap3A_767], %add3A_758 {strides = array<i32>} : memref<512xi32, #tpu.memory_space<vmem>>, vector<16xi32>,
      %scan3A_769 = arith.constant 0 : i32
      scf.yield %scan3A_769 : i32
    }
    %scan3A_45 = arith.constant 16 : i32
    %barrier3A = arith.constant 0 : index
    tpu.barrier barrier_id(%barrier3A)
    "tpu.region"() ({
      %run_scoped3A = tpu.sem_alloc : memref<!tpu.dma_semaphore, #tpu.memory_space<semaphore_mem>>
      %dma_start3A_537 = arith.constant 0 : i32
      %dma_start3A_538 = tpu.memref_slice %arg19[%dma_start3A_537] : memref<512xi32, #tpu.memory_space<vmem_shared>> -> memref<512xi32, #tpu.memory_space<vmem_shared>>
      tpu.enqueue_indirect_dma source(%arg9 : memref<512xi32, #tpu.memory_space<vmem>>) target(%dma_start3A_538 : memref<512xi32, #tpu.memory_space<vmem_shared>>) offsets(%arg10 : memref<512xi32, #tpu.memory_space<vmem>>) semaphore(%run_scoped3A : memref<!tpu.dma_semaphore, #tpu.memory_space<semaphore_mem>>) {add = true}
      %dma_wait3A_539 = arith.constant 0 : i32
      %dma_wait3A_540 = tpu.memref_slice %arg19[%dma_wait3A_539] : memref<512xi32, #tpu.memory_space<vmem_shared>> -> memref<512xi32, #tpu.memory_space<vmem_shared>>
      tpu.wait_indirect_dma semaphore(%run_scoped3A : memref<!tpu.dma_semaphore, #tpu.memory_space<semaphore_mem>>) src(%arg9 : memref<512xi32, #tpu.memory_space<vmem>>) dst(%dma_wait3A_540 : memref<512xi32, #tpu.memory_space<vmem_shared>>)
      tpu.yield
    }) : () -> ()
    %barrier3A_46 = arith.constant 0 : index
    tpu.barrier barrier_id(%barrier3A_46)
    "tpu.region"() ({
      %run_scoped3A = tpu.sem_alloc : memref<!tpu.dma_semaphore, #tpu.memory_space<semaphore_mem>>
      tpu.enqueue_dma source(%arg19 : memref<512xi32, #tpu.memory_space<vmem_shared>>) target(%arg11 : memref<512xi32, #tpu.memory_space<vmem>>) target_semaphore(%run_scoped3A : memref<!tpu.dma_semaphore, #tpu.memory_space<semaphore_mem>>)
      tpu.wait_dma2 semaphore(%run_scoped3A : memref<!tpu.dma_semaphore, #tpu.memory_space<semaphore_mem>>) src(%arg19 : memref<512xi32, #tpu.memory_space<vmem_shared>>) dst(%arg11 : memref<512xi32, #tpu.memory_space<vmem>>)
      tpu.yield
    }) : () -> ()
    %get3A = arith.constant 0 : index
    %get3A_47 = tpu.vector_load %arg11[%get3A] {strides = array<i32>} : memref<512xi32, #tpu.memory_space<vmem>>, vector<16xi32>,
    %get3A_48 = arith.constant 16 : index
    %get3A_49 = tpu.vector_load %arg11[%get3A_48] {strides = array<i32>} : memref<512xi32, #tpu.memory_space<vmem>>, vector<16xi32>,
    %get3A_50 = arith.constant 32 : index
    %get3A_51 = tpu.vector_load %arg11[%get3A_50] {strides = array<i32>} : memref<512xi32, #tpu.memory_space<vmem>>, vector<16xi32>,
    %get3A_52 = arith.constant 48 : index
    %get3A_53 = tpu.vector_load %arg11[%get3A_52] {strides = array<i32>} : memref<512xi32, #tpu.memory_space<vmem>>, vector<16xi32>,
    %get3A_54 = arith.constant 64 : index
    %get3A_55 = tpu.vector_load %arg11[%get3A_54] {strides = array<i32>} : memref<512xi32, #tpu.memory_space<vmem>>, vector<16xi32>,
    %get3A_56 = arith.constant 80 : index
    %get3A_57 = tpu.vector_load %arg11[%get3A_56] {strides = array<i32>} : memref<512xi32, #tpu.memory_space<vmem>>, vector<16xi32>,
    %get3A_58 = arith.constant 96 : index
    %get3A_59 = tpu.vector_load %arg11[%get3A_58] {strides = array<i32>} : memref<512xi32, #tpu.memory_space<vmem>>, vector<16xi32>,
    %get3A_60 = arith.constant 112 : index
    %get3A_61 = tpu.vector_load %arg11[%get3A_60] {strides = array<i32>} : memref<512xi32, #tpu.memory_space<vmem>>, vector<16xi32>,
    %get3A_62 = arith.constant 128 : index
    %get3A_63 = tpu.vector_load %arg11[%get3A_62] {strides = array<i32>} : memref<512xi32, #tpu.memory_space<vmem>>, vector<16xi32>,
    %get3A_64 = arith.constant 144 : index
    %get3A_65 = tpu.vector_load %arg11[%get3A_64] {strides = array<i32>} : memref<512xi32, #tpu.memory_space<vmem>>, vector<16xi32>,
    %get3A_66 = arith.constant 160 : index
    %get3A_67 = tpu.vector_load %arg11[%get3A_66] {strides = array<i32>} : memref<512xi32, #tpu.memory_space<vmem>>, vector<16xi32>,
    %get3A_68 = arith.constant 176 : index
    %get3A_69 = tpu.vector_load %arg11[%get3A_68] {strides = array<i32>} : memref<512xi32, #tpu.memory_space<vmem>>, vector<16xi32>,
    %get3A_70 = arith.constant 192 : index
    %get3A_71 = tpu.vector_load %arg11[%get3A_70] {strides = array<i32>} : memref<512xi32, #tpu.memory_space<vmem>>, vector<16xi32>,
    %get3A_72 = arith.constant 208 : index
    %get3A_73 = tpu.vector_load %arg11[%get3A_72] {strides = array<i32>} : memref<512xi32, #tpu.memory_space<vmem>>, vector<16xi32>,
    %get3A_74 = arith.constant 224 : index
    %get3A_75 = tpu.vector_load %arg11[%get3A_74] {strides = array<i32>} : memref<512xi32, #tpu.memory_space<vmem>>, vector<16xi32>,
    %get3A_76 = arith.constant 240 : index
    %get3A_77 = tpu.vector_load %arg11[%get3A_76] {strides = array<i32>} : memref<512xi32, #tpu.memory_space<vmem>>, vector<16xi32>,
    %get3A_78 = arith.constant 256 : index
    %get3A_79 = tpu.vector_load %arg11[%get3A_78] {strides = array<i32>} : memref<512xi32, #tpu.memory_space<vmem>>, vector<16xi32>,
    %get3A_80 = arith.constant 272 : index
    %get3A_81 = tpu.vector_load %arg11[%get3A_80] {strides = array<i32>} : memref<512xi32, #tpu.memory_space<vmem>>, vector<16xi32>,
    %get3A_82 = arith.constant 288 : index
    %get3A_83 = tpu.vector_load %arg11[%get3A_82] {strides = array<i32>} : memref<512xi32, #tpu.memory_space<vmem>>, vector<16xi32>,
    %get3A_84 = arith.constant 304 : index
    %get3A_85 = tpu.vector_load %arg11[%get3A_84] {strides = array<i32>} : memref<512xi32, #tpu.memory_space<vmem>>, vector<16xi32>,
    %get3A_86 = arith.constant 320 : index
    %get3A_87 = tpu.vector_load %arg11[%get3A_86] {strides = array<i32>} : memref<512xi32, #tpu.memory_space<vmem>>, vector<16xi32>,
    %get3A_88 = arith.constant 336 : index
    %get3A_89 = tpu.vector_load %arg11[%get3A_88] {strides = array<i32>} : memref<512xi32, #tpu.memory_space<vmem>>, vector<16xi32>,
    %get3A_90 = arith.constant 352 : index
    %get3A_91 = tpu.vector_load %arg11[%get3A_90] {strides = array<i32>} : memref<512xi32, #tpu.memory_space<vmem>>, vector<16xi32>,
    %get3A_92 = arith.constant 368 : index
    %get3A_93 = tpu.vector_load %arg11[%get3A_92] {strides = array<i32>} : memref<512xi32, #tpu.memory_space<vmem>>, vector<16xi32>,
    %get3A_94 = arith.constant 384 : index
    %get3A_95 = tpu.vector_load %arg11[%get3A_94] {strides = array<i32>} : memref<512xi32, #tpu.memory_space<vmem>>, vector<16xi32>,
    %get3A_96 = arith.constant 400 : index
    %get3A_97 = tpu.vector_load %arg11[%get3A_96] {strides = array<i32>} : memref<512xi32, #tpu.memory_space<vmem>>, vector<16xi32>,
    %get3A_98 = arith.constant 416 : index
    %get3A_99 = tpu.vector_load %arg11[%get3A_98] {strides = array<i32>} : memref<512xi32, #tpu.memory_space<vmem>>, vector<16xi32>,
    %get3A_100 = arith.constant 432 : index
    %get3A_101 = tpu.vector_load %arg11[%get3A_100] {strides = array<i32>} : memref<512xi32, #tpu.memory_space<vmem>>, vector<16xi32>,
    %get3A_102 = arith.constant 448 : index
    %get3A_103 = tpu.vector_load %arg11[%get3A_102] {strides = array<i32>} : memref<512xi32, #tpu.memory_space<vmem>>, vector<16xi32>,
    %get3A_104 = arith.constant 464 : index
    %get3A_105 = tpu.vector_load %arg11[%get3A_104] {strides = array<i32>} : memref<512xi32, #tpu.memory_space<vmem>>, vector<16xi32>,
    %get3A_106 = arith.constant 480 : index
    %get3A_107 = tpu.vector_load %arg11[%get3A_106] {strides = array<i32>} : memref<512xi32, #tpu.memory_space<vmem>>, vector<16xi32>,
    %get3A_108 = arith.constant 496 : index
    %get3A_109 = tpu.vector_load %arg11[%get3A_108] {strides = array<i32>} : memref<512xi32, #tpu.memory_space<vmem>>, vector<16xi32>,
    %add3A = arith.addi %broadcast_in_dim3A_9, %get3A_47 : vector<16xi32>
    %add3A_110 = arith.addi %broadcast_in_dim3A_9, %get3A_79 : vector<16xi32>
    %add3A_111 = arith.addi %add3A, %get3A_49 : vector<16xi32>
    %add3A_112 = arith.addi %add3A_110, %get3A_81 : vector<16xi32>
    %add3A_113 = arith.addi %add3A_111, %get3A_51 : vector<16xi32>
    %add3A_114 = arith.addi %add3A_112, %get3A_83 : vector<16xi32>
    %add3A_115 = arith.addi %add3A_113, %get3A_53 : vector<16xi32>
    %add3A_116 = arith.addi %add3A_114, %get3A_85 : vector<16xi32>
    %add3A_117 = arith.addi %add3A_115, %get3A_55 : vector<16xi32>
    %add3A_118 = arith.addi %add3A_116, %get3A_87 : vector<16xi32>
    %add3A_119 = arith.addi %add3A_117, %get3A_57 : vector<16xi32>
    %add3A_120 = arith.addi %add3A_118, %get3A_89 : vector<16xi32>
    %add3A_121 = arith.addi %add3A_119, %get3A_59 : vector<16xi32>
    %add3A_122 = arith.addi %add3A_120, %get3A_91 : vector<16xi32>
    %add3A_123 = arith.addi %add3A_121, %get3A_61 : vector<16xi32>
    %add3A_124 = arith.addi %add3A_122, %get3A_93 : vector<16xi32>
    %add3A_125 = arith.addi %add3A_123, %get3A_63 : vector<16xi32>
    %add3A_126 = arith.addi %add3A_124, %get3A_95 : vector<16xi32>
    %add3A_127 = arith.addi %add3A_125, %get3A_65 : vector<16xi32>
    %add3A_128 = arith.addi %add3A_126, %get3A_97 : vector<16xi32>
    %add3A_129 = arith.addi %add3A_127, %get3A_67 : vector<16xi32>
    %add3A_130 = arith.addi %add3A_128, %get3A_99 : vector<16xi32>
    %add3A_131 = arith.addi %add3A_129, %get3A_69 : vector<16xi32>
    %add3A_132 = arith.addi %add3A_130, %get3A_101 : vector<16xi32>
    %add3A_133 = arith.addi %add3A_131, %get3A_71 : vector<16xi32>
    %add3A_134 = arith.addi %add3A_132, %get3A_103 : vector<16xi32>
    %add3A_135 = arith.addi %add3A_133, %get3A_73 : vector<16xi32>
    %add3A_136 = arith.addi %add3A_134, %get3A_105 : vector<16xi32>
    %add3A_137 = arith.addi %add3A_135, %get3A_75 : vector<16xi32>
    %add3A_138 = arith.addi %add3A_136, %get3A_107 : vector<16xi32>
    %reduce_sum3A = arith.constant true
    %reduce_sum3A_139 = vector.broadcast %reduce_sum3A : i1 to vector<16xi1>
    %reduce_sum3A_140 = tpu.scan <sum>, %broadcast_in_dim3A_9 masked %reduce_sum3A_139 : vector<16xi32>, vector<16xi1> -> vector<16xi32>
    %reduce_sum3A_141 = vector.extract %reduce_sum3A_140[15] : i32 from vector<16xi32>
    %reduce_sum3A_142 = arith.constant true
    %reduce_sum3A_143 = vector.broadcast %reduce_sum3A_142 : i1 to vector<16xi1>
    %reduce_sum3A_144 = tpu.scan <sum>, %add3A masked %reduce_sum3A_143 : vector<16xi32>, vector<16xi1> -> vector<16xi32>
    %reduce_sum3A_145 = vector.extract %reduce_sum3A_144[15] : i32 from vector<16xi32>
    %reduce_sum3A_146 = arith.constant true
    %reduce_sum3A_147 = vector.broadcast %reduce_sum3A_146 : i1 to vector<16xi1>
    %reduce_sum3A_148 = tpu.scan <sum>, %add3A_111 masked %reduce_sum3A_147 : vector<16xi32>, vector<16xi1> -> vector<16xi32>
    %reduce_sum3A_149 = vector.extract %reduce_sum3A_148[15] : i32 from vector<16xi32>
    %reduce_sum3A_150 = arith.constant true
    %reduce_sum3A_151 = vector.broadcast %reduce_sum3A_150 : i1 to vector<16xi1>
    %reduce_sum3A_152 = tpu.scan <sum>, %add3A_113 masked %reduce_sum3A_151 : vector<16xi32>, vector<16xi1> -> vector<16xi32>
    %reduce_sum3A_153 = vector.extract %reduce_sum3A_152[15] : i32 from vector<16xi32>
    %reduce_sum3A_154 = arith.constant true
    %reduce_sum3A_155 = vector.broadcast %reduce_sum3A_154 : i1 to vector<16xi1>
    %reduce_sum3A_156 = tpu.scan <sum>, %add3A_115 masked %reduce_sum3A_155 : vector<16xi32>, vector<16xi1> -> vector<16xi32>
    %reduce_sum3A_157 = vector.extract %reduce_sum3A_156[15] : i32 from vector<16xi32>
    %reduce_sum3A_158 = arith.constant true
    %reduce_sum3A_159 = vector.broadcast %reduce_sum3A_158 : i1 to vector<16xi1>
    %reduce_sum3A_160 = tpu.scan <sum>, %add3A_117 masked %reduce_sum3A_159 : vector<16xi32>, vector<16xi1> -> vector<16xi32>
    %reduce_sum3A_161 = vector.extract %reduce_sum3A_160[15] : i32 from vector<16xi32>
    %reduce_sum3A_162 = arith.constant true
    %reduce_sum3A_163 = vector.broadcast %reduce_sum3A_162 : i1 to vector<16xi1>
    %reduce_sum3A_164 = tpu.scan <sum>, %add3A_119 masked %reduce_sum3A_163 : vector<16xi32>, vector<16xi1> -> vector<16xi32>
    %reduce_sum3A_165 = vector.extract %reduce_sum3A_164[15] : i32 from vector<16xi32>
    %reduce_sum3A_166 = arith.constant true
    %reduce_sum3A_167 = vector.broadcast %reduce_sum3A_166 : i1 to vector<16xi1>
    %reduce_sum3A_168 = tpu.scan <sum>, %add3A_121 masked %reduce_sum3A_167 : vector<16xi32>, vector<16xi1> -> vector<16xi32>
    %reduce_sum3A_169 = vector.extract %reduce_sum3A_168[15] : i32 from vector<16xi32>
    %reduce_sum3A_170 = arith.constant true
    %reduce_sum3A_171 = vector.broadcast %reduce_sum3A_170 : i1 to vector<16xi1>
    %reduce_sum3A_172 = tpu.scan <sum>, %add3A_123 masked %reduce_sum3A_171 : vector<16xi32>, vector<16xi1> -> vector<16xi32>
    %reduce_sum3A_173 = vector.extract %reduce_sum3A_172[15] : i32 from vector<16xi32>
    %reduce_sum3A_174 = arith.constant true
    %reduce_sum3A_175 = vector.broadcast %reduce_sum3A_174 : i1 to vector<16xi1>
    %reduce_sum3A_176 = tpu.scan <sum>, %add3A_125 masked %reduce_sum3A_175 : vector<16xi32>, vector<16xi1> -> vector<16xi32>
    %reduce_sum3A_177 = vector.extract %reduce_sum3A_176[15] : i32 from vector<16xi32>
    %reduce_sum3A_178 = arith.constant true
    %reduce_sum3A_179 = vector.broadcast %reduce_sum3A_178 : i1 to vector<16xi1>
    %reduce_sum3A_180 = tpu.scan <sum>, %add3A_127 masked %reduce_sum3A_179 : vector<16xi32>, vector<16xi1> -> vector<16xi32>
    %reduce_sum3A_181 = vector.extract %reduce_sum3A_180[15] : i32 from vector<16xi32>
    %reduce_sum3A_182 = arith.constant true
    %reduce_sum3A_183 = vector.broadcast %reduce_sum3A_182 : i1 to vector<16xi1>
    %reduce_sum3A_184 = tpu.scan <sum>, %add3A_129 masked %reduce_sum3A_183 : vector<16xi32>, vector<16xi1> -> vector<16xi32>
    %reduce_sum3A_185 = vector.extract %reduce_sum3A_184[15] : i32 from vector<16xi32>
    %reduce_sum3A_186 = arith.constant true
    %reduce_sum3A_187 = vector.broadcast %reduce_sum3A_186 : i1 to vector<16xi1>
    %reduce_sum3A_188 = tpu.scan <sum>, %add3A_131 masked %reduce_sum3A_187 : vector<16xi32>, vector<16xi1> -> vector<16xi32>
    %reduce_sum3A_189 = vector.extract %reduce_sum3A_188[15] : i32 from vector<16xi32>
    %reduce_sum3A_190 = arith.constant true
    %reduce_sum3A_191 = vector.broadcast %reduce_sum3A_190 : i1 to vector<16xi1>
    %reduce_sum3A_192 = tpu.scan <sum>, %add3A_133 masked %reduce_sum3A_191 : vector<16xi32>, vector<16xi1> -> vector<16xi32>
    %reduce_sum3A_193 = vector.extract %reduce_sum3A_192[15] : i32 from vector<16xi32>
    %reduce_sum3A_194 = arith.constant true
    %reduce_sum3A_195 = vector.broadcast %reduce_sum3A_194 : i1 to vector<16xi1>
    %reduce_sum3A_196 = tpu.scan <sum>, %add3A_135 masked %reduce_sum3A_195 : vector<16xi32>, vector<16xi1> -> vector<16xi32>
    %reduce_sum3A_197 = vector.extract %reduce_sum3A_196[15] : i32 from vector<16xi32>
    %reduce_sum3A_198 = arith.constant true
    %reduce_sum3A_199 = vector.broadcast %reduce_sum3A_198 : i1 to vector<16xi1>
    %reduce_sum3A_200 = tpu.scan <sum>, %add3A_137 masked %reduce_sum3A_199 : vector<16xi32>, vector<16xi1> -> vector<16xi32>
    %reduce_sum3A_201 = vector.extract %reduce_sum3A_200[15] : i32 from vector<16xi32>
    %reduce_sum3A_202 = arith.constant true
    %reduce_sum3A_203 = vector.broadcast %reduce_sum3A_202 : i1 to vector<16xi1>
    %reduce_sum3A_204 = tpu.scan <sum>, %broadcast_in_dim3A_9 masked %reduce_sum3A_203 : vector<16xi32>, vector<16xi1> -> vector<16xi32>
    %reduce_sum3A_205 = vector.extract %reduce_sum3A_204[15] : i32 from vector<16xi32>
    %reduce_sum3A_206 = arith.constant true
    %reduce_sum3A_207 = vector.broadcast %reduce_sum3A_206 : i1 to vector<16xi1>
    %reduce_sum3A_208 = tpu.scan <sum>, %add3A_110 masked %reduce_sum3A_207 : vector<16xi32>, vector<16xi1> -> vector<16xi32>
    %reduce_sum3A_209 = vector.extract %reduce_sum3A_208[15] : i32 from vector<16xi32>
    %reduce_sum3A_210 = arith.constant true
    %reduce_sum3A_211 = vector.broadcast %reduce_sum3A_210 : i1 to vector<16xi1>
    %reduce_sum3A_212 = tpu.scan <sum>, %add3A_112 masked %reduce_sum3A_211 : vector<16xi32>, vector<16xi1> -> vector<16xi32>
    %reduce_sum3A_213 = vector.extract %reduce_sum3A_212[15] : i32 from vector<16xi32>
    %reduce_sum3A_214 = arith.constant true
    %reduce_sum3A_215 = vector.broadcast %reduce_sum3A_214 : i1 to vector<16xi1>
    %reduce_sum3A_216 = tpu.scan <sum>, %add3A_114 masked %reduce_sum3A_215 : vector<16xi32>, vector<16xi1> -> vector<16xi32>
    %reduce_sum3A_217 = vector.extract %reduce_sum3A_216[15] : i32 from vector<16xi32>
    %reduce_sum3A_218 = arith.constant true
    %reduce_sum3A_219 = vector.broadcast %reduce_sum3A_218 : i1 to vector<16xi1>
    %reduce_sum3A_220 = tpu.scan <sum>, %add3A_116 masked %reduce_sum3A_219 : vector<16xi32>, vector<16xi1> -> vector<16xi32>
    %reduce_sum3A_221 = vector.extract %reduce_sum3A_220[15] : i32 from vector<16xi32>
    %reduce_sum3A_222 = arith.constant true
    %reduce_sum3A_223 = vector.broadcast %reduce_sum3A_222 : i1 to vector<16xi1>
    %reduce_sum3A_224 = tpu.scan <sum>, %add3A_118 masked %reduce_sum3A_223 : vector<16xi32>, vector<16xi1> -> vector<16xi32>
    %reduce_sum3A_225 = vector.extract %reduce_sum3A_224[15] : i32 from vector<16xi32>
    %reduce_sum3A_226 = arith.constant true
    %reduce_sum3A_227 = vector.broadcast %reduce_sum3A_226 : i1 to vector<16xi1>
    %reduce_sum3A_228 = tpu.scan <sum>, %add3A_120 masked %reduce_sum3A_227 : vector<16xi32>, vector<16xi1> -> vector<16xi32>
    %reduce_sum3A_229 = vector.extract %reduce_sum3A_228[15] : i32 from vector<16xi32>
    %reduce_sum3A_230 = arith.constant true
    %reduce_sum3A_231 = vector.broadcast %reduce_sum3A_230 : i1 to vector<16xi1>
    %reduce_sum3A_232 = tpu.scan <sum>, %add3A_122 masked %reduce_sum3A_231 : vector<16xi32>, vector<16xi1> -> vector<16xi32>
    %reduce_sum3A_233 = vector.extract %reduce_sum3A_232[15] : i32 from vector<16xi32>
    %reduce_sum3A_234 = arith.constant true
    %reduce_sum3A_235 = vector.broadcast %reduce_sum3A_234 : i1 to vector<16xi1>
    %reduce_sum3A_236 = tpu.scan <sum>, %add3A_124 masked %reduce_sum3A_235 : vector<16xi32>, vector<16xi1> -> vector<16xi32>
    %reduce_sum3A_237 = vector.extract %reduce_sum3A_236[15] : i32 from vector<16xi32>
    %reduce_sum3A_238 = arith.constant true
    %reduce_sum3A_239 = vector.broadcast %reduce_sum3A_238 : i1 to vector<16xi1>
    %reduce_sum3A_240 = tpu.scan <sum>, %add3A_126 masked %reduce_sum3A_239 : vector<16xi32>, vector<16xi1> -> vector<16xi32>
    %reduce_sum3A_241 = vector.extract %reduce_sum3A_240[15] : i32 from vector<16xi32>
    %reduce_sum3A_242 = arith.constant true
    %reduce_sum3A_243 = vector.broadcast %reduce_sum3A_242 : i1 to vector<16xi1>
    %reduce_sum3A_244 = tpu.scan <sum>, %add3A_128 masked %reduce_sum3A_243 : vector<16xi32>, vector<16xi1> -> vector<16xi32>
    %reduce_sum3A_245 = vector.extract %reduce_sum3A_244[15] : i32 from vector<16xi32>
    %reduce_sum3A_246 = arith.constant true
    %reduce_sum3A_247 = vector.broadcast %reduce_sum3A_246 : i1 to vector<16xi1>
    %reduce_sum3A_248 = tpu.scan <sum>, %add3A_130 masked %reduce_sum3A_247 : vector<16xi32>, vector<16xi1> -> vector<16xi32>
    %reduce_sum3A_249 = vector.extract %reduce_sum3A_248[15] : i32 from vector<16xi32>
    %reduce_sum3A_250 = arith.constant true
    %reduce_sum3A_251 = vector.broadcast %reduce_sum3A_250 : i1 to vector<16xi1>
    %reduce_sum3A_252 = tpu.scan <sum>, %add3A_132 masked %reduce_sum3A_251 : vector<16xi32>, vector<16xi1> -> vector<16xi32>
    %reduce_sum3A_253 = vector.extract %reduce_sum3A_252[15] : i32 from vector<16xi32>
    %reduce_sum3A_254 = arith.constant true
    %reduce_sum3A_255 = vector.broadcast %reduce_sum3A_254 : i1 to vector<16xi1>
    %reduce_sum3A_256 = tpu.scan <sum>, %add3A_134 masked %reduce_sum3A_255 : vector<16xi32>, vector<16xi1> -> vector<16xi32>
    %reduce_sum3A_257 = vector.extract %reduce_sum3A_256[15] : i32 from vector<16xi32>
    %reduce_sum3A_258 = arith.constant true
    %reduce_sum3A_259 = vector.broadcast %reduce_sum3A_258 : i1 to vector<16xi1>
    %reduce_sum3A_260 = tpu.scan <sum>, %add3A_136 masked %reduce_sum3A_259 : vector<16xi32>, vector<16xi1> -> vector<16xi32>
    %reduce_sum3A_261 = vector.extract %reduce_sum3A_260[15] : i32 from vector<16xi32>
    %reduce_sum3A_262 = arith.constant true
    %reduce_sum3A_263 = vector.broadcast %reduce_sum3A_262 : i1 to vector<16xi1>
    %reduce_sum3A_264 = tpu.scan <sum>, %add3A_138 masked %reduce_sum3A_263 : vector<16xi32>, vector<16xi1> -> vector<16xi32>
    %reduce_sum3A_265 = vector.extract %reduce_sum3A_264[15] : i32 from vector<16xi32>
    %broadcast_in_dim3A_266 = arith.constant true
    %broadcast_in_dim3A_267 = vector.broadcast %broadcast_in_dim3A_266 : i1 to vector<16xi1>
    %masked_cumsum3A = tpu.scan <sum>, %get3A_47 masked %broadcast_in_dim3A_267 : vector<16xi32>, vector<16xi1> -> vector<16xi32>
    %broadcast_in_dim3A_268 = arith.constant true
    %broadcast_in_dim3A_269 = vector.broadcast %broadcast_in_dim3A_268 : i1 to vector<16xi1>
    %masked_cumsum3A_270 = tpu.scan <sum>, %get3A_49 masked %broadcast_in_dim3A_269 : vector<16xi32>, vector<16xi1> -> vector<16xi32>
    %broadcast_in_dim3A_271 = arith.constant true
    %broadcast_in_dim3A_272 = vector.broadcast %broadcast_in_dim3A_271 : i1 to vector<16xi1>
    %masked_cumsum3A_273 = tpu.scan <sum>, %get3A_51 masked %broadcast_in_dim3A_272 : vector<16xi32>, vector<16xi1> -> vector<16xi32>
    %broadcast_in_dim3A_274 = arith.constant true
    %broadcast_in_dim3A_275 = vector.broadcast %broadcast_in_dim3A_274 : i1 to vector<16xi1>
    %masked_cumsum3A_276 = tpu.scan <sum>, %get3A_53 masked %broadcast_in_dim3A_275 : vector<16xi32>, vector<16xi1> -> vector<16xi32>
    %broadcast_in_dim3A_277 = arith.constant true
    %broadcast_in_dim3A_278 = vector.broadcast %broadcast_in_dim3A_277 : i1 to vector<16xi1>
    %masked_cumsum3A_279 = tpu.scan <sum>, %get3A_55 masked %broadcast_in_dim3A_278 : vector<16xi32>, vector<16xi1> -> vector<16xi32>
    %broadcast_in_dim3A_280 = arith.constant true
    %broadcast_in_dim3A_281 = vector.broadcast %broadcast_in_dim3A_280 : i1 to vector<16xi1>
    %masked_cumsum3A_282 = tpu.scan <sum>, %get3A_57 masked %broadcast_in_dim3A_281 : vector<16xi32>, vector<16xi1> -> vector<16xi32>
    %broadcast_in_dim3A_283 = arith.constant true
    %broadcast_in_dim3A_284 = vector.broadcast %broadcast_in_dim3A_283 : i1 to vector<16xi1>
    %masked_cumsum3A_285 = tpu.scan <sum>, %get3A_59 masked %broadcast_in_dim3A_284 : vector<16xi32>, vector<16xi1> -> vector<16xi32>
    %broadcast_in_dim3A_286 = arith.constant true
    %broadcast_in_dim3A_287 = vector.broadcast %broadcast_in_dim3A_286 : i1 to vector<16xi1>
    %masked_cumsum3A_288 = tpu.scan <sum>, %get3A_61 masked %broadcast_in_dim3A_287 : vector<16xi32>, vector<16xi1> -> vector<16xi32>
    %broadcast_in_dim3A_289 = arith.constant true
    %broadcast_in_dim3A_290 = vector.broadcast %broadcast_in_dim3A_289 : i1 to vector<16xi1>
    %masked_cumsum3A_291 = tpu.scan <sum>, %get3A_63 masked %broadcast_in_dim3A_290 : vector<16xi32>, vector<16xi1> -> vector<16xi32>
    %broadcast_in_dim3A_292 = arith.constant true
    %broadcast_in_dim3A_293 = vector.broadcast %broadcast_in_dim3A_292 : i1 to vector<16xi1>
    %masked_cumsum3A_294 = tpu.scan <sum>, %get3A_65 masked %broadcast_in_dim3A_293 : vector<16xi32>, vector<16xi1> -> vector<16xi32>
    %broadcast_in_dim3A_295 = arith.constant true
    %broadcast_in_dim3A_296 = vector.broadcast %broadcast_in_dim3A_295 : i1 to vector<16xi1>
    %masked_cumsum3A_297 = tpu.scan <sum>, %get3A_67 masked %broadcast_in_dim3A_296 : vector<16xi32>, vector<16xi1> -> vector<16xi32>
    %broadcast_in_dim3A_298 = arith.constant true
    %broadcast_in_dim3A_299 = vector.broadcast %broadcast_in_dim3A_298 : i1 to vector<16xi1>
    %masked_cumsum3A_300 = tpu.scan <sum>, %get3A_69 masked %broadcast_in_dim3A_299 : vector<16xi32>, vector<16xi1> -> vector<16xi32>
    %broadcast_in_dim3A_301 = arith.constant true
    %broadcast_in_dim3A_302 = vector.broadcast %broadcast_in_dim3A_301 : i1 to vector<16xi1>
    %masked_cumsum3A_303 = tpu.scan <sum>, %get3A_71 masked %broadcast_in_dim3A_302 : vector<16xi32>, vector<16xi1> -> vector<16xi32>
    %broadcast_in_dim3A_304 = arith.constant true
    %broadcast_in_dim3A_305 = vector.broadcast %broadcast_in_dim3A_304 : i1 to vector<16xi1>
    %masked_cumsum3A_306 = tpu.scan <sum>, %get3A_73 masked %broadcast_in_dim3A_305 : vector<16xi32>, vector<16xi1> -> vector<16xi32>
    %broadcast_in_dim3A_307 = arith.constant true
    %broadcast_in_dim3A_308 = vector.broadcast %broadcast_in_dim3A_307 : i1 to vector<16xi1>
    %masked_cumsum3A_309 = tpu.scan <sum>, %get3A_75 masked %broadcast_in_dim3A_308 : vector<16xi32>, vector<16xi1> -> vector<16xi32>
    %broadcast_in_dim3A_310 = arith.constant true
    %broadcast_in_dim3A_311 = vector.broadcast %broadcast_in_dim3A_310 : i1 to vector<16xi1>
    %masked_cumsum3A_312 = tpu.scan <sum>, %get3A_77 masked %broadcast_in_dim3A_311 : vector<16xi32>, vector<16xi1> -> vector<16xi32>
    %broadcast_in_dim3A_313 = arith.constant true
    %broadcast_in_dim3A_314 = vector.broadcast %broadcast_in_dim3A_313 : i1 to vector<16xi1>
    %masked_cumsum3A_315 = tpu.scan <sum>, %get3A_79 masked %broadcast_in_dim3A_314 : vector<16xi32>, vector<16xi1> -> vector<16xi32>
    %broadcast_in_dim3A_316 = arith.constant true
    %broadcast_in_dim3A_317 = vector.broadcast %broadcast_in_dim3A_316 : i1 to vector<16xi1>
    %masked_cumsum3A_318 = tpu.scan <sum>, %get3A_81 masked %broadcast_in_dim3A_317 : vector<16xi32>, vector<16xi1> -> vector<16xi32>
    %broadcast_in_dim3A_319 = arith.constant true
    %broadcast_in_dim3A_320 = vector.broadcast %broadcast_in_dim3A_319 : i1 to vector<16xi1>
    %masked_cumsum3A_321 = tpu.scan <sum>, %get3A_83 masked %broadcast_in_dim3A_320 : vector<16xi32>, vector<16xi1> -> vector<16xi32>
    %broadcast_in_dim3A_322 = arith.constant true
    %broadcast_in_dim3A_323 = vector.broadcast %broadcast_in_dim3A_322 : i1 to vector<16xi1>
    %masked_cumsum3A_324 = tpu.scan <sum>, %get3A_85 masked %broadcast_in_dim3A_323 : vector<16xi32>, vector<16xi1> -> vector<16xi32>
    %broadcast_in_dim3A_325 = arith.constant true
    %broadcast_in_dim3A_326 = vector.broadcast %broadcast_in_dim3A_325 : i1 to vector<16xi1>
    %masked_cumsum3A_327 = tpu.scan <sum>, %get3A_87 masked %broadcast_in_dim3A_326 : vector<16xi32>, vector<16xi1> -> vector<16xi32>
    %broadcast_in_dim3A_328 = arith.constant true
    %broadcast_in_dim3A_329 = vector.broadcast %broadcast_in_dim3A_328 : i1 to vector<16xi1>
    %masked_cumsum3A_330 = tpu.scan <sum>, %get3A_89 masked %broadcast_in_dim3A_329 : vector<16xi32>, vector<16xi1> -> vector<16xi32>
    %broadcast_in_dim3A_331 = arith.constant true
    %broadcast_in_dim3A_332 = vector.broadcast %broadcast_in_dim3A_331 : i1 to vector<16xi1>
    %masked_cumsum3A_333 = tpu.scan <sum>, %get3A_91 masked %broadcast_in_dim3A_332 : vector<16xi32>, vector<16xi1> -> vector<16xi32>
    %broadcast_in_dim3A_334 = arith.constant true
    %broadcast_in_dim3A_335 = vector.broadcast %broadcast_in_dim3A_334 : i1 to vector<16xi1>
    %masked_cumsum3A_336 = tpu.scan <sum>, %get3A_93 masked %broadcast_in_dim3A_335 : vector<16xi32>, vector<16xi1> -> vector<16xi32>
    %broadcast_in_dim3A_337 = arith.constant true
    %broadcast_in_dim3A_338 = vector.broadcast %broadcast_in_dim3A_337 : i1 to vector<16xi1>
    %masked_cumsum3A_339 = tpu.scan <sum>, %get3A_95 masked %broadcast_in_dim3A_338 : vector<16xi32>, vector<16xi1> -> vector<16xi32>
    %broadcast_in_dim3A_340 = arith.constant true
    %broadcast_in_dim3A_341 = vector.broadcast %broadcast_in_dim3A_340 : i1 to vector<16xi1>
    %masked_cumsum3A_342 = tpu.scan <sum>, %get3A_97 masked %broadcast_in_dim3A_341 : vector<16xi32>, vector<16xi1> -> vector<16xi32>
    %broadcast_in_dim3A_343 = arith.constant true
    %broadcast_in_dim3A_344 = vector.broadcast %broadcast_in_dim3A_343 : i1 to vector<16xi1>
    %masked_cumsum3A_345 = tpu.scan <sum>, %get3A_99 masked %broadcast_in_dim3A_344 : vector<16xi32>, vector<16xi1> -> vector<16xi32>
    %broadcast_in_dim3A_346 = arith.constant true
    %broadcast_in_dim3A_347 = vector.broadcast %broadcast_in_dim3A_346 : i1 to vector<16xi1>
    %masked_cumsum3A_348 = tpu.scan <sum>, %get3A_101 masked %broadcast_in_dim3A_347 : vector<16xi32>, vector<16xi1> -> vector<16xi32>
    %broadcast_in_dim3A_349 = arith.constant true
    %broadcast_in_dim3A_350 = vector.broadcast %broadcast_in_dim3A_349 : i1 to vector<16xi1>
    %masked_cumsum3A_351 = tpu.scan <sum>, %get3A_103 masked %broadcast_in_dim3A_350 : vector<16xi32>, vector<16xi1> -> vector<16xi32>
    %broadcast_in_dim3A_352 = arith.constant true
    %broadcast_in_dim3A_353 = vector.broadcast %broadcast_in_dim3A_352 : i1 to vector<16xi1>
    %masked_cumsum3A_354 = tpu.scan <sum>, %get3A_105 masked %broadcast_in_dim3A_353 : vector<16xi32>, vector<16xi1> -> vector<16xi32>
    %broadcast_in_dim3A_355 = arith.constant true
    %broadcast_in_dim3A_356 = vector.broadcast %broadcast_in_dim3A_355 : i1 to vector<16xi1>
    %masked_cumsum3A_357 = tpu.scan <sum>, %get3A_107 masked %broadcast_in_dim3A_356 : vector<16xi32>, vector<16xi1> -> vector<16xi32>
    %broadcast_in_dim3A_358 = arith.constant true
    %broadcast_in_dim3A_359 = vector.broadcast %broadcast_in_dim3A_358 : i1 to vector<16xi1>
    %masked_cumsum3A_360 = tpu.scan <sum>, %get3A_109 masked %broadcast_in_dim3A_359 : vector<16xi32>, vector<16xi1> -> vector<16xi32>
    %add3A_361 = vector.broadcast %reduce_sum3A_141 : i32 to vector<16xi32>
    %add3A_362 = arith.addi %masked_cumsum3A, %add3A_361 : vector<16xi32>
    %swap3A = arith.constant 0 : index
    %swap3A_363 = tpu.vector_load %arg13[%swap3A] {strides = array<i32>} : memref<512xi32, #tpu.memory_space<vmem>>, vector<16xi32>,
    tpu.vector_store %arg13[%swap3A], %add3A_362 {strides = array<i32>} : memref<512xi32, #tpu.memory_space<vmem>>, vector<16xi32>,
    %add3A_364 = vector.broadcast %reduce_sum3A_205 : i32 to vector<16xi32>
    %add3A_365 = arith.addi %masked_cumsum3A_315, %add3A_364 : vector<16xi32>
    %swap3A_366 = arith.constant 256 : index
    %swap3A_367 = tpu.vector_load %arg13[%swap3A_366] {strides = array<i32>} : memref<512xi32, #tpu.memory_space<vmem>>, vector<16xi32>,
    tpu.vector_store %arg13[%swap3A_366], %add3A_365 {strides = array<i32>} : memref<512xi32, #tpu.memory_space<vmem>>, vector<16xi32>,
    %add3A_368 = vector.broadcast %reduce_sum3A_145 : i32 to vector<16xi32>
    %add3A_369 = arith.addi %masked_cumsum3A_270, %add3A_368 : vector<16xi32>
    %swap3A_370 = arith.constant 16 : index
    %swap3A_371 = tpu.vector_load %arg13[%swap3A_370] {strides = array<i32>} : memref<512xi32, #tpu.memory_space<vmem>>, vector<16xi32>,
    tpu.vector_store %arg13[%swap3A_370], %add3A_369 {strides = array<i32>} : memref<512xi32, #tpu.memory_space<vmem>>, vector<16xi32>,
    %add3A_372 = vector.broadcast %reduce_sum3A_209 : i32 to vector<16xi32>
    %add3A_373 = arith.addi %masked_cumsum3A_318, %add3A_372 : vector<16xi32>
    %swap3A_374 = arith.constant 272 : index
    %swap3A_375 = tpu.vector_load %arg13[%swap3A_374] {strides = array<i32>} : memref<512xi32, #tpu.memory_space<vmem>>, vector<16xi32>,
    tpu.vector_store %arg13[%swap3A_374], %add3A_373 {strides = array<i32>} : memref<512xi32, #tpu.memory_space<vmem>>, vector<16xi32>,
    %add3A_376 = vector.broadcast %reduce_sum3A_149 : i32 to vector<16xi32>
    %add3A_377 = arith.addi %masked_cumsum3A_273, %add3A_376 : vector<16xi32>
    %swap3A_378 = arith.constant 32 : index
    %swap3A_379 = tpu.vector_load %arg13[%swap3A_378] {strides = array<i32>} : memref<512xi32, #tpu.memory_space<vmem>>, vector<16xi32>,
    tpu.vector_store %arg13[%swap3A_378], %add3A_377 {strides = array<i32>} : memref<512xi32, #tpu.memory_space<vmem>>, vector<16xi32>,
    %add3A_380 = vector.broadcast %reduce_sum3A_213 : i32 to vector<16xi32>
    %add3A_381 = arith.addi %masked_cumsum3A_321, %add3A_380 : vector<16xi32>
    %swap3A_382 = arith.constant 288 : index
    %swap3A_383 = tpu.vector_load %arg13[%swap3A_382] {strides = array<i32>} : memref<512xi32, #tpu.memory_space<vmem>>, vector<16xi32>,
    tpu.vector_store %arg13[%swap3A_382], %add3A_381 {strides = array<i32>} : memref<512xi32, #tpu.memory_space<vmem>>, vector<16xi32>,
    %add3A_384 = vector.broadcast %reduce_sum3A_153 : i32 to vector<16xi32>
    %add3A_385 = arith.addi %masked_cumsum3A_276, %add3A_384 : vector<16xi32>
    %swap3A_386 = arith.constant 48 : index
    %swap3A_387 = tpu.vector_load %arg13[%swap3A_386] {strides = array<i32>} : memref<512xi32, #tpu.memory_space<vmem>>, vector<16xi32>,
    tpu.vector_store %arg13[%swap3A_386], %add3A_385 {strides = array<i32>} : memref<512xi32, #tpu.memory_space<vmem>>, vector<16xi32>,
    %add3A_388 = vector.broadcast %reduce_sum3A_217 : i32 to vector<16xi32>
    %add3A_389 = arith.addi %masked_cumsum3A_324, %add3A_388 : vector<16xi32>
    %swap3A_390 = arith.constant 304 : index
    %swap3A_391 = tpu.vector_load %arg13[%swap3A_390] {strides = array<i32>} : memref<512xi32, #tpu.memory_space<vmem>>, vector<16xi32>,
    tpu.vector_store %arg13[%swap3A_390], %add3A_389 {strides = array<i32>} : memref<512xi32, #tpu.memory_space<vmem>>, vector<16xi32>,
    %add3A_392 = vector.broadcast %reduce_sum3A_157 : i32 to vector<16xi32>
    %add3A_393 = arith.addi %masked_cumsum3A_279, %add3A_392 : vector<16xi32>
    %swap3A_394 = arith.constant 64 : index
    %swap3A_395 = tpu.vector_load %arg13[%swap3A_394] {strides = array<i32>} : memref<512xi32, #tpu.memory_space<vmem>>, vector<16xi32>,
    tpu.vector_store %arg13[%swap3A_394], %add3A_393 {strides = array<i32>} : memref<512xi32, #tpu.memory_space<vmem>>, vector<16xi32>,
    %add3A_396 = vector.broadcast %reduce_sum3A_221 : i32 to vector<16xi32>
    %add3A_397 = arith.addi %masked_cumsum3A_327, %add3A_396 : vector<16xi32>
    %swap3A_398 = arith.constant 320 : index
    %swap3A_399 = tpu.vector_load %arg13[%swap3A_398] {strides = array<i32>} : memref<512xi32, #tpu.memory_space<vmem>>, vector<16xi32>,
    tpu.vector_store %arg13[%swap3A_398], %add3A_397 {strides = array<i32>} : memref<512xi32, #tpu.memory_space<vmem>>, vector<16xi32>,
    %add3A_400 = vector.broadcast %reduce_sum3A_161 : i32 to vector<16xi32>
    %add3A_401 = arith.addi %masked_cumsum3A_282, %add3A_400 : vector<16xi32>
    %swap3A_402 = arith.constant 80 : index
    %swap3A_403 = tpu.vector_load %arg13[%swap3A_402] {strides = array<i32>} : memref<512xi32, #tpu.memory_space<vmem>>, vector<16xi32>,
    tpu.vector_store %arg13[%swap3A_402], %add3A_401 {strides = array<i32>} : memref<512xi32, #tpu.memory_space<vmem>>, vector<16xi32>,
    %add3A_404 = vector.broadcast %reduce_sum3A_225 : i32 to vector<16xi32>
    %add3A_405 = arith.addi %masked_cumsum3A_330, %add3A_404 : vector<16xi32>
    %swap3A_406 = arith.constant 336 : index
    %swap3A_407 = tpu.vector_load %arg13[%swap3A_406] {strides = array<i32>} : memref<512xi32, #tpu.memory_space<vmem>>, vector<16xi32>,
    tpu.vector_store %arg13[%swap3A_406], %add3A_405 {strides = array<i32>} : memref<512xi32, #tpu.memory_space<vmem>>, vector<16xi32>,
    %add3A_408 = vector.broadcast %reduce_sum3A_165 : i32 to vector<16xi32>
    %add3A_409 = arith.addi %masked_cumsum3A_285, %add3A_408 : vector<16xi32>
    %swap3A_410 = arith.constant 96 : index
    %swap3A_411 = tpu.vector_load %arg13[%swap3A_410] {strides = array<i32>} : memref<512xi32, #tpu.memory_space<vmem>>, vector<16xi32>,
    tpu.vector_store %arg13[%swap3A_410], %add3A_409 {strides = array<i32>} : memref<512xi32, #tpu.memory_space<vmem>>, vector<16xi32>,
    %add3A_412 = vector.broadcast %reduce_sum3A_229 : i32 to vector<16xi32>
    %add3A_413 = arith.addi %masked_cumsum3A_333, %add3A_412 : vector<16xi32>
    %swap3A_414 = arith.constant 352 : index
    %swap3A_415 = tpu.vector_load %arg13[%swap3A_414] {strides = array<i32>} : memref<512xi32, #tpu.memory_space<vmem>>, vector<16xi32>,
    tpu.vector_store %arg13[%swap3A_414], %add3A_413 {strides = array<i32>} : memref<512xi32, #tpu.memory_space<vmem>>, vector<16xi32>,
    %add3A_416 = vector.broadcast %reduce_sum3A_169 : i32 to vector<16xi32>
    %add3A_417 = arith.addi %masked_cumsum3A_288, %add3A_416 : vector<16xi32>
    %swap3A_418 = arith.constant 112 : index
    %swap3A_419 = tpu.vector_load %arg13[%swap3A_418] {strides = array<i32>} : memref<512xi32, #tpu.memory_space<vmem>>, vector<16xi32>,
    tpu.vector_store %arg13[%swap3A_418], %add3A_417 {strides = array<i32>} : memref<512xi32, #tpu.memory_space<vmem>>, vector<16xi32>,
    %add3A_420 = vector.broadcast %reduce_sum3A_233 : i32 to vector<16xi32>
    %add3A_421 = arith.addi %masked_cumsum3A_336, %add3A_420 : vector<16xi32>
    %swap3A_422 = arith.constant 368 : index
    %swap3A_423 = tpu.vector_load %arg13[%swap3A_422] {strides = array<i32>} : memref<512xi32, #tpu.memory_space<vmem>>, vector<16xi32>,
    tpu.vector_store %arg13[%swap3A_422], %add3A_421 {strides = array<i32>} : memref<512xi32, #tpu.memory_space<vmem>>, vector<16xi32>,
    %add3A_424 = vector.broadcast %reduce_sum3A_173 : i32 to vector<16xi32>
    %add3A_425 = arith.addi %masked_cumsum3A_291, %add3A_424 : vector<16xi32>
    %swap3A_426 = arith.constant 128 : index
    %swap3A_427 = tpu.vector_load %arg13[%swap3A_426] {strides = array<i32>} : memref<512xi32, #tpu.memory_space<vmem>>, vector<16xi32>,
    tpu.vector_store %arg13[%swap3A_426], %add3A_425 {strides = array<i32>} : memref<512xi32, #tpu.memory_space<vmem>>, vector<16xi32>,
    %add3A_428 = vector.broadcast %reduce_sum3A_237 : i32 to vector<16xi32>
    %add3A_429 = arith.addi %masked_cumsum3A_339, %add3A_428 : vector<16xi32>
    %swap3A_430 = arith.constant 384 : index
    %swap3A_431 = tpu.vector_load %arg13[%swap3A_430] {strides = array<i32>} : memref<512xi32, #tpu.memory_space<vmem>>, vector<16xi32>,
    tpu.vector_store %arg13[%swap3A_430], %add3A_429 {strides = array<i32>} : memref<512xi32, #tpu.memory_space<vmem>>, vector<16xi32>,
    %add3A_432 = vector.broadcast %reduce_sum3A_177 : i32 to vector<16xi32>
    %add3A_433 = arith.addi %masked_cumsum3A_294, %add3A_432 : vector<16xi32>
    %swap3A_434 = arith.constant 144 : index
    %swap3A_435 = tpu.vector_load %arg13[%swap3A_434] {strides = array<i32>} : memref<512xi32, #tpu.memory_space<vmem>>, vector<16xi32>,
    tpu.vector_store %arg13[%swap3A_434], %add3A_433 {strides = array<i32>} : memref<512xi32, #tpu.memory_space<vmem>>, vector<16xi32>,
    %add3A_436 = vector.broadcast %reduce_sum3A_241 : i32 to vector<16xi32>
    %add3A_437 = arith.addi %masked_cumsum3A_342, %add3A_436 : vector<16xi32>
    %swap3A_438 = arith.constant 400 : index
    %swap3A_439 = tpu.vector_load %arg13[%swap3A_438] {strides = array<i32>} : memref<512xi32, #tpu.memory_space<vmem>>, vector<16xi32>,
    tpu.vector_store %arg13[%swap3A_438], %add3A_437 {strides = array<i32>} : memref<512xi32, #tpu.memory_space<vmem>>, vector<16xi32>,
    %add3A_440 = vector.broadcast %reduce_sum3A_181 : i32 to vector<16xi32>
    %add3A_441 = arith.addi %masked_cumsum3A_297, %add3A_440 : vector<16xi32>
    %swap3A_442 = arith.constant 160 : index
    %swap3A_443 = tpu.vector_load %arg13[%swap3A_442] {strides = array<i32>} : memref<512xi32, #tpu.memory_space<vmem>>, vector<16xi32>,
    tpu.vector_store %arg13[%swap3A_442], %add3A_441 {strides = array<i32>} : memref<512xi32, #tpu.memory_space<vmem>>, vector<16xi32>,
    %add3A_444 = vector.broadcast %reduce_sum3A_245 : i32 to vector<16xi32>
    %add3A_445 = arith.addi %masked_cumsum3A_345, %add3A_444 : vector<16xi32>
    %swap3A_446 = arith.constant 416 : index
    %swap3A_447 = tpu.vector_load %arg13[%swap3A_446] {strides = array<i32>} : memref<512xi32, #tpu.memory_space<vmem>>, vector<16xi32>,
    tpu.vector_store %arg13[%swap3A_446], %add3A_445 {strides = array<i32>} : memref<512xi32, #tpu.memory_space<vmem>>, vector<16xi32>,
    %add3A_448 = vector.broadcast %reduce_sum3A_185 : i32 to vector<16xi32>
    %add3A_449 = arith.addi %masked_cumsum3A_300, %add3A_448 : vector<16xi32>
    %swap3A_450 = arith.constant 176 : index
    %swap3A_451 = tpu.vector_load %arg13[%swap3A_450] {strides = array<i32>} : memref<512xi32, #tpu.memory_space<vmem>>, vector<16xi32>,
    tpu.vector_store %arg13[%swap3A_450], %add3A_449 {strides = array<i32>} : memref<512xi32, #tpu.memory_space<vmem>>, vector<16xi32>,
    %add3A_452 = vector.broadcast %reduce_sum3A_249 : i32 to vector<16xi32>
    %add3A_453 = arith.addi %masked_cumsum3A_348, %add3A_452 : vector<16xi32>
    %swap3A_454 = arith.constant 432 : index
    %swap3A_455 = tpu.vector_load %arg13[%swap3A_454] {strides = array<i32>} : memref<512xi32, #tpu.memory_space<vmem>>, vector<16xi32>,
    tpu.vector_store %arg13[%swap3A_454], %add3A_453 {strides = array<i32>} : memref<512xi32, #tpu.memory_space<vmem>>, vector<16xi32>,
    %add3A_456 = vector.broadcast %reduce_sum3A_189 : i32 to vector<16xi32>
    %add3A_457 = arith.addi %masked_cumsum3A_303, %add3A_456 : vector<16xi32>
    %swap3A_458 = arith.constant 192 : index
    %swap3A_459 = tpu.vector_load %arg13[%swap3A_458] {strides = array<i32>} : memref<512xi32, #tpu.memory_space<vmem>>, vector<16xi32>,
    tpu.vector_store %arg13[%swap3A_458], %add3A_457 {strides = array<i32>} : memref<512xi32, #tpu.memory_space<vmem>>, vector<16xi32>,
    %add3A_460 = vector.broadcast %reduce_sum3A_253 : i32 to vector<16xi32>
    %add3A_461 = arith.addi %masked_cumsum3A_351, %add3A_460 : vector<16xi32>
    %swap3A_462 = arith.constant 448 : index
    %swap3A_463 = tpu.vector_load %arg13[%swap3A_462] {strides = array<i32>} : memref<512xi32, #tpu.memory_space<vmem>>, vector<16xi32>,
    tpu.vector_store %arg13[%swap3A_462], %add3A_461 {strides = array<i32>} : memref<512xi32, #tpu.memory_space<vmem>>, vector<16xi32>,
    %add3A_464 = vector.broadcast %reduce_sum3A_193 : i32 to vector<16xi32>
    %add3A_465 = arith.addi %masked_cumsum3A_306, %add3A_464 : vector<16xi32>
    %swap3A_466 = arith.constant 208 : index
    %swap3A_467 = tpu.vector_load %arg13[%swap3A_466] {strides = array<i32>} : memref<512xi32, #tpu.memory_space<vmem>>, vector<16xi32>,
    tpu.vector_store %arg13[%swap3A_466], %add3A_465 {strides = array<i32>} : memref<512xi32, #tpu.memory_space<vmem>>, vector<16xi32>,
    %add3A_468 = vector.broadcast %reduce_sum3A_257 : i32 to vector<16xi32>
    %add3A_469 = arith.addi %masked_cumsum3A_354, %add3A_468 : vector<16xi32>
    %swap3A_470 = arith.constant 464 : index
    %swap3A_471 = tpu.vector_load %arg13[%swap3A_470] {strides = array<i32>} : memref<512xi32, #tpu.memory_space<vmem>>, vector<16xi32>,
    tpu.vector_store %arg13[%swap3A_470], %add3A_469 {strides = array<i32>} : memref<512xi32, #tpu.memory_space<vmem>>, vector<16xi32>,
    %add3A_472 = vector.broadcast %reduce_sum3A_197 : i32 to vector<16xi32>
    %add3A_473 = arith.addi %masked_cumsum3A_309, %add3A_472 : vector<16xi32>
    %swap3A_474 = arith.constant 224 : index
    %swap3A_475 = tpu.vector_load %arg13[%swap3A_474] {strides = array<i32>} : memref<512xi32, #tpu.memory_space<vmem>>, vector<16xi32>,
    tpu.vector_store %arg13[%swap3A_474], %add3A_473 {strides = array<i32>} : memref<512xi32, #tpu.memory_space<vmem>>, vector<16xi32>,
    %add3A_476 = vector.broadcast %reduce_sum3A_261 : i32 to vector<16xi32>
    %add3A_477 = arith.addi %masked_cumsum3A_357, %add3A_476 : vector<16xi32>
    %swap3A_478 = arith.constant 480 : index
    %swap3A_479 = tpu.vector_load %arg13[%swap3A_478] {strides = array<i32>} : memref<512xi32, #tpu.memory_space<vmem>>, vector<16xi32>,
    tpu.vector_store %arg13[%swap3A_478], %add3A_477 {strides = array<i32>} : memref<512xi32, #tpu.memory_space<vmem>>, vector<16xi32>,
    %add3A_480 = vector.broadcast %reduce_sum3A_201 : i32 to vector<16xi32>
    %add3A_481 = arith.addi %masked_cumsum3A_312, %add3A_480 : vector<16xi32>
    %swap3A_482 = arith.constant 240 : index
    %swap3A_483 = tpu.vector_load %arg13[%swap3A_482] {strides = array<i32>} : memref<512xi32, #tpu.memory_space<vmem>>, vector<16xi32>,
    tpu.vector_store %arg13[%swap3A_482], %add3A_481 {strides = array<i32>} : memref<512xi32, #tpu.memory_space<vmem>>, vector<16xi32>,
    %add3A_484 = vector.broadcast %reduce_sum3A_265 : i32 to vector<16xi32>
    %add3A_485 = arith.addi %masked_cumsum3A_360, %add3A_484 : vector<16xi32>
    %swap3A_486 = arith.constant 496 : index
    %swap3A_487 = tpu.vector_load %arg13[%swap3A_486] {strides = array<i32>} : memref<512xi32, #tpu.memory_space<vmem>>, vector<16xi32>,
    tpu.vector_store %arg13[%swap3A_486], %add3A_485 {strides = array<i32>} : memref<512xi32, #tpu.memory_space<vmem>>, vector<16xi32>,
    %gather3A = tpu.vector_load_idx %arg13[%broadcast_in_dim3A_9] : memref<512xi32, #tpu.memory_space<vmem>>[vector<16xi32>], vector<16xi32>,
    %add3A_488 = arith.constant 256 : i32
    %add3A_489 = vector.broadcast %add3A_488 : i32 to vector<16xi32>
    %add3A_490 = arith.addi %broadcast_in_dim3A_9, %add3A_489 : vector<16xi32>
    %gather3A_491 = tpu.vector_load_idx %arg13[%add3A_490] : memref<512xi32, #tpu.memory_space<vmem>>[vector<16xi32>], vector<16xi32>,
    %scan3A_492 = arith.constant 0 : i32
    %scan3A_493 = arith.constant 0 : i32
    %scan3A_494 = arith.constant 16 : i32
    %scan3A_495 = arith.addi %scan3A_493, %scan3A_494 : i32
    %scan3A_496 = arith.constant 1 : i32
    %scan3A_497 = scf.for %scan3A_537 = %scan3A_493 to %scan3A_495 step %scan3A_496 iter_args(%scan3A_538 = %scan3A_492) -> (i32)  : i32 {
      %mul3A_539 = arith.constant 16 : i32
      %mul3A_540 = arith.muli %scan3A_537, %mul3A_539 : i32
      %get3A_541 = arith.index_cast %mul3A_540 : i32 to index
      %get3A_542 = tpu.vector_load %arg13[%get3A_541] {strides = array<i32>} : memref<512xi32, #tpu.memory_space<vmem>>, vector<16xi32>,
      %mul3A_543 = arith.constant 16 : i32
      %mul3A_544 = arith.muli %scan3A_537, %mul3A_543 : i32
      %add3A_545 = arith.constant 256 : i32
      %add3A_546 = arith.addi %add3A_545, %mul3A_544 : i32
      %get3A_547 = arith.index_cast %add3A_546 : i32 to index
      %get3A_548 = tpu.vector_load %arg13[%get3A_547] {strides = array<i32>} : memref<512xi32, #tpu.memory_space<vmem>>, vector<16xi32>,
      %sub3A = arith.subi %get3A_542, %gather3A : vector<16xi32>
      %convert_element_type3A_549 = arith.sitofp %sub3A : vector<16xi32> to vector<16xf32>
      %div3A = arith.constant 2.621430e+05 : f32
      %div3A_550 = vector.broadcast %div3A : f32 to vector<16xf32>
      %div3A_551 = arith.divf %convert_element_type3A_549, %div3A_550 : vector<16xf32>
      %mul3A_552 = arith.constant 16 : i32
      %mul3A_553 = arith.muli %scan3A_537, %mul3A_552 : i32
      %swap3A_554 = arith.index_cast %mul3A_553 : i32 to index
      %swap3A_555 = tpu.vector_load %arg14[%swap3A_554] {strides = array<i32>} : memref<256xf32, #tpu.memory_space<vmem>>, vector<16xf32>,
      tpu.vector_store %arg14[%swap3A_554], %div3A_551 {strides = array<i32>} : memref<256xf32, #tpu.memory_space<vmem>>, vector<16xf32>,
      %sub3A_556 = arith.subi %get3A_548, %gather3A_491 : vector<16xi32>
      %convert_element_type3A_557 = arith.sitofp %sub3A_556 : vector<16xi32> to vector<16xf32>
      %div3A_558 = arith.constant 2.621430e+05 : f32
      %div3A_559 = vector.broadcast %div3A_558 : f32 to vector<16xf32>
      %div3A_560 = arith.divf %convert_element_type3A_557, %div3A_559 : vector<16xf32>
      %mul3A_561 = arith.constant 16 : i32
      %mul3A_562 = arith.muli %scan3A_537, %mul3A_561 : i32
      %swap3A_563 = arith.index_cast %mul3A_562 : i32 to index
      %swap3A_564 = tpu.vector_load %arg15[%swap3A_563] {strides = array<i32>} : memref<256xf32, #tpu.memory_space<vmem>>, vector<16xf32>,
      tpu.vector_store %arg15[%swap3A_563], %div3A_560 {strides = array<i32>} : memref<256xf32, #tpu.memory_space<vmem>>, vector<16xf32>,
      %scan3A_565 = arith.constant 0 : i32
      scf.yield %scan3A_565 : i32
    }
    %scan3A_498 = arith.constant 16 : i32
    %gather3A_499 = tpu.vector_load_idx %arg15[%broadcast_in_dim3A_9] : memref<256xf32, #tpu.memory_space<vmem>>[vector<16xi32>], vector<16xf32>,
    %gather3A_500 = tpu.vector_load_idx %arg15[%broadcast_in_dim3A_11] : memref<256xf32, #tpu.memory_space<vmem>>[vector<16xi32>], vector<16xf32>,
    %gather3A_501 = tpu.vector_load_idx %arg12[%broadcast_in_dim3A_9] : memref<272xf32, #tpu.memory_space<vmem>>[vector<16xi32>], vector<16xf32>,
    %gather3A_502 = tpu.vector_load_idx %arg12[%broadcast_in_dim3A_11] : memref<272xf32, #tpu.memory_space<vmem>>[vector<16xi32>], vector<16xf32>,
    %scan3A_503 = arith.constant 0 : i32
    %scan3A_504 = arith.constant 0 : i32
    %scan3A_505 = arith.constant 4 : i32
    %scan3A_506 = arith.addi %scan3A_504, %scan3A_505 : i32
    %scan3A_507 = arith.constant 1 : i32
    %scan3A_508 = scf.for %scan3A_537 = %scan3A_504 to %scan3A_506 step %scan3A_507 iter_args(%scan3A_538 = %scan3A_503) -> (i32)  : i32 {
      %mul3A_539 = arith.constant 4 : i32
      %mul3A_540 = arith.muli %scan3A_537, %mul3A_539 : i32
      %add3A_541 = arith.constant 0 : i32
      %add3A_542 = arith.addi %mul3A_540, %add3A_541 : i32
      %mul3A_543 = arith.constant 16 : i32
      %mul3A_544 = arith.muli %add3A_542, %mul3A_543 : i32
      %get3A_545 = arith.index_cast %mul3A_544 : i32 to index
      %get3A_546 = tpu.vector_load %arg14[%get3A_545] {strides = array<i32>} : memref<256xf32, #tpu.memory_space<vmem>>, vector<16xf32>,
      %mul3A_547 = arith.constant 4 : i32
      %mul3A_548 = arith.muli %scan3A_537, %mul3A_547 : i32
      %add3A_549 = arith.constant 1 : i32
      %add3A_550 = arith.addi %mul3A_548, %add3A_549 : i32
      %mul3A_551 = arith.constant 16 : i32
      %mul3A_552 = arith.muli %add3A_550, %mul3A_551 : i32
      %get3A_553 = arith.index_cast %mul3A_552 : i32 to index
      %get3A_554 = tpu.vector_load %arg14[%get3A_553] {strides = array<i32>} : memref<256xf32, #tpu.memory_space<vmem>>, vector<16xf32>,
      %mul3A_555 = arith.constant 4 : i32
      %mul3A_556 = arith.muli %scan3A_537, %mul3A_555 : i32
      %add3A_557 = arith.constant 2 : i32
      %add3A_558 = arith.addi %mul3A_556, %add3A_557 : i32
      %mul3A_559 = arith.constant 16 : i32
      %mul3A_560 = arith.muli %add3A_558, %mul3A_559 : i32
      %get3A_561 = arith.index_cast %mul3A_560 : i32 to index
      %get3A_562 = tpu.vector_load %arg14[%get3A_561] {strides = array<i32>} : memref<256xf32, #tpu.memory_space<vmem>>, vector<16xf32>,
      %mul3A_563 = arith.constant 4 : i32
      %mul3A_564 = arith.muli %scan3A_537, %mul3A_563 : i32
      %add3A_565 = arith.constant 3 : i32
      %add3A_566 = arith.addi %mul3A_564, %add3A_565 : i32
      %mul3A_567 = arith.constant 16 : i32
      %mul3A_568 = arith.muli %add3A_566, %mul3A_567 : i32
      %get3A_569 = arith.index_cast %mul3A_568 : i32 to index
      %get3A_570 = tpu.vector_load %arg14[%get3A_569] {strides = array<i32>} : memref<256xf32, #tpu.memory_space<vmem>>, vector<16xf32>,
      %add3A_571 = arith.constant 128 : i32
      %add3A_572 = vector.broadcast %add3A_571 : i32 to vector<16xi32>
      %add3A_573 = arith.addi %broadcast_in_dim3A_9, %add3A_572 : vector<16xi32>
      %add3A_574 = arith.constant 128 : i32
      %add3A_575 = vector.broadcast %add3A_574 : i32 to vector<16xi32>
      %add3A_576 = arith.addi %broadcast_in_dim3A_9, %add3A_575 : vector<16xi32>
      %add3A_577 = arith.constant 128 : i32
      %add3A_578 = vector.broadcast %add3A_577 : i32 to vector<16xi32>
      %add3A_579 = arith.addi %broadcast_in_dim3A_9, %add3A_578 : vector<16xi32>
      %add3A_580 = arith.constant 128 : i32
      %add3A_581 = vector.broadcast %add3A_580 : i32 to vector<16xi32>
      %add3A_582 = arith.addi %broadcast_in_dim3A_9, %add3A_581 : vector<16xi32>
      %sub3A = arith.constant 1 : i32
      %sub3A_583 = vector.broadcast %sub3A : i32 to vector<16xi32>
      %sub3A_584 = arith.subi %add3A_573, %sub3A_583 : vector<16xi32>
      %gather3A_585 = tpu.vector_load_idx %arg15[%sub3A_584] : memref<256xf32, #tpu.memory_space<vmem>>[vector<16xi32>], vector<16xf32>,
      %sub3A_586 = arith.constant 1 : i32
      %sub3A_587 = vector.broadcast %sub3A_586 : i32 to vector<16xi32>
      %sub3A_588 = arith.subi %add3A_576, %sub3A_587 : vector<16xi32>
      %gather3A_589 = tpu.vector_load_idx %arg15[%sub3A_588] : memref<256xf32, #tpu.memory_space<vmem>>[vector<16xi32>], vector<16xf32>,
      %sub3A_590 = arith.constant 1 : i32
      %sub3A_591 = vector.broadcast %sub3A_590 : i32 to vector<16xi32>
      %sub3A_592 = arith.subi %add3A_579, %sub3A_591 : vector<16xi32>
      %gather3A_593 = tpu.vector_load_idx %arg15[%sub3A_592] : memref<256xf32, #tpu.memory_space<vmem>>[vector<16xi32>], vector<16xf32>,
      %sub3A_594 = arith.constant 1 : i32
      %sub3A_595 = vector.broadcast %sub3A_594 : i32 to vector<16xi32>
      %sub3A_596 = arith.subi %add3A_582, %sub3A_595 : vector<16xi32>
      %gather3A_597 = tpu.vector_load_idx %arg15[%sub3A_596] : memref<256xf32, #tpu.memory_space<vmem>>[vector<16xi32>], vector<16xf32>,
      %le3A = arith.cmpf ole, %gather3A_585, %get3A_546 : vector<16xf32>
      %select_n3A = arith.select %le3A, %add3A_573, %broadcast_in_dim3A_9 : vector<16xi1>, vector<16xi32>
      %le3A_598 = arith.cmpf ole, %gather3A_589, %get3A_554 : vector<16xf32>
      %select_n3A_599 = arith.select %le3A_598, %add3A_576, %broadcast_in_dim3A_9 : vector<16xi1>, vector<16xi32>
      %le3A_600 = arith.cmpf ole, %gather3A_593, %get3A_562 : vector<16xf32>
      %select_n3A_601 = arith.select %le3A_600, %add3A_579, %broadcast_in_dim3A_9 : vector<16xi1>, vector<16xi32>
      %le3A_602 = arith.cmpf ole, %gather3A_597, %get3A_570 : vector<16xf32>
      %select_n3A_603 = arith.select %le3A_602, %add3A_582, %broadcast_in_dim3A_9 : vector<16xi1>, vector<16xi32>
      %add3A_604 = arith.constant 64 : i32
      %add3A_605 = vector.broadcast %add3A_604 : i32 to vector<16xi32>
      %add3A_606 = arith.addi %select_n3A, %add3A_605 : vector<16xi32>
      %add3A_607 = arith.constant 64 : i32
      %add3A_608 = vector.broadcast %add3A_607 : i32 to vector<16xi32>
      %add3A_609 = arith.addi %select_n3A_599, %add3A_608 : vector<16xi32>
      %add3A_610 = arith.constant 64 : i32
      %add3A_611 = vector.broadcast %add3A_610 : i32 to vector<16xi32>
      %add3A_612 = arith.addi %select_n3A_601, %add3A_611 : vector<16xi32>
      %add3A_613 = arith.constant 64 : i32
      %add3A_614 = vector.broadcast %add3A_613 : i32 to vector<16xi32>
      %add3A_615 = arith.addi %select_n3A_603, %add3A_614 : vector<16xi32>
      %sub3A_616 = arith.constant 1 : i32
      %sub3A_617 = vector.broadcast %sub3A_616 : i32 to vector<16xi32>
      %sub3A_618 = arith.subi %add3A_606, %sub3A_617 : vector<16xi32>
      %gather3A_619 = tpu.vector_load_idx %arg15[%sub3A_618] : memref<256xf32, #tpu.memory_space<vmem>>[vector<16xi32>], vector<16xf32>,
      %sub3A_620 = arith.constant 1 : i32
      %sub3A_621 = vector.broadcast %sub3A_620 : i32 to vector<16xi32>
      %sub3A_622 = arith.subi %add3A_609, %sub3A_621 : vector<16xi32>
      %gather3A_623 = tpu.vector_load_idx %arg15[%sub3A_622] : memref<256xf32, #tpu.memory_space<vmem>>[vector<16xi32>], vector<16xf32>,
      %sub3A_624 = arith.constant 1 : i32
      %sub3A_625 = vector.broadcast %sub3A_624 : i32 to vector<16xi32>
      %sub3A_626 = arith.subi %add3A_612, %sub3A_625 : vector<16xi32>
      %gather3A_627 = tpu.vector_load_idx %arg15[%sub3A_626] : memref<256xf32, #tpu.memory_space<vmem>>[vector<16xi32>], vector<16xf32>,
      %sub3A_628 = arith.constant 1 : i32
      %sub3A_629 = vector.broadcast %sub3A_628 : i32 to vector<16xi32>
      %sub3A_630 = arith.subi %add3A_615, %sub3A_629 : vector<16xi32>
      %gather3A_631 = tpu.vector_load_idx %arg15[%sub3A_630] : memref<256xf32, #tpu.memory_space<vmem>>[vector<16xi32>], vector<16xf32>,
      %le3A_632 = arith.cmpf ole, %gather3A_619, %get3A_546 : vector<16xf32>
      %select_n3A_633 = arith.select %le3A_632, %add3A_606, %select_n3A : vector<16xi1>, vector<16xi32>
      %le3A_634 = arith.cmpf ole, %gather3A_623, %get3A_554 : vector<16xf32>
      %select_n3A_635 = arith.select %le3A_634, %add3A_609, %select_n3A_599 : vector<16xi1>, vector<16xi32>
      %le3A_636 = arith.cmpf ole, %gather3A_627, %get3A_562 : vector<16xf32>
      %select_n3A_637 = arith.select %le3A_636, %add3A_612, %select_n3A_601 : vector<16xi1>, vector<16xi32>
      %le3A_638 = arith.cmpf ole, %gather3A_631, %get3A_570 : vector<16xf32>
      %select_n3A_639 = arith.select %le3A_638, %add3A_615, %select_n3A_603 : vector<16xi1>, vector<16xi32>
      %add3A_640 = arith.constant 32 : i32
      %add3A_641 = vector.broadcast %add3A_640 : i32 to vector<16xi32>
      %add3A_642 = arith.addi %select_n3A_633, %add3A_641 : vector<16xi32>
      %add3A_643 = arith.constant 32 : i32
      %add3A_644 = vector.broadcast %add3A_643 : i32 to vector<16xi32>
      %add3A_645 = arith.addi %select_n3A_635, %add3A_644 : vector<16xi32>
      %add3A_646 = arith.constant 32 : i32
      %add3A_647 = vector.broadcast %add3A_646 : i32 to vector<16xi32>
      %add3A_648 = arith.addi %select_n3A_637, %add3A_647 : vector<16xi32>
      %add3A_649 = arith.constant 32 : i32
      %add3A_650 = vector.broadcast %add3A_649 : i32 to vector<16xi32>
      %add3A_651 = arith.addi %select_n3A_639, %add3A_650 : vector<16xi32>
      %sub3A_652 = arith.constant 1 : i32
      %sub3A_653 = vector.broadcast %sub3A_652 : i32 to vector<16xi32>
      %sub3A_654 = arith.subi %add3A_642, %sub3A_653 : vector<16xi32>
      %gather3A_655 = tpu.vector_load_idx %arg15[%sub3A_654] : memref<256xf32, #tpu.memory_space<vmem>>[vector<16xi32>], vector<16xf32>,
      %sub3A_656 = arith.constant 1 : i32
      %sub3A_657 = vector.broadcast %sub3A_656 : i32 to vector<16xi32>
      %sub3A_658 = arith.subi %add3A_645, %sub3A_657 : vector<16xi32>
      %gather3A_659 = tpu.vector_load_idx %arg15[%sub3A_658] : memref<256xf32, #tpu.memory_space<vmem>>[vector<16xi32>], vector<16xf32>,
      %sub3A_660 = arith.constant 1 : i32
      %sub3A_661 = vector.broadcast %sub3A_660 : i32 to vector<16xi32>
      %sub3A_662 = arith.subi %add3A_648, %sub3A_661 : vector<16xi32>
      %gather3A_663 = tpu.vector_load_idx %arg15[%sub3A_662] : memref<256xf32, #tpu.memory_space<vmem>>[vector<16xi32>], vector<16xf32>,
      %sub3A_664 = arith.constant 1 : i32
      %sub3A_665 = vector.broadcast %sub3A_664 : i32 to vector<16xi32>
      %sub3A_666 = arith.subi %add3A_651, %sub3A_665 : vector<16xi32>
      %gather3A_667 = tpu.vector_load_idx %arg15[%sub3A_666] : memref<256xf32, #tpu.memory_space<vmem>>[vector<16xi32>], vector<16xf32>,
      %le3A_668 = arith.cmpf ole, %gather3A_655, %get3A_546 : vector<16xf32>
      %select_n3A_669 = arith.select %le3A_668, %add3A_642, %select_n3A_633 : vector<16xi1>, vector<16xi32>
      %le3A_670 = arith.cmpf ole, %gather3A_659, %get3A_554 : vector<16xf32>
      %select_n3A_671 = arith.select %le3A_670, %add3A_645, %select_n3A_635 : vector<16xi1>, vector<16xi32>
      %le3A_672 = arith.cmpf ole, %gather3A_663, %get3A_562 : vector<16xf32>
      %select_n3A_673 = arith.select %le3A_672, %add3A_648, %select_n3A_637 : vector<16xi1>, vector<16xi32>
      %le3A_674 = arith.cmpf ole, %gather3A_667, %get3A_570 : vector<16xf32>
      %select_n3A_675 = arith.select %le3A_674, %add3A_651, %select_n3A_639 : vector<16xi1>, vector<16xi32>
      %add3A_676 = arith.constant 16 : i32
      %add3A_677 = vector.broadcast %add3A_676 : i32 to vector<16xi32>
      %add3A_678 = arith.addi %select_n3A_669, %add3A_677 : vector<16xi32>
      %add3A_679 = arith.constant 16 : i32
      %add3A_680 = vector.broadcast %add3A_679 : i32 to vector<16xi32>
      %add3A_681 = arith.addi %select_n3A_671, %add3A_680 : vector<16xi32>
      %add3A_682 = arith.constant 16 : i32
      %add3A_683 = vector.broadcast %add3A_682 : i32 to vector<16xi32>
      %add3A_684 = arith.addi %select_n3A_673, %add3A_683 : vector<16xi32>
      %add3A_685 = arith.constant 16 : i32
      %add3A_686 = vector.broadcast %add3A_685 : i32 to vector<16xi32>
      %add3A_687 = arith.addi %select_n3A_675, %add3A_686 : vector<16xi32>
      %sub3A_688 = arith.constant 1 : i32
      %sub3A_689 = vector.broadcast %sub3A_688 : i32 to vector<16xi32>
      %sub3A_690 = arith.subi %add3A_678, %sub3A_689 : vector<16xi32>
      %gather3A_691 = tpu.vector_load_idx %arg15[%sub3A_690] : memref<256xf32, #tpu.memory_space<vmem>>[vector<16xi32>], vector<16xf32>,
      %sub3A_692 = arith.constant 1 : i32
      %sub3A_693 = vector.broadcast %sub3A_692 : i32 to vector<16xi32>
      %sub3A_694 = arith.subi %add3A_681, %sub3A_693 : vector<16xi32>
      %gather3A_695 = tpu.vector_load_idx %arg15[%sub3A_694] : memref<256xf32, #tpu.memory_space<vmem>>[vector<16xi32>], vector<16xf32>,
      %sub3A_696 = arith.constant 1 : i32
      %sub3A_697 = vector.broadcast %sub3A_696 : i32 to vector<16xi32>
      %sub3A_698 = arith.subi %add3A_684, %sub3A_697 : vector<16xi32>
      %gather3A_699 = tpu.vector_load_idx %arg15[%sub3A_698] : memref<256xf32, #tpu.memory_space<vmem>>[vector<16xi32>], vector<16xf32>,
      %sub3A_700 = arith.constant 1 : i32
      %sub3A_701 = vector.broadcast %sub3A_700 : i32 to vector<16xi32>
      %sub3A_702 = arith.subi %add3A_687, %sub3A_701 : vector<16xi32>
      %gather3A_703 = tpu.vector_load_idx %arg15[%sub3A_702] : memref<256xf32, #tpu.memory_space<vmem>>[vector<16xi32>], vector<16xf32>,
      %le3A_704 = arith.cmpf ole, %gather3A_691, %get3A_546 : vector<16xf32>
      %select_n3A_705 = arith.select %le3A_704, %add3A_678, %select_n3A_669 : vector<16xi1>, vector<16xi32>
      %le3A_706 = arith.cmpf ole, %gather3A_695, %get3A_554 : vector<16xf32>
      %select_n3A_707 = arith.select %le3A_706, %add3A_681, %select_n3A_671 : vector<16xi1>, vector<16xi32>
      %le3A_708 = arith.cmpf ole, %gather3A_699, %get3A_562 : vector<16xf32>
      %select_n3A_709 = arith.select %le3A_708, %add3A_684, %select_n3A_673 : vector<16xi1>, vector<16xi32>
      %le3A_710 = arith.cmpf ole, %gather3A_703, %get3A_570 : vector<16xf32>
      %select_n3A_711 = arith.select %le3A_710, %add3A_687, %select_n3A_675 : vector<16xi1>, vector<16xi32>
      %add3A_712 = arith.constant 8 : i32
      %add3A_713 = vector.broadcast %add3A_712 : i32 to vector<16xi32>
      %add3A_714 = arith.addi %select_n3A_705, %add3A_713 : vector<16xi32>
      %add3A_715 = arith.constant 8 : i32
      %add3A_716 = vector.broadcast %add3A_715 : i32 to vector<16xi32>
      %add3A_717 = arith.addi %select_n3A_707, %add3A_716 : vector<16xi32>
      %add3A_718 = arith.constant 8 : i32
      %add3A_719 = vector.broadcast %add3A_718 : i32 to vector<16xi32>
      %add3A_720 = arith.addi %select_n3A_709, %add3A_719 : vector<16xi32>
      %add3A_721 = arith.constant 8 : i32
      %add3A_722 = vector.broadcast %add3A_721 : i32 to vector<16xi32>
      %add3A_723 = arith.addi %select_n3A_711, %add3A_722 : vector<16xi32>
      %sub3A_724 = arith.constant 1 : i32
      %sub3A_725 = vector.broadcast %sub3A_724 : i32 to vector<16xi32>
      %sub3A_726 = arith.subi %add3A_714, %sub3A_725 : vector<16xi32>
      %gather3A_727 = tpu.vector_load_idx %arg15[%sub3A_726] : memref<256xf32, #tpu.memory_space<vmem>>[vector<16xi32>], vector<16xf32>,
      %sub3A_728 = arith.constant 1 : i32
      %sub3A_729 = vector.broadcast %sub3A_728 : i32 to vector<16xi32>
      %sub3A_730 = arith.subi %add3A_717, %sub3A_729 : vector<16xi32>
      %gather3A_731 = tpu.vector_load_idx %arg15[%sub3A_730] : memref<256xf32, #tpu.memory_space<vmem>>[vector<16xi32>], vector<16xf32>,
      %sub3A_732 = arith.constant 1 : i32
      %sub3A_733 = vector.broadcast %sub3A_732 : i32 to vector<16xi32>
      %sub3A_734 = arith.subi %add3A_720, %sub3A_733 : vector<16xi32>
      %gather3A_735 = tpu.vector_load_idx %arg15[%sub3A_734] : memref<256xf32, #tpu.memory_space<vmem>>[vector<16xi32>], vector<16xf32>,
      %sub3A_736 = arith.constant 1 : i32
      %sub3A_737 = vector.broadcast %sub3A_736 : i32 to vector<16xi32>
      %sub3A_738 = arith.subi %add3A_723, %sub3A_737 : vector<16xi32>
      %gather3A_739 = tpu.vector_load_idx %arg15[%sub3A_738] : memref<256xf32, #tpu.memory_space<vmem>>[vector<16xi32>], vector<16xf32>,
      %le3A_740 = arith.cmpf ole, %gather3A_727, %get3A_546 : vector<16xf32>
      %select_n3A_741 = arith.select %le3A_740, %add3A_714, %select_n3A_705 : vector<16xi1>, vector<16xi32>
      %le3A_742 = arith.cmpf ole, %gather3A_731, %get3A_554 : vector<16xf32>
      %select_n3A_743 = arith.select %le3A_742, %add3A_717, %select_n3A_707 : vector<16xi1>, vector<16xi32>
      %le3A_744 = arith.cmpf ole, %gather3A_735, %get3A_562 : vector<16xf32>
      %select_n3A_745 = arith.select %le3A_744, %add3A_720, %select_n3A_709 : vector<16xi1>, vector<16xi32>
      %le3A_746 = arith.cmpf ole, %gather3A_739, %get3A_570 : vector<16xf32>
      %select_n3A_747 = arith.select %le3A_746, %add3A_723, %select_n3A_711 : vector<16xi1>, vector<16xi32>
      %add3A_748 = arith.constant 4 : i32
      %add3A_749 = vector.broadcast %add3A_748 : i32 to vector<16xi32>
      %add3A_750 = arith.addi %select_n3A_741, %add3A_749 : vector<16xi32>
      %add3A_751 = arith.constant 4 : i32
      %add3A_752 = vector.broadcast %add3A_751 : i32 to vector<16xi32>
      %add3A_753 = arith.addi %select_n3A_743, %add3A_752 : vector<16xi32>
      %add3A_754 = arith.constant 4 : i32
      %add3A_755 = vector.broadcast %add3A_754 : i32 to vector<16xi32>
      %add3A_756 = arith.addi %select_n3A_745, %add3A_755 : vector<16xi32>
      %add3A_757 = arith.constant 4 : i32
      %add3A_758 = vector.broadcast %add3A_757 : i32 to vector<16xi32>
      %add3A_759 = arith.addi %select_n3A_747, %add3A_758 : vector<16xi32>
      %sub3A_760 = arith.constant 1 : i32
      %sub3A_761 = vector.broadcast %sub3A_760 : i32 to vector<16xi32>
      %sub3A_762 = arith.subi %add3A_750, %sub3A_761 : vector<16xi32>
      %gather3A_763 = tpu.vector_load_idx %arg15[%sub3A_762] : memref<256xf32, #tpu.memory_space<vmem>>[vector<16xi32>], vector<16xf32>,
      %sub3A_764 = arith.constant 1 : i32
      %sub3A_765 = vector.broadcast %sub3A_764 : i32 to vector<16xi32>
      %sub3A_766 = arith.subi %add3A_753, %sub3A_765 : vector<16xi32>
      %gather3A_767 = tpu.vector_load_idx %arg15[%sub3A_766] : memref<256xf32, #tpu.memory_space<vmem>>[vector<16xi32>], vector<16xf32>,
      %sub3A_768 = arith.constant 1 : i32
      %sub3A_769 = vector.broadcast %sub3A_768 : i32 to vector<16xi32>
      %sub3A_770 = arith.subi %add3A_756, %sub3A_769 : vector<16xi32>
      %gather3A_771 = tpu.vector_load_idx %arg15[%sub3A_770] : memref<256xf32, #tpu.memory_space<vmem>>[vector<16xi32>], vector<16xf32>,
      %sub3A_772 = arith.constant 1 : i32
      %sub3A_773 = vector.broadcast %sub3A_772 : i32 to vector<16xi32>
      %sub3A_774 = arith.subi %add3A_759, %sub3A_773 : vector<16xi32>
      %gather3A_775 = tpu.vector_load_idx %arg15[%sub3A_774] : memref<256xf32, #tpu.memory_space<vmem>>[vector<16xi32>], vector<16xf32>,
      %le3A_776 = arith.cmpf ole, %gather3A_763, %get3A_546 : vector<16xf32>
      %select_n3A_777 = arith.select %le3A_776, %add3A_750, %select_n3A_741 : vector<16xi1>, vector<16xi32>
      %le3A_778 = arith.cmpf ole, %gather3A_767, %get3A_554 : vector<16xf32>
      %select_n3A_779 = arith.select %le3A_778, %add3A_753, %select_n3A_743 : vector<16xi1>, vector<16xi32>
      %le3A_780 = arith.cmpf ole, %gather3A_771, %get3A_562 : vector<16xf32>
      %select_n3A_781 = arith.select %le3A_780, %add3A_756, %select_n3A_745 : vector<16xi1>, vector<16xi32>
      %le3A_782 = arith.cmpf ole, %gather3A_775, %get3A_570 : vector<16xf32>
      %select_n3A_783 = arith.select %le3A_782, %add3A_759, %select_n3A_747 : vector<16xi1>, vector<16xi32>
      %add3A_784 = arith.constant 2 : i32
      %add3A_785 = vector.broadcast %add3A_784 : i32 to vector<16xi32>
      %add3A_786 = arith.addi %select_n3A_777, %add3A_785 : vector<16xi32>
      %add3A_787 = arith.constant 2 : i32
      %add3A_788 = vector.broadcast %add3A_787 : i32 to vector<16xi32>
      %add3A_789 = arith.addi %select_n3A_779, %add3A_788 : vector<16xi32>
      %add3A_790 = arith.constant 2 : i32
      %add3A_791 = vector.broadcast %add3A_790 : i32 to vector<16xi32>
      %add3A_792 = arith.addi %select_n3A_781, %add3A_791 : vector<16xi32>
      %add3A_793 = arith.constant 2 : i32
      %add3A_794 = vector.broadcast %add3A_793 : i32 to vector<16xi32>
      %add3A_795 = arith.addi %select_n3A_783, %add3A_794 : vector<16xi32>
      %sub3A_796 = arith.constant 1 : i32
      %sub3A_797 = vector.broadcast %sub3A_796 : i32 to vector<16xi32>
      %sub3A_798 = arith.subi %add3A_786, %sub3A_797 : vector<16xi32>
      %gather3A_799 = tpu.vector_load_idx %arg15[%sub3A_798] : memref<256xf32, #tpu.memory_space<vmem>>[vector<16xi32>], vector<16xf32>,
      %sub3A_800 = arith.constant 1 : i32
      %sub3A_801 = vector.broadcast %sub3A_800 : i32 to vector<16xi32>
      %sub3A_802 = arith.subi %add3A_789, %sub3A_801 : vector<16xi32>
      %gather3A_803 = tpu.vector_load_idx %arg15[%sub3A_802] : memref<256xf32, #tpu.memory_space<vmem>>[vector<16xi32>], vector<16xf32>,
      %sub3A_804 = arith.constant 1 : i32
      %sub3A_805 = vector.broadcast %sub3A_804 : i32 to vector<16xi32>
      %sub3A_806 = arith.subi %add3A_792, %sub3A_805 : vector<16xi32>
      %gather3A_807 = tpu.vector_load_idx %arg15[%sub3A_806] : memref<256xf32, #tpu.memory_space<vmem>>[vector<16xi32>], vector<16xf32>,
      %sub3A_808 = arith.constant 1 : i32
      %sub3A_809 = vector.broadcast %sub3A_808 : i32 to vector<16xi32>
      %sub3A_810 = arith.subi %add3A_795, %sub3A_809 : vector<16xi32>
      %gather3A_811 = tpu.vector_load_idx %arg15[%sub3A_810] : memref<256xf32, #tpu.memory_space<vmem>>[vector<16xi32>], vector<16xf32>,
      %le3A_812 = arith.cmpf ole, %gather3A_799, %get3A_546 : vector<16xf32>
      %select_n3A_813 = arith.select %le3A_812, %add3A_786, %select_n3A_777 : vector<16xi1>, vector<16xi32>
      %le3A_814 = arith.cmpf ole, %gather3A_803, %get3A_554 : vector<16xf32>
      %select_n3A_815 = arith.select %le3A_814, %add3A_789, %select_n3A_779 : vector<16xi1>, vector<16xi32>
      %le3A_816 = arith.cmpf ole, %gather3A_807, %get3A_562 : vector<16xf32>
      %select_n3A_817 = arith.select %le3A_816, %add3A_792, %select_n3A_781 : vector<16xi1>, vector<16xi32>
      %le3A_818 = arith.cmpf ole, %gather3A_811, %get3A_570 : vector<16xf32>
      %select_n3A_819 = arith.select %le3A_818, %add3A_795, %select_n3A_783 : vector<16xi1>, vector<16xi32>
      %add3A_820 = arith.constant 1 : i32
      %add3A_821 = vector.broadcast %add3A_820 : i32 to vector<16xi32>
      %add3A_822 = arith.addi %select_n3A_813, %add3A_821 : vector<16xi32>
      %add3A_823 = arith.constant 1 : i32
      %add3A_824 = vector.broadcast %add3A_823 : i32 to vector<16xi32>
      %add3A_825 = arith.addi %select_n3A_815, %add3A_824 : vector<16xi32>
      %add3A_826 = arith.constant 1 : i32
      %add3A_827 = vector.broadcast %add3A_826 : i32 to vector<16xi32>
      %add3A_828 = arith.addi %select_n3A_817, %add3A_827 : vector<16xi32>
      %add3A_829 = arith.constant 1 : i32
      %add3A_830 = vector.broadcast %add3A_829 : i32 to vector<16xi32>
      %add3A_831 = arith.addi %select_n3A_819, %add3A_830 : vector<16xi32>
      %sub3A_832 = arith.constant 1 : i32
      %sub3A_833 = vector.broadcast %sub3A_832 : i32 to vector<16xi32>
      %sub3A_834 = arith.subi %add3A_822, %sub3A_833 : vector<16xi32>
      %gather3A_835 = tpu.vector_load_idx %arg15[%sub3A_834] : memref<256xf32, #tpu.memory_space<vmem>>[vector<16xi32>], vector<16xf32>,
      %sub3A_836 = arith.constant 1 : i32
      %sub3A_837 = vector.broadcast %sub3A_836 : i32 to vector<16xi32>
      %sub3A_838 = arith.subi %add3A_825, %sub3A_837 : vector<16xi32>
      %gather3A_839 = tpu.vector_load_idx %arg15[%sub3A_838] : memref<256xf32, #tpu.memory_space<vmem>>[vector<16xi32>], vector<16xf32>,
      %sub3A_840 = arith.constant 1 : i32
      %sub3A_841 = vector.broadcast %sub3A_840 : i32 to vector<16xi32>
      %sub3A_842 = arith.subi %add3A_828, %sub3A_841 : vector<16xi32>
      %gather3A_843 = tpu.vector_load_idx %arg15[%sub3A_842] : memref<256xf32, #tpu.memory_space<vmem>>[vector<16xi32>], vector<16xf32>,
      %sub3A_844 = arith.constant 1 : i32
      %sub3A_845 = vector.broadcast %sub3A_844 : i32 to vector<16xi32>
      %sub3A_846 = arith.subi %add3A_831, %sub3A_845 : vector<16xi32>
      %gather3A_847 = tpu.vector_load_idx %arg15[%sub3A_846] : memref<256xf32, #tpu.memory_space<vmem>>[vector<16xi32>], vector<16xf32>,
      %le3A_848 = arith.cmpf ole, %gather3A_835, %get3A_546 : vector<16xf32>
      %select_n3A_849 = arith.select %le3A_848, %add3A_822, %select_n3A_813 : vector<16xi1>, vector<16xi32>
      %le3A_850 = arith.cmpf ole, %gather3A_839, %get3A_554 : vector<16xf32>
      %select_n3A_851 = arith.select %le3A_850, %add3A_825, %select_n3A_815 : vector<16xi1>, vector<16xi32>
      %le3A_852 = arith.cmpf ole, %gather3A_843, %get3A_562 : vector<16xf32>
      %select_n3A_853 = arith.select %le3A_852, %add3A_828, %select_n3A_817 : vector<16xi1>, vector<16xi32>
      %le3A_854 = arith.cmpf ole, %gather3A_847, %get3A_570 : vector<16xf32>
      %select_n3A_855 = arith.select %le3A_854, %add3A_831, %select_n3A_819 : vector<16xi1>, vector<16xi32>
      %min3A = arith.constant 255 : i32
      %min3A_856 = vector.broadcast %min3A : i32 to vector<16xi32>
      %min3A_857 = arith.minsi %select_n3A_849, %min3A_856 : vector<16xi32>
      %min3A_858 = arith.constant 255 : i32
      %min3A_859 = vector.broadcast %min3A_858 : i32 to vector<16xi32>
      %min3A_860 = arith.minsi %select_n3A_851, %min3A_859 : vector<16xi32>
      %min3A_861 = arith.constant 255 : i32
      %min3A_862 = vector.broadcast %min3A_861 : i32 to vector<16xi32>
      %min3A_863 = arith.minsi %select_n3A_853, %min3A_862 : vector<16xi32>
      %min3A_864 = arith.constant 255 : i32
      %min3A_865 = vector.broadcast %min3A_864 : i32 to vector<16xi32>
      %min3A_866 = arith.minsi %select_n3A_855, %min3A_865 : vector<16xi32>
      %sub3A_867 = arith.constant 1 : i32
      %sub3A_868 = vector.broadcast %sub3A_867 : i32 to vector<16xi32>
      %sub3A_869 = arith.subi %min3A_857, %sub3A_868 : vector<16xi32>
      %max3A = arith.constant 0 : i32
      %max3A_870 = vector.broadcast %max3A : i32 to vector<16xi32>
      %max3A_871 = arith.maxsi %sub3A_869, %max3A_870 : vector<16xi32>
      %sub3A_872 = arith.constant 1 : i32
      %sub3A_873 = vector.broadcast %sub3A_872 : i32 to vector<16xi32>
      %sub3A_874 = arith.subi %min3A_860, %sub3A_873 : vector<16xi32>
      %max3A_875 = arith.constant 0 : i32
      %max3A_876 = vector.broadcast %max3A_875 : i32 to vector<16xi32>
      %max3A_877 = arith.maxsi %sub3A_874, %max3A_876 : vector<16xi32>
      %sub3A_878 = arith.constant 1 : i32
      %sub3A_879 = vector.broadcast %sub3A_878 : i32 to vector<16xi32>
      %sub3A_880 = arith.subi %min3A_863, %sub3A_879 : vector<16xi32>
      %max3A_881 = arith.constant 0 : i32
      %max3A_882 = vector.broadcast %max3A_881 : i32 to vector<16xi32>
      %max3A_883 = arith.maxsi %sub3A_880, %max3A_882 : vector<16xi32>
      %sub3A_884 = arith.constant 1 : i32
      %sub3A_885 = vector.broadcast %sub3A_884 : i32 to vector<16xi32>
      %sub3A_886 = arith.subi %min3A_866, %sub3A_885 : vector<16xi32>
      %max3A_887 = arith.constant 0 : i32
      %max3A_888 = vector.broadcast %max3A_887 : i32 to vector<16xi32>
      %max3A_889 = arith.maxsi %sub3A_886, %max3A_888 : vector<16xi32>
      %gather3A_890 = tpu.vector_load_idx %arg15[%max3A_871] : memref<256xf32, #tpu.memory_space<vmem>>[vector<16xi32>], vector<16xf32>,
      %gather3A_891 = tpu.vector_load_idx %arg15[%max3A_877] : memref<256xf32, #tpu.memory_space<vmem>>[vector<16xi32>], vector<16xf32>,
      %gather3A_892 = tpu.vector_load_idx %arg15[%max3A_883] : memref<256xf32, #tpu.memory_space<vmem>>[vector<16xi32>], vector<16xf32>,
      %gather3A_893 = tpu.vector_load_idx %arg15[%max3A_889] : memref<256xf32, #tpu.memory_space<vmem>>[vector<16xi32>], vector<16xf32>,
      %gather3A_894 = tpu.vector_load_idx %arg15[%min3A_857] : memref<256xf32, #tpu.memory_space<vmem>>[vector<16xi32>], vector<16xf32>,
      %gather3A_895 = tpu.vector_load_idx %arg15[%min3A_860] : memref<256xf32, #tpu.memory_space<vmem>>[vector<16xi32>], vector<16xf32>,
      %gather3A_896 = tpu.vector_load_idx %arg15[%min3A_863] : memref<256xf32, #tpu.memory_space<vmem>>[vector<16xi32>], vector<16xf32>,
      %gather3A_897 = tpu.vector_load_idx %arg15[%min3A_866] : memref<256xf32, #tpu.memory_space<vmem>>[vector<16xi32>], vector<16xf32>,
      %gather3A_898 = tpu.vector_load_idx %arg12[%max3A_871] : memref<272xf32, #tpu.memory_space<vmem>>[vector<16xi32>], vector<16xf32>,
      %gather3A_899 = tpu.vector_load_idx %arg12[%max3A_877] : memref<272xf32, #tpu.memory_space<vmem>>[vector<16xi32>], vector<16xf32>,
      %gather3A_900 = tpu.vector_load_idx %arg12[%max3A_883] : memref<272xf32, #tpu.memory_space<vmem>>[vector<16xi32>], vector<16xf32>,
      %gather3A_901 = tpu.vector_load_idx %arg12[%max3A_889] : memref<272xf32, #tpu.memory_space<vmem>>[vector<16xi32>], vector<16xf32>,
      %gather3A_902 = tpu.vector_load_idx %arg12[%min3A_857] : memref<272xf32, #tpu.memory_space<vmem>>[vector<16xi32>], vector<16xf32>,
      %gather3A_903 = tpu.vector_load_idx %arg12[%min3A_860] : memref<272xf32, #tpu.memory_space<vmem>>[vector<16xi32>], vector<16xf32>,
      %gather3A_904 = tpu.vector_load_idx %arg12[%min3A_863] : memref<272xf32, #tpu.memory_space<vmem>>[vector<16xi32>], vector<16xf32>,
      %gather3A_905 = tpu.vector_load_idx %arg12[%min3A_866] : memref<272xf32, #tpu.memory_space<vmem>>[vector<16xi32>], vector<16xf32>,
      %sub3A_906 = arith.subf %gather3A_894, %gather3A_890 : vector<16xf32>
      %eq3A_907 = arith.constant 0.000000e+00 : f32
      %eq3A_908 = vector.broadcast %eq3A_907 : f32 to vector<16xf32>
      %eq3A_909 = arith.cmpf oeq, %sub3A_906, %eq3A_908 : vector<16xf32>
      %jit3A = arith.constant 1.000000e+00 : f32
      %broadcast_in_dim3A_910 = vector.broadcast %jit3A : f32 to vector<16xf32>
      %select_n3A_911 = arith.select %eq3A_909, %broadcast_in_dim3A_910, %sub3A_906 : vector<16xi1>, vector<16xf32>
      %sub3A_912 = arith.subf %gather3A_902, %gather3A_898 : vector<16xf32>
      %sub3A_913 = arith.subf %get3A_546, %gather3A_890 : vector<16xf32>
      %mul3A_914 = arith.mulf %sub3A_912, %sub3A_913 : vector<16xf32>
      %div3A = arith.divf %mul3A_914, %select_n3A_911 : vector<16xf32>
      %add3A_915 = arith.addf %gather3A_898, %div3A : vector<16xf32>
      %le3A_916 = arith.cmpf ole, %get3A_546, %gather3A_499 : vector<16xf32>
      %ge3A = arith.cmpf oge, %get3A_546, %gather3A_500 : vector<16xf32>
      %select_n3A_917 = arith.select %ge3A, %gather3A_502, %add3A_915 : vector<16xi1>, vector<16xf32>
      %select_n3A_918 = arith.select %le3A_916, %gather3A_501, %select_n3A_917 : vector<16xi1>, vector<16xf32>
      %mul3A_919 = arith.constant 4 : i32
      %mul3A_920 = arith.muli %scan3A_537, %mul3A_919 : i32
      %add3A_921 = arith.constant 0 : i32
      %add3A_922 = arith.addi %mul3A_920, %add3A_921 : i32
      %mul3A_923 = arith.constant 16 : i32
      %mul3A_924 = arith.muli %add3A_922, %mul3A_923 : i32
      %swap3A_925 = arith.index_cast %mul3A_924 : i32 to index
      %swap3A_926 = tpu.vector_load %arg16[%swap3A_925] {strides = array<i32>} : memref<272xf32, #tpu.memory_space<vmem>>, vector<16xf32>,
      tpu.vector_store %arg16[%swap3A_925], %select_n3A_918 {strides = array<i32>} : memref<272xf32, #tpu.memory_space<vmem>>, vector<16xf32>,
      %sub3A_927 = arith.subf %gather3A_895, %gather3A_891 : vector<16xf32>
      %eq3A_928 = arith.constant 0.000000e+00 : f32
      %eq3A_929 = vector.broadcast %eq3A_928 : f32 to vector<16xf32>
      %eq3A_930 = arith.cmpf oeq, %sub3A_927, %eq3A_929 : vector<16xf32>
      %jit3A_931 = arith.constant 1.000000e+00 : f32
      %broadcast_in_dim3A_932 = vector.broadcast %jit3A_931 : f32 to vector<16xf32>
      %select_n3A_933 = arith.select %eq3A_930, %broadcast_in_dim3A_932, %sub3A_927 : vector<16xi1>, vector<16xf32>
      %sub3A_934 = arith.subf %gather3A_903, %gather3A_899 : vector<16xf32>
      %sub3A_935 = arith.subf %get3A_554, %gather3A_891 : vector<16xf32>
      %mul3A_936 = arith.mulf %sub3A_934, %sub3A_935 : vector<16xf32>
      %div3A_937 = arith.divf %mul3A_936, %select_n3A_933 : vector<16xf32>
      %add3A_938 = arith.addf %gather3A_899, %div3A_937 : vector<16xf32>
      %le3A_939 = arith.cmpf ole, %get3A_554, %gather3A_499 : vector<16xf32>
      %ge3A_940 = arith.cmpf oge, %get3A_554, %gather3A_500 : vector<16xf32>
      %select_n3A_941 = arith.select %ge3A_940, %gather3A_502, %add3A_938 : vector<16xi1>, vector<16xf32>
      %select_n3A_942 = arith.select %le3A_939, %gather3A_501, %select_n3A_941 : vector<16xi1>, vector<16xf32>
      %mul3A_943 = arith.constant 4 : i32
      %mul3A_944 = arith.muli %scan3A_537, %mul3A_943 : i32
      %add3A_945 = arith.constant 1 : i32
      %add3A_946 = arith.addi %mul3A_944, %add3A_945 : i32
      %mul3A_947 = arith.constant 16 : i32
      %mul3A_948 = arith.muli %add3A_946, %mul3A_947 : i32
      %swap3A_949 = arith.index_cast %mul3A_948 : i32 to index
      %swap3A_950 = tpu.vector_load %arg16[%swap3A_949] {strides = array<i32>} : memref<272xf32, #tpu.memory_space<vmem>>, vector<16xf32>,
      tpu.vector_store %arg16[%swap3A_949], %select_n3A_942 {strides = array<i32>} : memref<272xf32, #tpu.memory_space<vmem>>, vector<16xf32>,
      %sub3A_951 = arith.subf %gather3A_896, %gather3A_892 : vector<16xf32>
      %eq3A_952 = arith.constant 0.000000e+00 : f32
      %eq3A_953 = vector.broadcast %eq3A_952 : f32 to vector<16xf32>
      %eq3A_954 = arith.cmpf oeq, %sub3A_951, %eq3A_953 : vector<16xf32>
      %jit3A_955 = arith.constant 1.000000e+00 : f32
      %broadcast_in_dim3A_956 = vector.broadcast %jit3A_955 : f32 to vector<16xf32>
      %select_n3A_957 = arith.select %eq3A_954, %broadcast_in_dim3A_956, %sub3A_951 : vector<16xi1>, vector<16xf32>
      %sub3A_958 = arith.subf %gather3A_904, %gather3A_900 : vector<16xf32>
      %sub3A_959 = arith.subf %get3A_562, %gather3A_892 : vector<16xf32>
      %mul3A_960 = arith.mulf %sub3A_958, %sub3A_959 : vector<16xf32>
      %div3A_961 = arith.divf %mul3A_960, %select_n3A_957 : vector<16xf32>
      %add3A_962 = arith.addf %gather3A_900, %div3A_961 : vector<16xf32>
      %le3A_963 = arith.cmpf ole, %get3A_562, %gather3A_499 : vector<16xf32>
      %ge3A_964 = arith.cmpf oge, %get3A_562, %gather3A_500 : vector<16xf32>
      %select_n3A_965 = arith.select %ge3A_964, %gather3A_502, %add3A_962 : vector<16xi1>, vector<16xf32>
      %select_n3A_966 = arith.select %le3A_963, %gather3A_501, %select_n3A_965 : vector<16xi1>, vector<16xf32>
      %mul3A_967 = arith.constant 4 : i32
      %mul3A_968 = arith.muli %scan3A_537, %mul3A_967 : i32
      %add3A_969 = arith.constant 2 : i32
      %add3A_970 = arith.addi %mul3A_968, %add3A_969 : i32
      %mul3A_971 = arith.constant 16 : i32
      %mul3A_972 = arith.muli %add3A_970, %mul3A_971 : i32
      %swap3A_973 = arith.index_cast %mul3A_972 : i32 to index
      %swap3A_974 = tpu.vector_load %arg16[%swap3A_973] {strides = array<i32>} : memref<272xf32, #tpu.memory_space<vmem>>, vector<16xf32>,
      tpu.vector_store %arg16[%swap3A_973], %select_n3A_966 {strides = array<i32>} : memref<272xf32, #tpu.memory_space<vmem>>, vector<16xf32>,
      %sub3A_975 = arith.subf %gather3A_897, %gather3A_893 : vector<16xf32>
      %eq3A_976 = arith.constant 0.000000e+00 : f32
      %eq3A_977 = vector.broadcast %eq3A_976 : f32 to vector<16xf32>
      %eq3A_978 = arith.cmpf oeq, %sub3A_975, %eq3A_977 : vector<16xf32>
      %jit3A_979 = arith.constant 1.000000e+00 : f32
      %broadcast_in_dim3A_980 = vector.broadcast %jit3A_979 : f32 to vector<16xf32>
      %select_n3A_981 = arith.select %eq3A_978, %broadcast_in_dim3A_980, %sub3A_975 : vector<16xi1>, vector<16xf32>
      %sub3A_982 = arith.subf %gather3A_905, %gather3A_901 : vector<16xf32>
      %sub3A_983 = arith.subf %get3A_570, %gather3A_893 : vector<16xf32>
      %mul3A_984 = arith.mulf %sub3A_982, %sub3A_983 : vector<16xf32>
      %div3A_985 = arith.divf %mul3A_984, %select_n3A_981 : vector<16xf32>
      %add3A_986 = arith.addf %gather3A_901, %div3A_985 : vector<16xf32>
      %le3A_987 = arith.cmpf ole, %get3A_570, %gather3A_499 : vector<16xf32>
      %ge3A_988 = arith.cmpf oge, %get3A_570, %gather3A_500 : vector<16xf32>
      %select_n3A_989 = arith.select %ge3A_988, %gather3A_502, %add3A_986 : vector<16xi1>, vector<16xf32>
      %select_n3A_990 = arith.select %le3A_987, %gather3A_501, %select_n3A_989 : vector<16xi1>, vector<16xf32>
      %mul3A_991 = arith.constant 4 : i32
      %mul3A_992 = arith.muli %scan3A_537, %mul3A_991 : i32
      %add3A_993 = arith.constant 3 : i32
      %add3A_994 = arith.addi %mul3A_992, %add3A_993 : i32
      %mul3A_995 = arith.constant 16 : i32
      %mul3A_996 = arith.muli %add3A_994, %mul3A_995 : i32
      %swap3A_997 = arith.index_cast %mul3A_996 : i32 to index
      %swap3A_998 = tpu.vector_load %arg16[%swap3A_997] {strides = array<i32>} : memref<272xf32, #tpu.memory_space<vmem>>, vector<16xf32>,
      tpu.vector_store %arg16[%swap3A_997], %select_n3A_990 {strides = array<i32>} : memref<272xf32, #tpu.memory_space<vmem>>, vector<16xf32>,
      %scan3A_999 = arith.constant 0 : i32
      scf.yield %scan3A_999 : i32
    }
    %scan3A_509 = arith.constant 4 : i32
    %broadcast_in_dim3A_510 = arith.constant 0.000000e+00 : f32
    %broadcast_in_dim3A_511 = vector.broadcast %broadcast_in_dim3A_510 : f32 to vector<16xf32>
    %swap3A_512 = arith.constant 256 : index
    %swap3A_513 = tpu.vector_load %arg16[%swap3A_512] {strides = array<i32>} : memref<272xf32, #tpu.memory_space<vmem>>, vector<16xf32>,
    tpu.vector_store %arg16[%swap3A_512], %broadcast_in_dim3A_511 {strides = array<i32>} : memref<272xf32, #tpu.memory_space<vmem>>, vector<16xf32>,
    %scan3A_514 = arith.constant 0 : i32
    %scan3A_515 = arith.constant 0 : i32
    %scan3A_516 = arith.constant 16 : i32
    %scan3A_517 = arith.addi %scan3A_515, %scan3A_516 : i32
    %scan3A_518 = arith.constant 1 : i32
    %scan3A_519 = scf.for %scan3A_537 = %scan3A_515 to %scan3A_517 step %scan3A_518 iter_args(%scan3A_538 = %scan3A_514) -> (i32)  : i32 {
      %mul3A_539 = arith.constant 16 : i32
      %mul3A_540 = arith.muli %scan3A_537, %mul3A_539 : i32
      %add3A_541 = vector.broadcast %mul3A_540 : i32 to vector<16xi32>
      %add3A_542 = arith.addi %iota3A, %add3A_541 : vector<16xi32>
      %add3A_543 = arith.constant 1 : i32
      %add3A_544 = vector.broadcast %add3A_543 : i32 to vector<16xi32>
      %add3A_545 = arith.addi %add3A_542, %add3A_544 : vector<16xi32>
      %gather3A_546 = tpu.vector_load_idx %arg16[%add3A_542] : memref<272xf32, #tpu.memory_space<vmem>>[vector<16xi32>], vector<16xf32>,
      %gather3A_547 = tpu.vector_load_idx %arg16[%add3A_545] : memref<272xf32, #tpu.memory_space<vmem>>[vector<16xi32>], vector<16xf32>,
      %gather3A_548 = tpu.vector_load_idx %arg12[%add3A_542] : memref<272xf32, #tpu.memory_space<vmem>>[vector<16xi32>], vector<16xf32>,
      %gather3A_549 = tpu.vector_load_idx %arg12[%add3A_545] : memref<272xf32, #tpu.memory_space<vmem>>[vector<16xi32>], vector<16xf32>,
      %sub3A = arith.subf %gather3A_547, %gather3A_546 : vector<16xf32>
      %sub3A_550 = arith.subf %gather3A_549, %gather3A_548 : vector<16xf32>
      %div3A = arith.divf %sub3A, %sub3A_550 : vector<16xf32>
      %mul3A_551 = arith.mulf %div3A, %gather3A_548 : vector<16xf32>
      %sub3A_552 = arith.subf %gather3A_546, %mul3A_551 : vector<16xf32>
      %mul3A_553 = arith.constant 16 : i32
      %mul3A_554 = arith.muli %scan3A_537, %mul3A_553 : i32
      %swap3A_555 = arith.index_cast %mul3A_554 : i32 to index
      %swap3A_556 = tpu.vector_load %arg17[%swap3A_555] {strides = array<i32>} : memref<512xf32, #tpu.memory_space<vmem>>, vector<16xf32>,
      tpu.vector_store %arg17[%swap3A_555], %sub3A_552 {strides = array<i32>} : memref<512xf32, #tpu.memory_space<vmem>>, vector<16xf32>,
      %mul3A_557 = arith.constant 16 : i32
      %mul3A_558 = arith.muli %scan3A_537, %mul3A_557 : i32
      %add3A_559 = arith.constant 256 : i32
      %add3A_560 = arith.addi %add3A_559, %mul3A_558 : i32
      %swap3A_561 = arith.index_cast %add3A_560 : i32 to index
      %swap3A_562 = tpu.vector_load %arg17[%swap3A_561] {strides = array<i32>} : memref<512xf32, #tpu.memory_space<vmem>>, vector<16xf32>,
      tpu.vector_store %arg17[%swap3A_561], %div3A {strides = array<i32>} : memref<512xf32, #tpu.memory_space<vmem>>, vector<16xf32>,
      %scan3A_563 = arith.constant 0 : i32
      scf.yield %scan3A_563 : i32
    }
    %scan3A_520 = arith.constant 16 : i32
    %gather3A_521 = tpu.vector_load_idx %arg16[%broadcast_in_dim3A_9] : memref<272xf32, #tpu.memory_space<vmem>>[vector<16xi32>], vector<16xf32>,
    %gather3A_522 = tpu.vector_load_idx %arg16[%broadcast_in_dim3A_11] : memref<272xf32, #tpu.memory_space<vmem>>[vector<16xi32>], vector<16xf32>,
    %mul3A_523 = arith.constant 8192 : i32
    %mul3A_524 = arith.muli %arg0, %mul3A_523 : i32
    %scan3A_525 = arith.constant 0 : i32
    %scan3A_526 = arith.constant 0 : i32
    %scan3A_527 = arith.constant 32 : i32
    %scan3A_528 = arith.addi %scan3A_526, %scan3A_527 : i32
    %scan3A_529 = arith.constant 1 : i32
    %scan3A_530 = scf.for %scan3A_537 = %scan3A_526 to %scan3A_528 step %scan3A_529 iter_args(%scan3A_538 = %scan3A_525) -> (i32)  : i32 {
      %mul3A_539 = arith.constant 256 : i32
      %mul3A_540 = arith.muli %scan3A_537, %mul3A_539 : i32
      %add3A_541 = arith.addi %mul3A_524, %mul3A_540 : i32
      %add3A_542 = arith.constant 0 : i32
      %add3A_543 = arith.addi %add3A_541, %add3A_542 : i32
      %get3A_544 = arith.index_cast %add3A_543 : i32 to index
      %get3A_545 = tpu.vector_load %arg6[%get3A_544] {strides = array<i32>} : memref<16384xf32, #tpu.memory_space<vmem>>, vector<16xf32>,
      %add3A_546 = arith.constant 16 : i32
      %add3A_547 = arith.addi %add3A_541, %add3A_546 : i32
      %get3A_548 = arith.index_cast %add3A_547 : i32 to index
      %get3A_549 = tpu.vector_load %arg6[%get3A_548] {strides = array<i32>} : memref<16384xf32, #tpu.memory_space<vmem>>, vector<16xf32>,
      %add3A_550 = arith.constant 32 : i32
      %add3A_551 = arith.addi %add3A_541, %add3A_550 : i32
      %get3A_552 = arith.index_cast %add3A_551 : i32 to index
      %get3A_553 = tpu.vector_load %arg6[%get3A_552] {strides = array<i32>} : memref<16384xf32, #tpu.memory_space<vmem>>, vector<16xf32>,
      %add3A_554 = arith.constant 48 : i32
      %add3A_555 = arith.addi %add3A_541, %add3A_554 : i32
      %get3A_556 = arith.index_cast %add3A_555 : i32 to index
      %get3A_557 = tpu.vector_load %arg6[%get3A_556] {strides = array<i32>} : memref<16384xf32, #tpu.memory_space<vmem>>, vector<16xf32>,
      %add3A_558 = arith.constant 64 : i32
      %add3A_559 = arith.addi %add3A_541, %add3A_558 : i32
      %get3A_560 = arith.index_cast %add3A_559 : i32 to index
      %get3A_561 = tpu.vector_load %arg6[%get3A_560] {strides = array<i32>} : memref<16384xf32, #tpu.memory_space<vmem>>, vector<16xf32>,
      %add3A_562 = arith.constant 80 : i32
      %add3A_563 = arith.addi %add3A_541, %add3A_562 : i32
      %get3A_564 = arith.index_cast %add3A_563 : i32 to index
      %get3A_565 = tpu.vector_load %arg6[%get3A_564] {strides = array<i32>} : memref<16384xf32, #tpu.memory_space<vmem>>, vector<16xf32>,
      %add3A_566 = arith.constant 96 : i32
      %add3A_567 = arith.addi %add3A_541, %add3A_566 : i32
      %get3A_568 = arith.index_cast %add3A_567 : i32 to index
      %get3A_569 = tpu.vector_load %arg6[%get3A_568] {strides = array<i32>} : memref<16384xf32, #tpu.memory_space<vmem>>, vector<16xf32>,
      %add3A_570 = arith.constant 112 : i32
      %add3A_571 = arith.addi %add3A_541, %add3A_570 : i32
      %get3A_572 = arith.index_cast %add3A_571 : i32 to index
      %get3A_573 = tpu.vector_load %arg6[%get3A_572] {strides = array<i32>} : memref<16384xf32, #tpu.memory_space<vmem>>, vector<16xf32>,
      %add3A_574 = arith.constant 128 : i32
      %add3A_575 = arith.addi %add3A_541, %add3A_574 : i32
      %get3A_576 = arith.index_cast %add3A_575 : i32 to index
      %get3A_577 = tpu.vector_load %arg6[%get3A_576] {strides = array<i32>} : memref<16384xf32, #tpu.memory_space<vmem>>, vector<16xf32>,
      %add3A_578 = arith.constant 144 : i32
      %add3A_579 = arith.addi %add3A_541, %add3A_578 : i32
      %get3A_580 = arith.index_cast %add3A_579 : i32 to index
      %get3A_581 = tpu.vector_load %arg6[%get3A_580] {strides = array<i32>} : memref<16384xf32, #tpu.memory_space<vmem>>, vector<16xf32>,
      %add3A_582 = arith.constant 160 : i32
      %add3A_583 = arith.addi %add3A_541, %add3A_582 : i32
      %get3A_584 = arith.index_cast %add3A_583 : i32 to index
      %get3A_585 = tpu.vector_load %arg6[%get3A_584] {strides = array<i32>} : memref<16384xf32, #tpu.memory_space<vmem>>, vector<16xf32>,
      %add3A_586 = arith.constant 176 : i32
      %add3A_587 = arith.addi %add3A_541, %add3A_586 : i32
      %get3A_588 = arith.index_cast %add3A_587 : i32 to index
      %get3A_589 = tpu.vector_load %arg6[%get3A_588] {strides = array<i32>} : memref<16384xf32, #tpu.memory_space<vmem>>, vector<16xf32>,
      %add3A_590 = arith.constant 192 : i32
      %add3A_591 = arith.addi %add3A_541, %add3A_590 : i32
      %get3A_592 = arith.index_cast %add3A_591 : i32 to index
      %get3A_593 = tpu.vector_load %arg6[%get3A_592] {strides = array<i32>} : memref<16384xf32, #tpu.memory_space<vmem>>, vector<16xf32>,
      %add3A_594 = arith.constant 208 : i32
      %add3A_595 = arith.addi %add3A_541, %add3A_594 : i32
      %get3A_596 = arith.index_cast %add3A_595 : i32 to index
      %get3A_597 = tpu.vector_load %arg6[%get3A_596] {strides = array<i32>} : memref<16384xf32, #tpu.memory_space<vmem>>, vector<16xf32>,
      %add3A_598 = arith.constant 224 : i32
      %add3A_599 = arith.addi %add3A_541, %add3A_598 : i32
      %get3A_600 = arith.index_cast %add3A_599 : i32 to index
      %get3A_601 = tpu.vector_load %arg6[%get3A_600] {strides = array<i32>} : memref<16384xf32, #tpu.memory_space<vmem>>, vector<16xf32>,
      %add3A_602 = arith.constant 240 : i32
      %add3A_603 = arith.addi %add3A_541, %add3A_602 : i32
      %get3A_604 = arith.index_cast %add3A_603 : i32 to index
      %get3A_605 = tpu.vector_load %arg6[%get3A_604] {strides = array<i32>} : memref<16384xf32, #tpu.memory_space<vmem>>, vector<16xf32>,
      %mul3A_606 = arith.constant 2.550000e+02 : f32
      %mul3A_607 = vector.broadcast %mul3A_606 : f32 to vector<16xf32>
      %mul3A_608 = arith.mulf %get3A_545, %mul3A_607 : vector<16xf32>
      %convert_element_type3A_609 = arith.fptosi %mul3A_608 : vector<16xf32> to vector<16xi32>
      %jit3A = arith.constant 0 : i32
      %jit3A_610 = arith.constant 254 : i32
      %max3A = vector.broadcast %jit3A : i32 to vector<16xi32>
      %max3A_611 = arith.maxsi %max3A, %convert_element_type3A_609 : vector<16xi32>
      %min3A = vector.broadcast %jit3A_610 : i32 to vector<16xi32>
      %min3A_612 = arith.minsi %min3A, %max3A_611 : vector<16xi32>
      %mul3A_613 = arith.constant 2.550000e+02 : f32
      %mul3A_614 = vector.broadcast %mul3A_613 : f32 to vector<16xf32>
      %mul3A_615 = arith.mulf %get3A_549, %mul3A_614 : vector<16xf32>
      %convert_element_type3A_616 = arith.fptosi %mul3A_615 : vector<16xf32> to vector<16xi32>
      %jit3A_617 = arith.constant 0 : i32
      %jit3A_618 = arith.constant 254 : i32
      %max3A_619 = vector.broadcast %jit3A_617 : i32 to vector<16xi32>
      %max3A_620 = arith.maxsi %max3A_619, %convert_element_type3A_616 : vector<16xi32>
      %min3A_621 = vector.broadcast %jit3A_618 : i32 to vector<16xi32>
      %min3A_622 = arith.minsi %min3A_621, %max3A_620 : vector<16xi32>
      %mul3A_623 = arith.constant 2.550000e+02 : f32
      %mul3A_624 = vector.broadcast %mul3A_623 : f32 to vector<16xf32>
      %mul3A_625 = arith.mulf %get3A_553, %mul3A_624 : vector<16xf32>
      %convert_element_type3A_626 = arith.fptosi %mul3A_625 : vector<16xf32> to vector<16xi32>
      %jit3A_627 = arith.constant 0 : i32
      %jit3A_628 = arith.constant 254 : i32
      %max3A_629 = vector.broadcast %jit3A_627 : i32 to vector<16xi32>
      %max3A_630 = arith.maxsi %max3A_629, %convert_element_type3A_626 : vector<16xi32>
      %min3A_631 = vector.broadcast %jit3A_628 : i32 to vector<16xi32>
      %min3A_632 = arith.minsi %min3A_631, %max3A_630 : vector<16xi32>
      %mul3A_633 = arith.constant 2.550000e+02 : f32
      %mul3A_634 = vector.broadcast %mul3A_633 : f32 to vector<16xf32>
      %mul3A_635 = arith.mulf %get3A_557, %mul3A_634 : vector<16xf32>
      %convert_element_type3A_636 = arith.fptosi %mul3A_635 : vector<16xf32> to vector<16xi32>
      %jit3A_637 = arith.constant 0 : i32
      %jit3A_638 = arith.constant 254 : i32
      %max3A_639 = vector.broadcast %jit3A_637 : i32 to vector<16xi32>
      %max3A_640 = arith.maxsi %max3A_639, %convert_element_type3A_636 : vector<16xi32>
      %min3A_641 = vector.broadcast %jit3A_638 : i32 to vector<16xi32>
      %min3A_642 = arith.minsi %min3A_641, %max3A_640 : vector<16xi32>
      %mul3A_643 = arith.constant 2.550000e+02 : f32
      %mul3A_644 = vector.broadcast %mul3A_643 : f32 to vector<16xf32>
      %mul3A_645 = arith.mulf %get3A_561, %mul3A_644 : vector<16xf32>
      %convert_element_type3A_646 = arith.fptosi %mul3A_645 : vector<16xf32> to vector<16xi32>
      %jit3A_647 = arith.constant 0 : i32
      %jit3A_648 = arith.constant 254 : i32
      %max3A_649 = vector.broadcast %jit3A_647 : i32 to vector<16xi32>
      %max3A_650 = arith.maxsi %max3A_649, %convert_element_type3A_646 : vector<16xi32>
      %min3A_651 = vector.broadcast %jit3A_648 : i32 to vector<16xi32>
      %min3A_652 = arith.minsi %min3A_651, %max3A_650 : vector<16xi32>
      %mul3A_653 = arith.constant 2.550000e+02 : f32
      %mul3A_654 = vector.broadcast %mul3A_653 : f32 to vector<16xf32>
      %mul3A_655 = arith.mulf %get3A_565, %mul3A_654 : vector<16xf32>
      %convert_element_type3A_656 = arith.fptosi %mul3A_655 : vector<16xf32> to vector<16xi32>
      %jit3A_657 = arith.constant 0 : i32
      %jit3A_658 = arith.constant 254 : i32
      %max3A_659 = vector.broadcast %jit3A_657 : i32 to vector<16xi32>
      %max3A_660 = arith.maxsi %max3A_659, %convert_element_type3A_656 : vector<16xi32>
      %min3A_661 = vector.broadcast %jit3A_658 : i32 to vector<16xi32>
      %min3A_662 = arith.minsi %min3A_661, %max3A_660 : vector<16xi32>
      %mul3A_663 = arith.constant 2.550000e+02 : f32
      %mul3A_664 = vector.broadcast %mul3A_663 : f32 to vector<16xf32>
      %mul3A_665 = arith.mulf %get3A_569, %mul3A_664 : vector<16xf32>
      %convert_element_type3A_666 = arith.fptosi %mul3A_665 : vector<16xf32> to vector<16xi32>
      %jit3A_667 = arith.constant 0 : i32
      %jit3A_668 = arith.constant 254 : i32
      %max3A_669 = vector.broadcast %jit3A_667 : i32 to vector<16xi32>
      %max3A_670 = arith.maxsi %max3A_669, %convert_element_type3A_666 : vector<16xi32>
      %min3A_671 = vector.broadcast %jit3A_668 : i32 to vector<16xi32>
      %min3A_672 = arith.minsi %min3A_671, %max3A_670 : vector<16xi32>
      %mul3A_673 = arith.constant 2.550000e+02 : f32
      %mul3A_674 = vector.broadcast %mul3A_673 : f32 to vector<16xf32>
      %mul3A_675 = arith.mulf %get3A_573, %mul3A_674 : vector<16xf32>
      %convert_element_type3A_676 = arith.fptosi %mul3A_675 : vector<16xf32> to vector<16xi32>
      %jit3A_677 = arith.constant 0 : i32
      %jit3A_678 = arith.constant 254 : i32
      %max3A_679 = vector.broadcast %jit3A_677 : i32 to vector<16xi32>
      %max3A_680 = arith.maxsi %max3A_679, %convert_element_type3A_676 : vector<16xi32>
      %min3A_681 = vector.broadcast %jit3A_678 : i32 to vector<16xi32>
      %min3A_682 = arith.minsi %min3A_681, %max3A_680 : vector<16xi32>
      %mul3A_683 = arith.constant 2.550000e+02 : f32
      %mul3A_684 = vector.broadcast %mul3A_683 : f32 to vector<16xf32>
      %mul3A_685 = arith.mulf %get3A_577, %mul3A_684 : vector<16xf32>
      %convert_element_type3A_686 = arith.fptosi %mul3A_685 : vector<16xf32> to vector<16xi32>
      %jit3A_687 = arith.constant 0 : i32
      %jit3A_688 = arith.constant 254 : i32
      %max3A_689 = vector.broadcast %jit3A_687 : i32 to vector<16xi32>
      %max3A_690 = arith.maxsi %max3A_689, %convert_element_type3A_686 : vector<16xi32>
      %min3A_691 = vector.broadcast %jit3A_688 : i32 to vector<16xi32>
      %min3A_692 = arith.minsi %min3A_691, %max3A_690 : vector<16xi32>
      %mul3A_693 = arith.constant 2.550000e+02 : f32
      %mul3A_694 = vector.broadcast %mul3A_693 : f32 to vector<16xf32>
      %mul3A_695 = arith.mulf %get3A_581, %mul3A_694 : vector<16xf32>
      %convert_element_type3A_696 = arith.fptosi %mul3A_695 : vector<16xf32> to vector<16xi32>
      %jit3A_697 = arith.constant 0 : i32
      %jit3A_698 = arith.constant 254 : i32
      %max3A_699 = vector.broadcast %jit3A_697 : i32 to vector<16xi32>
      %max3A_700 = arith.maxsi %max3A_699, %convert_element_type3A_696 : vector<16xi32>
      %min3A_701 = vector.broadcast %jit3A_698 : i32 to vector<16xi32>
      %min3A_702 = arith.minsi %min3A_701, %max3A_700 : vector<16xi32>
      %mul3A_703 = arith.constant 2.550000e+02 : f32
      %mul3A_704 = vector.broadcast %mul3A_703 : f32 to vector<16xf32>
      %mul3A_705 = arith.mulf %get3A_585, %mul3A_704 : vector<16xf32>
      %convert_element_type3A_706 = arith.fptosi %mul3A_705 : vector<16xf32> to vector<16xi32>
      %jit3A_707 = arith.constant 0 : i32
      %jit3A_708 = arith.constant 254 : i32
      %max3A_709 = vector.broadcast %jit3A_707 : i32 to vector<16xi32>
      %max3A_710 = arith.maxsi %max3A_709, %convert_element_type3A_706 : vector<16xi32>
      %min3A_711 = vector.broadcast %jit3A_708 : i32 to vector<16xi32>
      %min3A_712 = arith.minsi %min3A_711, %max3A_710 : vector<16xi32>
      %mul3A_713 = arith.constant 2.550000e+02 : f32
      %mul3A_714 = vector.broadcast %mul3A_713 : f32 to vector<16xf32>
      %mul3A_715 = arith.mulf %get3A_589, %mul3A_714 : vector<16xf32>
      %convert_element_type3A_716 = arith.fptosi %mul3A_715 : vector<16xf32> to vector<16xi32>
      %jit3A_717 = arith.constant 0 : i32
      %jit3A_718 = arith.constant 254 : i32
      %max3A_719 = vector.broadcast %jit3A_717 : i32 to vector<16xi32>
      %max3A_720 = arith.maxsi %max3A_719, %convert_element_type3A_716 : vector<16xi32>
      %min3A_721 = vector.broadcast %jit3A_718 : i32 to vector<16xi32>
      %min3A_722 = arith.minsi %min3A_721, %max3A_720 : vector<16xi32>
      %mul3A_723 = arith.constant 2.550000e+02 : f32
      %mul3A_724 = vector.broadcast %mul3A_723 : f32 to vector<16xf32>
      %mul3A_725 = arith.mulf %get3A_593, %mul3A_724 : vector<16xf32>
      %convert_element_type3A_726 = arith.fptosi %mul3A_725 : vector<16xf32> to vector<16xi32>
      %jit3A_727 = arith.constant 0 : i32
      %jit3A_728 = arith.constant 254 : i32
      %max3A_729 = vector.broadcast %jit3A_727 : i32 to vector<16xi32>
      %max3A_730 = arith.maxsi %max3A_729, %convert_element_type3A_726 : vector<16xi32>
      %min3A_731 = vector.broadcast %jit3A_728 : i32 to vector<16xi32>
      %min3A_732 = arith.minsi %min3A_731, %max3A_730 : vector<16xi32>
      %mul3A_733 = arith.constant 2.550000e+02 : f32
      %mul3A_734 = vector.broadcast %mul3A_733 : f32 to vector<16xf32>
      %mul3A_735 = arith.mulf %get3A_597, %mul3A_734 : vector<16xf32>
      %convert_element_type3A_736 = arith.fptosi %mul3A_735 : vector<16xf32> to vector<16xi32>
      %jit3A_737 = arith.constant 0 : i32
      %jit3A_738 = arith.constant 254 : i32
      %max3A_739 = vector.broadcast %jit3A_737 : i32 to vector<16xi32>
      %max3A_740 = arith.maxsi %max3A_739, %convert_element_type3A_736 : vector<16xi32>
      %min3A_741 = vector.broadcast %jit3A_738 : i32 to vector<16xi32>
      %min3A_742 = arith.minsi %min3A_741, %max3A_740 : vector<16xi32>
      %mul3A_743 = arith.constant 2.550000e+02 : f32
      %mul3A_744 = vector.broadcast %mul3A_743 : f32 to vector<16xf32>
      %mul3A_745 = arith.mulf %get3A_601, %mul3A_744 : vector<16xf32>
      %convert_element_type3A_746 = arith.fptosi %mul3A_745 : vector<16xf32> to vector<16xi32>
      %jit3A_747 = arith.constant 0 : i32
      %jit3A_748 = arith.constant 254 : i32
      %max3A_749 = vector.broadcast %jit3A_747 : i32 to vector<16xi32>
      %max3A_750 = arith.maxsi %max3A_749, %convert_element_type3A_746 : vector<16xi32>
      %min3A_751 = vector.broadcast %jit3A_748 : i32 to vector<16xi32>
      %min3A_752 = arith.minsi %min3A_751, %max3A_750 : vector<16xi32>
      %mul3A_753 = arith.constant 2.550000e+02 : f32
      %mul3A_754 = vector.broadcast %mul3A_753 : f32 to vector<16xf32>
      %mul3A_755 = arith.mulf %get3A_605, %mul3A_754 : vector<16xf32>
      %convert_element_type3A_756 = arith.fptosi %mul3A_755 : vector<16xf32> to vector<16xi32>
      %jit3A_757 = arith.constant 0 : i32
      %jit3A_758 = arith.constant 254 : i32
      %max3A_759 = vector.broadcast %jit3A_757 : i32 to vector<16xi32>
      %max3A_760 = arith.maxsi %max3A_759, %convert_element_type3A_756 : vector<16xi32>
      %min3A_761 = vector.broadcast %jit3A_758 : i32 to vector<16xi32>
      %min3A_762 = arith.minsi %min3A_761, %max3A_760 : vector<16xi32>
      %gather3A_763 = tpu.vector_load_idx %arg17[%min3A_612] : memref<512xf32, #tpu.memory_space<vmem>>[vector<16xi32>], vector<16xf32>,
      %gather3A_764 = tpu.vector_load_idx %arg17[%min3A_622] : memref<512xf32, #tpu.memory_space<vmem>>[vector<16xi32>], vector<16xf32>,
      %gather3A_765 = tpu.vector_load_idx %arg17[%min3A_632] : memref<512xf32, #tpu.memory_space<vmem>>[vector<16xi32>], vector<16xf32>,
      %gather3A_766 = tpu.vector_load_idx %arg17[%min3A_642] : memref<512xf32, #tpu.memory_space<vmem>>[vector<16xi32>], vector<16xf32>,
      %gather3A_767 = tpu.vector_load_idx %arg17[%min3A_652] : memref<512xf32, #tpu.memory_space<vmem>>[vector<16xi32>], vector<16xf32>,
      %gather3A_768 = tpu.vector_load_idx %arg17[%min3A_662] : memref<512xf32, #tpu.memory_space<vmem>>[vector<16xi32>], vector<16xf32>,
      %gather3A_769 = tpu.vector_load_idx %arg17[%min3A_672] : memref<512xf32, #tpu.memory_space<vmem>>[vector<16xi32>], vector<16xf32>,
      %gather3A_770 = tpu.vector_load_idx %arg17[%min3A_682] : memref<512xf32, #tpu.memory_space<vmem>>[vector<16xi32>], vector<16xf32>,
      %gather3A_771 = tpu.vector_load_idx %arg17[%min3A_692] : memref<512xf32, #tpu.memory_space<vmem>>[vector<16xi32>], vector<16xf32>,
      %gather3A_772 = tpu.vector_load_idx %arg17[%min3A_702] : memref<512xf32, #tpu.memory_space<vmem>>[vector<16xi32>], vector<16xf32>,
      %gather3A_773 = tpu.vector_load_idx %arg17[%min3A_712] : memref<512xf32, #tpu.memory_space<vmem>>[vector<16xi32>], vector<16xf32>,
      %gather3A_774 = tpu.vector_load_idx %arg17[%min3A_722] : memref<512xf32, #tpu.memory_space<vmem>>[vector<16xi32>], vector<16xf32>,
      %gather3A_775 = tpu.vector_load_idx %arg17[%min3A_732] : memref<512xf32, #tpu.memory_space<vmem>>[vector<16xi32>], vector<16xf32>,
      %gather3A_776 = tpu.vector_load_idx %arg17[%min3A_742] : memref<512xf32, #tpu.memory_space<vmem>>[vector<16xi32>], vector<16xf32>,
      %gather3A_777 = tpu.vector_load_idx %arg17[%min3A_752] : memref<512xf32, #tpu.memory_space<vmem>>[vector<16xi32>], vector<16xf32>,
      %gather3A_778 = tpu.vector_load_idx %arg17[%min3A_762] : memref<512xf32, #tpu.memory_space<vmem>>[vector<16xi32>], vector<16xf32>,
      %add3A_779 = arith.constant 256 : i32
      %add3A_780 = vector.broadcast %add3A_779 : i32 to vector<16xi32>
      %add3A_781 = arith.addi %min3A_612, %add3A_780 : vector<16xi32>
      %gather3A_782 = tpu.vector_load_idx %arg17[%add3A_781] : memref<512xf32, #tpu.memory_space<vmem>>[vector<16xi32>], vector<16xf32>,
      %add3A_783 = arith.constant 256 : i32
      %add3A_784 = vector.broadcast %add3A_783 : i32 to vector<16xi32>
      %add3A_785 = arith.addi %min3A_622, %add3A_784 : vector<16xi32>
      %gather3A_786 = tpu.vector_load_idx %arg17[%add3A_785] : memref<512xf32, #tpu.memory_space<vmem>>[vector<16xi32>], vector<16xf32>,
      %add3A_787 = arith.constant 256 : i32
      %add3A_788 = vector.broadcast %add3A_787 : i32 to vector<16xi32>
      %add3A_789 = arith.addi %min3A_632, %add3A_788 : vector<16xi32>
      %gather3A_790 = tpu.vector_load_idx %arg17[%add3A_789] : memref<512xf32, #tpu.memory_space<vmem>>[vector<16xi32>], vector<16xf32>,
      %add3A_791 = arith.constant 256 : i32
      %add3A_792 = vector.broadcast %add3A_791 : i32 to vector<16xi32>
      %add3A_793 = arith.addi %min3A_642, %add3A_792 : vector<16xi32>
      %gather3A_794 = tpu.vector_load_idx %arg17[%add3A_793] : memref<512xf32, #tpu.memory_space<vmem>>[vector<16xi32>], vector<16xf32>,
      %add3A_795 = arith.constant 256 : i32
      %add3A_796 = vector.broadcast %add3A_795 : i32 to vector<16xi32>
      %add3A_797 = arith.addi %min3A_652, %add3A_796 : vector<16xi32>
      %gather3A_798 = tpu.vector_load_idx %arg17[%add3A_797] : memref<512xf32, #tpu.memory_space<vmem>>[vector<16xi32>], vector<16xf32>,
      %add3A_799 = arith.constant 256 : i32
      %add3A_800 = vector.broadcast %add3A_799 : i32 to vector<16xi32>
      %add3A_801 = arith.addi %min3A_662, %add3A_800 : vector<16xi32>
      %gather3A_802 = tpu.vector_load_idx %arg17[%add3A_801] : memref<512xf32, #tpu.memory_space<vmem>>[vector<16xi32>], vector<16xf32>,
      %add3A_803 = arith.constant 256 : i32
      %add3A_804 = vector.broadcast %add3A_803 : i32 to vector<16xi32>
      %add3A_805 = arith.addi %min3A_672, %add3A_804 : vector<16xi32>
      %gather3A_806 = tpu.vector_load_idx %arg17[%add3A_805] : memref<512xf32, #tpu.memory_space<vmem>>[vector<16xi32>], vector<16xf32>,
      %add3A_807 = arith.constant 256 : i32
      %add3A_808 = vector.broadcast %add3A_807 : i32 to vector<16xi32>
      %add3A_809 = arith.addi %min3A_682, %add3A_808 : vector<16xi32>
      %gather3A_810 = tpu.vector_load_idx %arg17[%add3A_809] : memref<512xf32, #tpu.memory_space<vmem>>[vector<16xi32>], vector<16xf32>,
      %add3A_811 = arith.constant 256 : i32
      %add3A_812 = vector.broadcast %add3A_811 : i32 to vector<16xi32>
      %add3A_813 = arith.addi %min3A_692, %add3A_812 : vector<16xi32>
      %gather3A_814 = tpu.vector_load_idx %arg17[%add3A_813] : memref<512xf32, #tpu.memory_space<vmem>>[vector<16xi32>], vector<16xf32>,
      %add3A_815 = arith.constant 256 : i32
      %add3A_816 = vector.broadcast %add3A_815 : i32 to vector<16xi32>
      %add3A_817 = arith.addi %min3A_702, %add3A_816 : vector<16xi32>
      %gather3A_818 = tpu.vector_load_idx %arg17[%add3A_817] : memref<512xf32, #tpu.memory_space<vmem>>[vector<16xi32>], vector<16xf32>,
      %add3A_819 = arith.constant 256 : i32
      %add3A_820 = vector.broadcast %add3A_819 : i32 to vector<16xi32>
      %add3A_821 = arith.addi %min3A_712, %add3A_820 : vector<16xi32>
      %gather3A_822 = tpu.vector_load_idx %arg17[%add3A_821] : memref<512xf32, #tpu.memory_space<vmem>>[vector<16xi32>], vector<16xf32>,
      %add3A_823 = arith.constant 256 : i32
      %add3A_824 = vector.broadcast %add3A_823 : i32 to vector<16xi32>
      %add3A_825 = arith.addi %min3A_722, %add3A_824 : vector<16xi32>
      %gather3A_826 = tpu.vector_load_idx %arg17[%add3A_825] : memref<512xf32, #tpu.memory_space<vmem>>[vector<16xi32>], vector<16xf32>,
      %add3A_827 = arith.constant 256 : i32
      %add3A_828 = vector.broadcast %add3A_827 : i32 to vector<16xi32>
      %add3A_829 = arith.addi %min3A_732, %add3A_828 : vector<16xi32>
      %gather3A_830 = tpu.vector_load_idx %arg17[%add3A_829] : memref<512xf32, #tpu.memory_space<vmem>>[vector<16xi32>], vector<16xf32>,
      %add3A_831 = arith.constant 256 : i32
      %add3A_832 = vector.broadcast %add3A_831 : i32 to vector<16xi32>
      %add3A_833 = arith.addi %min3A_742, %add3A_832 : vector<16xi32>
      %gather3A_834 = tpu.vector_load_idx %arg17[%add3A_833] : memref<512xf32, #tpu.memory_space<vmem>>[vector<16xi32>], vector<16xf32>,
      %add3A_835 = arith.constant 256 : i32
      %add3A_836 = vector.broadcast %add3A_835 : i32 to vector<16xi32>
      %add3A_837 = arith.addi %min3A_752, %add3A_836 : vector<16xi32>
      %gather3A_838 = tpu.vector_load_idx %arg17[%add3A_837] : memref<512xf32, #tpu.memory_space<vmem>>[vector<16xi32>], vector<16xf32>,
      %add3A_839 = arith.constant 256 : i32
      %add3A_840 = vector.broadcast %add3A_839 : i32 to vector<16xi32>
      %add3A_841 = arith.addi %min3A_762, %add3A_840 : vector<16xi32>
      %gather3A_842 = tpu.vector_load_idx %arg17[%add3A_841] : memref<512xf32, #tpu.memory_space<vmem>>[vector<16xi32>], vector<16xf32>,
      %mul3A_843 = arith.mulf %gather3A_782, %get3A_545 : vector<16xf32>
      %add3A_844 = arith.addf %gather3A_763, %mul3A_843 : vector<16xf32>
      %le3A = arith.cmpf ole, %get3A_545, %gather3A_501 : vector<16xf32>
      %ge3A = arith.cmpf oge, %get3A_545, %gather3A_502 : vector<16xf32>
      %select_n3A = arith.select %ge3A, %gather3A_522, %add3A_844 : vector<16xi1>, vector<16xf32>
      %select_n3A_845 = arith.select %le3A, %gather3A_521, %select_n3A : vector<16xi1>, vector<16xf32>
      %jit3A_846 = arith.constant 0.000000e+00 : f32
      %jit3A_847 = arith.constant 1.000000e+00 : f32
      %max3A_848 = vector.broadcast %jit3A_846 : f32 to vector<16xf32>
      %max3A_849 = arith.maximumf %max3A_848, %select_n3A_845 : vector<16xf32>
      %min3A_850 = vector.broadcast %jit3A_847 : f32 to vector<16xf32>
      %min3A_851 = arith.minimumf %min3A_850, %max3A_849 : vector<16xf32>
      %mul3A_852 = arith.constant 2.00787401 : f32
      %mul3A_853 = vector.broadcast %mul3A_852 : f32 to vector<16xf32>
      %mul3A_854 = arith.mulf %min3A_851, %mul3A_853 : vector<16xf32>
      %sub3A = arith.constant 1.000000e+00 : f32
      %sub3A_855 = vector.broadcast %sub3A : f32 to vector<16xf32>
      %sub3A_856 = arith.subf %mul3A_854, %sub3A_855 : vector<16xf32>
      %mul3A_857 = arith.constant 256 : i32
      %mul3A_858 = arith.muli %scan3A_537, %mul3A_857 : i32
      %add3A_859 = arith.constant 0 : i32
      %add3A_860 = arith.addi %mul3A_858, %add3A_859 : i32
      %swap3A_861 = arith.index_cast %add3A_860 : i32 to index
      %swap3A_862 = tpu.vector_load %arg18[%swap3A_861] {strides = array<i32>} : memref<8192xf32, #tpu.memory_space<vmem>>, vector<16xf32>,
      tpu.vector_store %arg18[%swap3A_861], %sub3A_856 {strides = array<i32>} : memref<8192xf32, #tpu.memory_space<vmem>>, vector<16xf32>,
      %mul3A_863 = arith.mulf %gather3A_786, %get3A_549 : vector<16xf32>
      %add3A_864 = arith.addf %gather3A_764, %mul3A_863 : vector<16xf32>
      %le3A_865 = arith.cmpf ole, %get3A_549, %gather3A_501 : vector<16xf32>
      %ge3A_866 = arith.cmpf oge, %get3A_549, %gather3A_502 : vector<16xf32>
      %select_n3A_867 = arith.select %ge3A_866, %gather3A_522, %add3A_864 : vector<16xi1>, vector<16xf32>
      %select_n3A_868 = arith.select %le3A_865, %gather3A_521, %select_n3A_867 : vector<16xi1>, vector<16xf32>
      %jit3A_869 = arith.constant 0.000000e+00 : f32
      %jit3A_870 = arith.constant 1.000000e+00 : f32
      %max3A_871 = vector.broadcast %jit3A_869 : f32 to vector<16xf32>
      %max3A_872 = arith.maximumf %max3A_871, %select_n3A_868 : vector<16xf32>
      %min3A_873 = vector.broadcast %jit3A_870 : f32 to vector<16xf32>
      %min3A_874 = arith.minimumf %min3A_873, %max3A_872 : vector<16xf32>
      %mul3A_875 = arith.constant 2.00787401 : f32
      %mul3A_876 = vector.broadcast %mul3A_875 : f32 to vector<16xf32>
      %mul3A_877 = arith.mulf %min3A_874, %mul3A_876 : vector<16xf32>
      %sub3A_878 = arith.constant 1.000000e+00 : f32
      %sub3A_879 = vector.broadcast %sub3A_878 : f32 to vector<16xf32>
      %sub3A_880 = arith.subf %mul3A_877, %sub3A_879 : vector<16xf32>
      %mul3A_881 = arith.constant 256 : i32
      %mul3A_882 = arith.muli %scan3A_537, %mul3A_881 : i32
      %add3A_883 = arith.constant 16 : i32
      %add3A_884 = arith.addi %mul3A_882, %add3A_883 : i32
      %swap3A_885 = arith.index_cast %add3A_884 : i32 to index
      %swap3A_886 = tpu.vector_load %arg18[%swap3A_885] {strides = array<i32>} : memref<8192xf32, #tpu.memory_space<vmem>>, vector<16xf32>,
      tpu.vector_store %arg18[%swap3A_885], %sub3A_880 {strides = array<i32>} : memref<8192xf32, #tpu.memory_space<vmem>>, vector<16xf32>,
      %mul3A_887 = arith.mulf %gather3A_790, %get3A_553 : vector<16xf32>
      %add3A_888 = arith.addf %gather3A_765, %mul3A_887 : vector<16xf32>
      %le3A_889 = arith.cmpf ole, %get3A_553, %gather3A_501 : vector<16xf32>
      %ge3A_890 = arith.cmpf oge, %get3A_553, %gather3A_502 : vector<16xf32>
      %select_n3A_891 = arith.select %ge3A_890, %gather3A_522, %add3A_888 : vector<16xi1>, vector<16xf32>
      %select_n3A_892 = arith.select %le3A_889, %gather3A_521, %select_n3A_891 : vector<16xi1>, vector<16xf32>
      %jit3A_893 = arith.constant 0.000000e+00 : f32
      %jit3A_894 = arith.constant 1.000000e+00 : f32
      %max3A_895 = vector.broadcast %jit3A_893 : f32 to vector<16xf32>
      %max3A_896 = arith.maximumf %max3A_895, %select_n3A_892 : vector<16xf32>
      %min3A_897 = vector.broadcast %jit3A_894 : f32 to vector<16xf32>
      %min3A_898 = arith.minimumf %min3A_897, %max3A_896 : vector<16xf32>
      %mul3A_899 = arith.constant 2.00787401 : f32
      %mul3A_900 = vector.broadcast %mul3A_899 : f32 to vector<16xf32>
      %mul3A_901 = arith.mulf %min3A_898, %mul3A_900 : vector<16xf32>
      %sub3A_902 = arith.constant 1.000000e+00 : f32
      %sub3A_903 = vector.broadcast %sub3A_902 : f32 to vector<16xf32>
      %sub3A_904 = arith.subf %mul3A_901, %sub3A_903 : vector<16xf32>
      %mul3A_905 = arith.constant 256 : i32
      %mul3A_906 = arith.muli %scan3A_537, %mul3A_905 : i32
      %add3A_907 = arith.constant 32 : i32
      %add3A_908 = arith.addi %mul3A_906, %add3A_907 : i32
      %swap3A_909 = arith.index_cast %add3A_908 : i32 to index
      %swap3A_910 = tpu.vector_load %arg18[%swap3A_909] {strides = array<i32>} : memref<8192xf32, #tpu.memory_space<vmem>>, vector<16xf32>,
      tpu.vector_store %arg18[%swap3A_909], %sub3A_904 {strides = array<i32>} : memref<8192xf32, #tpu.memory_space<vmem>>, vector<16xf32>,
      %mul3A_911 = arith.mulf %gather3A_794, %get3A_557 : vector<16xf32>
      %add3A_912 = arith.addf %gather3A_766, %mul3A_911 : vector<16xf32>
      %le3A_913 = arith.cmpf ole, %get3A_557, %gather3A_501 : vector<16xf32>
      %ge3A_914 = arith.cmpf oge, %get3A_557, %gather3A_502 : vector<16xf32>
      %select_n3A_915 = arith.select %ge3A_914, %gather3A_522, %add3A_912 : vector<16xi1>, vector<16xf32>
      %select_n3A_916 = arith.select %le3A_913, %gather3A_521, %select_n3A_915 : vector<16xi1>, vector<16xf32>
      %jit3A_917 = arith.constant 0.000000e+00 : f32
      %jit3A_918 = arith.constant 1.000000e+00 : f32
      %max3A_919 = vector.broadcast %jit3A_917 : f32 to vector<16xf32>
      %max3A_920 = arith.maximumf %max3A_919, %select_n3A_916 : vector<16xf32>
      %min3A_921 = vector.broadcast %jit3A_918 : f32 to vector<16xf32>
      %min3A_922 = arith.minimumf %min3A_921, %max3A_920 : vector<16xf32>
      %mul3A_923 = arith.constant 2.00787401 : f32
      %mul3A_924 = vector.broadcast %mul3A_923 : f32 to vector<16xf32>
      %mul3A_925 = arith.mulf %min3A_922, %mul3A_924 : vector<16xf32>
      %sub3A_926 = arith.constant 1.000000e+00 : f32
      %sub3A_927 = vector.broadcast %sub3A_926 : f32 to vector<16xf32>
      %sub3A_928 = arith.subf %mul3A_925, %sub3A_927 : vector<16xf32>
      %mul3A_929 = arith.constant 256 : i32
      %mul3A_930 = arith.muli %scan3A_537, %mul3A_929 : i32
      %add3A_931 = arith.constant 48 : i32
      %add3A_932 = arith.addi %mul3A_930, %add3A_931 : i32
      %swap3A_933 = arith.index_cast %add3A_932 : i32 to index
      %swap3A_934 = tpu.vector_load %arg18[%swap3A_933] {strides = array<i32>} : memref<8192xf32, #tpu.memory_space<vmem>>, vector<16xf32>,
      tpu.vector_store %arg18[%swap3A_933], %sub3A_928 {strides = array<i32>} : memref<8192xf32, #tpu.memory_space<vmem>>, vector<16xf32>,
      %mul3A_935 = arith.mulf %gather3A_798, %get3A_561 : vector<16xf32>
      %add3A_936 = arith.addf %gather3A_767, %mul3A_935 : vector<16xf32>
      %le3A_937 = arith.cmpf ole, %get3A_561, %gather3A_501 : vector<16xf32>
      %ge3A_938 = arith.cmpf oge, %get3A_561, %gather3A_502 : vector<16xf32>
      %select_n3A_939 = arith.select %ge3A_938, %gather3A_522, %add3A_936 : vector<16xi1>, vector<16xf32>
      %select_n3A_940 = arith.select %le3A_937, %gather3A_521, %select_n3A_939 : vector<16xi1>, vector<16xf32>
      %jit3A_941 = arith.constant 0.000000e+00 : f32
      %jit3A_942 = arith.constant 1.000000e+00 : f32
      %max3A_943 = vector.broadcast %jit3A_941 : f32 to vector<16xf32>
      %max3A_944 = arith.maximumf %max3A_943, %select_n3A_940 : vector<16xf32>
      %min3A_945 = vector.broadcast %jit3A_942 : f32 to vector<16xf32>
      %min3A_946 = arith.minimumf %min3A_945, %max3A_944 : vector<16xf32>
      %mul3A_947 = arith.constant 2.00787401 : f32
      %mul3A_948 = vector.broadcast %mul3A_947 : f32 to vector<16xf32>
      %mul3A_949 = arith.mulf %min3A_946, %mul3A_948 : vector<16xf32>
      %sub3A_950 = arith.constant 1.000000e+00 : f32
      %sub3A_951 = vector.broadcast %sub3A_950 : f32 to vector<16xf32>
      %sub3A_952 = arith.subf %mul3A_949, %sub3A_951 : vector<16xf32>
      %mul3A_953 = arith.constant 256 : i32
      %mul3A_954 = arith.muli %scan3A_537, %mul3A_953 : i32
      %add3A_955 = arith.constant 64 : i32
      %add3A_956 = arith.addi %mul3A_954, %add3A_955 : i32
      %swap3A_957 = arith.index_cast %add3A_956 : i32 to index
      %swap3A_958 = tpu.vector_load %arg18[%swap3A_957] {strides = array<i32>} : memref<8192xf32, #tpu.memory_space<vmem>>, vector<16xf32>,
      tpu.vector_store %arg18[%swap3A_957], %sub3A_952 {strides = array<i32>} : memref<8192xf32, #tpu.memory_space<vmem>>, vector<16xf32>,
      %mul3A_959 = arith.mulf %gather3A_802, %get3A_565 : vector<16xf32>
      %add3A_960 = arith.addf %gather3A_768, %mul3A_959 : vector<16xf32>
      %le3A_961 = arith.cmpf ole, %get3A_565, %gather3A_501 : vector<16xf32>
      %ge3A_962 = arith.cmpf oge, %get3A_565, %gather3A_502 : vector<16xf32>
      %select_n3A_963 = arith.select %ge3A_962, %gather3A_522, %add3A_960 : vector<16xi1>, vector<16xf32>
      %select_n3A_964 = arith.select %le3A_961, %gather3A_521, %select_n3A_963 : vector<16xi1>, vector<16xf32>
      %jit3A_965 = arith.constant 0.000000e+00 : f32
      %jit3A_966 = arith.constant 1.000000e+00 : f32
      %max3A_967 = vector.broadcast %jit3A_965 : f32 to vector<16xf32>
      %max3A_968 = arith.maximumf %max3A_967, %select_n3A_964 : vector<16xf32>
      %min3A_969 = vector.broadcast %jit3A_966 : f32 to vector<16xf32>
      %min3A_970 = arith.minimumf %min3A_969, %max3A_968 : vector<16xf32>
      %mul3A_971 = arith.constant 2.00787401 : f32
      %mul3A_972 = vector.broadcast %mul3A_971 : f32 to vector<16xf32>
      %mul3A_973 = arith.mulf %min3A_970, %mul3A_972 : vector<16xf32>
      %sub3A_974 = arith.constant 1.000000e+00 : f32
      %sub3A_975 = vector.broadcast %sub3A_974 : f32 to vector<16xf32>
      %sub3A_976 = arith.subf %mul3A_973, %sub3A_975 : vector<16xf32>
      %mul3A_977 = arith.constant 256 : i32
      %mul3A_978 = arith.muli %scan3A_537, %mul3A_977 : i32
      %add3A_979 = arith.constant 80 : i32
      %add3A_980 = arith.addi %mul3A_978, %add3A_979 : i32
      %swap3A_981 = arith.index_cast %add3A_980 : i32 to index
      %swap3A_982 = tpu.vector_load %arg18[%swap3A_981] {strides = array<i32>} : memref<8192xf32, #tpu.memory_space<vmem>>, vector<16xf32>,
      tpu.vector_store %arg18[%swap3A_981], %sub3A_976 {strides = array<i32>} : memref<8192xf32, #tpu.memory_space<vmem>>, vector<16xf32>,
      %mul3A_983 = arith.mulf %gather3A_806, %get3A_569 : vector<16xf32>
      %add3A_984 = arith.addf %gather3A_769, %mul3A_983 : vector<16xf32>
      %le3A_985 = arith.cmpf ole, %get3A_569, %gather3A_501 : vector<16xf32>
      %ge3A_986 = arith.cmpf oge, %get3A_569, %gather3A_502 : vector<16xf32>
      %select_n3A_987 = arith.select %ge3A_986, %gather3A_522, %add3A_984 : vector<16xi1>, vector<16xf32>
      %select_n3A_988 = arith.select %le3A_985, %gather3A_521, %select_n3A_987 : vector<16xi1>, vector<16xf32>
      %jit3A_989 = arith.constant 0.000000e+00 : f32
      %jit3A_990 = arith.constant 1.000000e+00 : f32
      %max3A_991 = vector.broadcast %jit3A_989 : f32 to vector<16xf32>
      %max3A_992 = arith.maximumf %max3A_991, %select_n3A_988 : vector<16xf32>
      %min3A_993 = vector.broadcast %jit3A_990 : f32 to vector<16xf32>
      %min3A_994 = arith.minimumf %min3A_993, %max3A_992 : vector<16xf32>
      %mul3A_995 = arith.constant 2.00787401 : f32
      %mul3A_996 = vector.broadcast %mul3A_995 : f32 to vector<16xf32>
      %mul3A_997 = arith.mulf %min3A_994, %mul3A_996 : vector<16xf32>
      %sub3A_998 = arith.constant 1.000000e+00 : f32
      %sub3A_999 = vector.broadcast %sub3A_998 : f32 to vector<16xf32>
      %sub3A_1000 = arith.subf %mul3A_997, %sub3A_999 : vector<16xf32>
      %mul3A_1001 = arith.constant 256 : i32
      %mul3A_1002 = arith.muli %scan3A_537, %mul3A_1001 : i32
      %add3A_1003 = arith.constant 96 : i32
      %add3A_1004 = arith.addi %mul3A_1002, %add3A_1003 : i32
      %swap3A_1005 = arith.index_cast %add3A_1004 : i32 to index
      %swap3A_1006 = tpu.vector_load %arg18[%swap3A_1005] {strides = array<i32>} : memref<8192xf32, #tpu.memory_space<vmem>>, vector<16xf32>,
      tpu.vector_store %arg18[%swap3A_1005], %sub3A_1000 {strides = array<i32>} : memref<8192xf32, #tpu.memory_space<vmem>>, vector<16xf32>,
      %mul3A_1007 = arith.mulf %gather3A_810, %get3A_573 : vector<16xf32>
      %add3A_1008 = arith.addf %gather3A_770, %mul3A_1007 : vector<16xf32>
      %le3A_1009 = arith.cmpf ole, %get3A_573, %gather3A_501 : vector<16xf32>
      %ge3A_1010 = arith.cmpf oge, %get3A_573, %gather3A_502 : vector<16xf32>
      %select_n3A_1011 = arith.select %ge3A_1010, %gather3A_522, %add3A_1008 : vector<16xi1>, vector<16xf32>
      %select_n3A_1012 = arith.select %le3A_1009, %gather3A_521, %select_n3A_1011 : vector<16xi1>, vector<16xf32>
      %jit3A_1013 = arith.constant 0.000000e+00 : f32
      %jit3A_1014 = arith.constant 1.000000e+00 : f32
      %max3A_1015 = vector.broadcast %jit3A_1013 : f32 to vector<16xf32>
      %max3A_1016 = arith.maximumf %max3A_1015, %select_n3A_1012 : vector<16xf32>
      %min3A_1017 = vector.broadcast %jit3A_1014 : f32 to vector<16xf32>
      %min3A_1018 = arith.minimumf %min3A_1017, %max3A_1016 : vector<16xf32>
      %mul3A_1019 = arith.constant 2.00787401 : f32
      %mul3A_1020 = vector.broadcast %mul3A_1019 : f32 to vector<16xf32>
      %mul3A_1021 = arith.mulf %min3A_1018, %mul3A_1020 : vector<16xf32>
      %sub3A_1022 = arith.constant 1.000000e+00 : f32
      %sub3A_1023 = vector.broadcast %sub3A_1022 : f32 to vector<16xf32>
      %sub3A_1024 = arith.subf %mul3A_1021, %sub3A_1023 : vector<16xf32>
      %mul3A_1025 = arith.constant 256 : i32
      %mul3A_1026 = arith.muli %scan3A_537, %mul3A_1025 : i32
      %add3A_1027 = arith.constant 112 : i32
      %add3A_1028 = arith.addi %mul3A_1026, %add3A_1027 : i32
      %swap3A_1029 = arith.index_cast %add3A_1028 : i32 to index
      %swap3A_1030 = tpu.vector_load %arg18[%swap3A_1029] {strides = array<i32>} : memref<8192xf32, #tpu.memory_space<vmem>>, vector<16xf32>,
      tpu.vector_store %arg18[%swap3A_1029], %sub3A_1024 {strides = array<i32>} : memref<8192xf32, #tpu.memory_space<vmem>>, vector<16xf32>,
      %mul3A_1031 = arith.mulf %gather3A_814, %get3A_577 : vector<16xf32>
      %add3A_1032 = arith.addf %gather3A_771, %mul3A_1031 : vector<16xf32>
      %le3A_1033 = arith.cmpf ole, %get3A_577, %gather3A_501 : vector<16xf32>
      %ge3A_1034 = arith.cmpf oge, %get3A_577, %gather3A_502 : vector<16xf32>
      %select_n3A_1035 = arith.select %ge3A_1034, %gather3A_522, %add3A_1032 : vector<16xi1>, vector<16xf32>
      %select_n3A_1036 = arith.select %le3A_1033, %gather3A_521, %select_n3A_1035 : vector<16xi1>, vector<16xf32>
      %jit3A_1037 = arith.constant 0.000000e+00 : f32
      %jit3A_1038 = arith.constant 1.000000e+00 : f32
      %max3A_1039 = vector.broadcast %jit3A_1037 : f32 to vector<16xf32>
      %max3A_1040 = arith.maximumf %max3A_1039, %select_n3A_1036 : vector<16xf32>
      %min3A_1041 = vector.broadcast %jit3A_1038 : f32 to vector<16xf32>
      %min3A_1042 = arith.minimumf %min3A_1041, %max3A_1040 : vector<16xf32>
      %mul3A_1043 = arith.constant 2.00787401 : f32
      %mul3A_1044 = vector.broadcast %mul3A_1043 : f32 to vector<16xf32>
      %mul3A_1045 = arith.mulf %min3A_1042, %mul3A_1044 : vector<16xf32>
      %sub3A_1046 = arith.constant 1.000000e+00 : f32
      %sub3A_1047 = vector.broadcast %sub3A_1046 : f32 to vector<16xf32>
      %sub3A_1048 = arith.subf %mul3A_1045, %sub3A_1047 : vector<16xf32>
      %mul3A_1049 = arith.constant 256 : i32
      %mul3A_1050 = arith.muli %scan3A_537, %mul3A_1049 : i32
      %add3A_1051 = arith.constant 128 : i32
      %add3A_1052 = arith.addi %mul3A_1050, %add3A_1051 : i32
      %swap3A_1053 = arith.index_cast %add3A_1052 : i32 to index
      %swap3A_1054 = tpu.vector_load %arg18[%swap3A_1053] {strides = array<i32>} : memref<8192xf32, #tpu.memory_space<vmem>>, vector<16xf32>,
      tpu.vector_store %arg18[%swap3A_1053], %sub3A_1048 {strides = array<i32>} : memref<8192xf32, #tpu.memory_space<vmem>>, vector<16xf32>,
      %mul3A_1055 = arith.mulf %gather3A_818, %get3A_581 : vector<16xf32>
      %add3A_1056 = arith.addf %gather3A_772, %mul3A_1055 : vector<16xf32>
      %le3A_1057 = arith.cmpf ole, %get3A_581, %gather3A_501 : vector<16xf32>
      %ge3A_1058 = arith.cmpf oge, %get3A_581, %gather3A_502 : vector<16xf32>
      %select_n3A_1059 = arith.select %ge3A_1058, %gather3A_522, %add3A_1056 : vector<16xi1>, vector<16xf32>
      %select_n3A_1060 = arith.select %le3A_1057, %gather3A_521, %select_n3A_1059 : vector<16xi1>, vector<16xf32>
      %jit3A_1061 = arith.constant 0.000000e+00 : f32
      %jit3A_1062 = arith.constant 1.000000e+00 : f32
      %max3A_1063 = vector.broadcast %jit3A_1061 : f32 to vector<16xf32>
      %max3A_1064 = arith.maximumf %max3A_1063, %select_n3A_1060 : vector<16xf32>
      %min3A_1065 = vector.broadcast %jit3A_1062 : f32 to vector<16xf32>
      %min3A_1066 = arith.minimumf %min3A_1065, %max3A_1064 : vector<16xf32>
      %mul3A_1067 = arith.constant 2.00787401 : f32
      %mul3A_1068 = vector.broadcast %mul3A_1067 : f32 to vector<16xf32>
      %mul3A_1069 = arith.mulf %min3A_1066, %mul3A_1068 : vector<16xf32>
      %sub3A_1070 = arith.constant 1.000000e+00 : f32
      %sub3A_1071 = vector.broadcast %sub3A_1070 : f32 to vector<16xf32>
      %sub3A_1072 = arith.subf %mul3A_1069, %sub3A_1071 : vector<16xf32>
      %mul3A_1073 = arith.constant 256 : i32
      %mul3A_1074 = arith.muli %scan3A_537, %mul3A_1073 : i32
      %add3A_1075 = arith.constant 144 : i32
      %add3A_1076 = arith.addi %mul3A_1074, %add3A_1075 : i32
      %swap3A_1077 = arith.index_cast %add3A_1076 : i32 to index
      %swap3A_1078 = tpu.vector_load %arg18[%swap3A_1077] {strides = array<i32>} : memref<8192xf32, #tpu.memory_space<vmem>>, vector<16xf32>,
      tpu.vector_store %arg18[%swap3A_1077], %sub3A_1072 {strides = array<i32>} : memref<8192xf32, #tpu.memory_space<vmem>>, vector<16xf32>,
      %mul3A_1079 = arith.mulf %gather3A_822, %get3A_585 : vector<16xf32>
      %add3A_1080 = arith.addf %gather3A_773, %mul3A_1079 : vector<16xf32>
      %le3A_1081 = arith.cmpf ole, %get3A_585, %gather3A_501 : vector<16xf32>
      %ge3A_1082 = arith.cmpf oge, %get3A_585, %gather3A_502 : vector<16xf32>
      %select_n3A_1083 = arith.select %ge3A_1082, %gather3A_522, %add3A_1080 : vector<16xi1>, vector<16xf32>
      %select_n3A_1084 = arith.select %le3A_1081, %gather3A_521, %select_n3A_1083 : vector<16xi1>, vector<16xf32>
      %jit3A_1085 = arith.constant 0.000000e+00 : f32
      %jit3A_1086 = arith.constant 1.000000e+00 : f32
      %max3A_1087 = vector.broadcast %jit3A_1085 : f32 to vector<16xf32>
      %max3A_1088 = arith.maximumf %max3A_1087, %select_n3A_1084 : vector<16xf32>
      %min3A_1089 = vector.broadcast %jit3A_1086 : f32 to vector<16xf32>
      %min3A_1090 = arith.minimumf %min3A_1089, %max3A_1088 : vector<16xf32>
      %mul3A_1091 = arith.constant 2.00787401 : f32
      %mul3A_1092 = vector.broadcast %mul3A_1091 : f32 to vector<16xf32>
      %mul3A_1093 = arith.mulf %min3A_1090, %mul3A_1092 : vector<16xf32>
      %sub3A_1094 = arith.constant 1.000000e+00 : f32
      %sub3A_1095 = vector.broadcast %sub3A_1094 : f32 to vector<16xf32>
      %sub3A_1096 = arith.subf %mul3A_1093, %sub3A_1095 : vector<16xf32>
      %mul3A_1097 = arith.constant 256 : i32
      %mul3A_1098 = arith.muli %scan3A_537, %mul3A_1097 : i32
      %add3A_1099 = arith.constant 160 : i32
      %add3A_1100 = arith.addi %mul3A_1098, %add3A_1099 : i32
      %swap3A_1101 = arith.index_cast %add3A_1100 : i32 to index
      %swap3A_1102 = tpu.vector_load %arg18[%swap3A_1101] {strides = array<i32>} : memref<8192xf32, #tpu.memory_space<vmem>>, vector<16xf32>,
      tpu.vector_store %arg18[%swap3A_1101], %sub3A_1096 {strides = array<i32>} : memref<8192xf32, #tpu.memory_space<vmem>>, vector<16xf32>,
      %mul3A_1103 = arith.mulf %gather3A_826, %get3A_589 : vector<16xf32>
      %add3A_1104 = arith.addf %gather3A_774, %mul3A_1103 : vector<16xf32>
      %le3A_1105 = arith.cmpf ole, %get3A_589, %gather3A_501 : vector<16xf32>
      %ge3A_1106 = arith.cmpf oge, %get3A_589, %gather3A_502 : vector<16xf32>
      %select_n3A_1107 = arith.select %ge3A_1106, %gather3A_522, %add3A_1104 : vector<16xi1>, vector<16xf32>
      %select_n3A_1108 = arith.select %le3A_1105, %gather3A_521, %select_n3A_1107 : vector<16xi1>, vector<16xf32>
      %jit3A_1109 = arith.constant 0.000000e+00 : f32
      %jit3A_1110 = arith.constant 1.000000e+00 : f32
      %max3A_1111 = vector.broadcast %jit3A_1109 : f32 to vector<16xf32>
      %max3A_1112 = arith.maximumf %max3A_1111, %select_n3A_1108 : vector<16xf32>
      %min3A_1113 = vector.broadcast %jit3A_1110 : f32 to vector<16xf32>
      %min3A_1114 = arith.minimumf %min3A_1113, %max3A_1112 : vector<16xf32>
      %mul3A_1115 = arith.constant 2.00787401 : f32
      %mul3A_1116 = vector.broadcast %mul3A_1115 : f32 to vector<16xf32>
      %mul3A_1117 = arith.mulf %min3A_1114, %mul3A_1116 : vector<16xf32>
      %sub3A_1118 = arith.constant 1.000000e+00 : f32
      %sub3A_1119 = vector.broadcast %sub3A_1118 : f32 to vector<16xf32>
      %sub3A_1120 = arith.subf %mul3A_1117, %sub3A_1119 : vector<16xf32>
      %mul3A_1121 = arith.constant 256 : i32
      %mul3A_1122 = arith.muli %scan3A_537, %mul3A_1121 : i32
      %add3A_1123 = arith.constant 176 : i32
      %add3A_1124 = arith.addi %mul3A_1122, %add3A_1123 : i32
      %swap3A_1125 = arith.index_cast %add3A_1124 : i32 to index
      %swap3A_1126 = tpu.vector_load %arg18[%swap3A_1125] {strides = array<i32>} : memref<8192xf32, #tpu.memory_space<vmem>>, vector<16xf32>,
      tpu.vector_store %arg18[%swap3A_1125], %sub3A_1120 {strides = array<i32>} : memref<8192xf32, #tpu.memory_space<vmem>>, vector<16xf32>,
      %mul3A_1127 = arith.mulf %gather3A_830, %get3A_593 : vector<16xf32>
      %add3A_1128 = arith.addf %gather3A_775, %mul3A_1127 : vector<16xf32>
      %le3A_1129 = arith.cmpf ole, %get3A_593, %gather3A_501 : vector<16xf32>
      %ge3A_1130 = arith.cmpf oge, %get3A_593, %gather3A_502 : vector<16xf32>
      %select_n3A_1131 = arith.select %ge3A_1130, %gather3A_522, %add3A_1128 : vector<16xi1>, vector<16xf32>
      %select_n3A_1132 = arith.select %le3A_1129, %gather3A_521, %select_n3A_1131 : vector<16xi1>, vector<16xf32>
      %jit3A_1133 = arith.constant 0.000000e+00 : f32
      %jit3A_1134 = arith.constant 1.000000e+00 : f32
      %max3A_1135 = vector.broadcast %jit3A_1133 : f32 to vector<16xf32>
      %max3A_1136 = arith.maximumf %max3A_1135, %select_n3A_1132 : vector<16xf32>
      %min3A_1137 = vector.broadcast %jit3A_1134 : f32 to vector<16xf32>
      %min3A_1138 = arith.minimumf %min3A_1137, %max3A_1136 : vector<16xf32>
      %mul3A_1139 = arith.constant 2.00787401 : f32
      %mul3A_1140 = vector.broadcast %mul3A_1139 : f32 to vector<16xf32>
      %mul3A_1141 = arith.mulf %min3A_1138, %mul3A_1140 : vector<16xf32>
      %sub3A_1142 = arith.constant 1.000000e+00 : f32
      %sub3A_1143 = vector.broadcast %sub3A_1142 : f32 to vector<16xf32>
      %sub3A_1144 = arith.subf %mul3A_1141, %sub3A_1143 : vector<16xf32>
      %mul3A_1145 = arith.constant 256 : i32
      %mul3A_1146 = arith.muli %scan3A_537, %mul3A_1145 : i32
      %add3A_1147 = arith.constant 192 : i32
      %add3A_1148 = arith.addi %mul3A_1146, %add3A_1147 : i32
      %swap3A_1149 = arith.index_cast %add3A_1148 : i32 to index
      %swap3A_1150 = tpu.vector_load %arg18[%swap3A_1149] {strides = array<i32>} : memref<8192xf32, #tpu.memory_space<vmem>>, vector<16xf32>,
      tpu.vector_store %arg18[%swap3A_1149], %sub3A_1144 {strides = array<i32>} : memref<8192xf32, #tpu.memory_space<vmem>>, vector<16xf32>,
      %mul3A_1151 = arith.mulf %gather3A_834, %get3A_597 : vector<16xf32>
      %add3A_1152 = arith.addf %gather3A_776, %mul3A_1151 : vector<16xf32>
      %le3A_1153 = arith.cmpf ole, %get3A_597, %gather3A_501 : vector<16xf32>
      %ge3A_1154 = arith.cmpf oge, %get3A_597, %gather3A_502 : vector<16xf32>
      %select_n3A_1155 = arith.select %ge3A_1154, %gather3A_522, %add3A_1152 : vector<16xi1>, vector<16xf32>
      %select_n3A_1156 = arith.select %le3A_1153, %gather3A_521, %select_n3A_1155 : vector<16xi1>, vector<16xf32>
      %jit3A_1157 = arith.constant 0.000000e+00 : f32
      %jit3A_1158 = arith.constant 1.000000e+00 : f32
      %max3A_1159 = vector.broadcast %jit3A_1157 : f32 to vector<16xf32>
      %max3A_1160 = arith.maximumf %max3A_1159, %select_n3A_1156 : vector<16xf32>
      %min3A_1161 = vector.broadcast %jit3A_1158 : f32 to vector<16xf32>
      %min3A_1162 = arith.minimumf %min3A_1161, %max3A_1160 : vector<16xf32>
      %mul3A_1163 = arith.constant 2.00787401 : f32
      %mul3A_1164 = vector.broadcast %mul3A_1163 : f32 to vector<16xf32>
      %mul3A_1165 = arith.mulf %min3A_1162, %mul3A_1164 : vector<16xf32>
      %sub3A_1166 = arith.constant 1.000000e+00 : f32
      %sub3A_1167 = vector.broadcast %sub3A_1166 : f32 to vector<16xf32>
      %sub3A_1168 = arith.subf %mul3A_1165, %sub3A_1167 : vector<16xf32>
      %mul3A_1169 = arith.constant 256 : i32
      %mul3A_1170 = arith.muli %scan3A_537, %mul3A_1169 : i32
      %add3A_1171 = arith.constant 208 : i32
      %add3A_1172 = arith.addi %mul3A_1170, %add3A_1171 : i32
      %swap3A_1173 = arith.index_cast %add3A_1172 : i32 to index
      %swap3A_1174 = tpu.vector_load %arg18[%swap3A_1173] {strides = array<i32>} : memref<8192xf32, #tpu.memory_space<vmem>>, vector<16xf32>,
      tpu.vector_store %arg18[%swap3A_1173], %sub3A_1168 {strides = array<i32>} : memref<8192xf32, #tpu.memory_space<vmem>>, vector<16xf32>,
      %mul3A_1175 = arith.mulf %gather3A_838, %get3A_601 : vector<16xf32>
      %add3A_1176 = arith.addf %gather3A_777, %mul3A_1175 : vector<16xf32>
      %le3A_1177 = arith.cmpf ole, %get3A_601, %gather3A_501 : vector<16xf32>
      %ge3A_1178 = arith.cmpf oge, %get3A_601, %gather3A_502 : vector<16xf32>
      %select_n3A_1179 = arith.select %ge3A_1178, %gather3A_522, %add3A_1176 : vector<16xi1>, vector<16xf32>
      %select_n3A_1180 = arith.select %le3A_1177, %gather3A_521, %select_n3A_1179 : vector<16xi1>, vector<16xf32>
      %jit3A_1181 = arith.constant 0.000000e+00 : f32
      %jit3A_1182 = arith.constant 1.000000e+00 : f32
      %max3A_1183 = vector.broadcast %jit3A_1181 : f32 to vector<16xf32>
      %max3A_1184 = arith.maximumf %max3A_1183, %select_n3A_1180 : vector<16xf32>
      %min3A_1185 = vector.broadcast %jit3A_1182 : f32 to vector<16xf32>
      %min3A_1186 = arith.minimumf %min3A_1185, %max3A_1184 : vector<16xf32>
      %mul3A_1187 = arith.constant 2.00787401 : f32
      %mul3A_1188 = vector.broadcast %mul3A_1187 : f32 to vector<16xf32>
      %mul3A_1189 = arith.mulf %min3A_1186, %mul3A_1188 : vector<16xf32>
      %sub3A_1190 = arith.constant 1.000000e+00 : f32
      %sub3A_1191 = vector.broadcast %sub3A_1190 : f32 to vector<16xf32>
      %sub3A_1192 = arith.subf %mul3A_1189, %sub3A_1191 : vector<16xf32>
      %mul3A_1193 = arith.constant 256 : i32
      %mul3A_1194 = arith.muli %scan3A_537, %mul3A_1193 : i32
      %add3A_1195 = arith.constant 224 : i32
      %add3A_1196 = arith.addi %mul3A_1194, %add3A_1195 : i32
      %swap3A_1197 = arith.index_cast %add3A_1196 : i32 to index
      %swap3A_1198 = tpu.vector_load %arg18[%swap3A_1197] {strides = array<i32>} : memref<8192xf32, #tpu.memory_space<vmem>>, vector<16xf32>,
      tpu.vector_store %arg18[%swap3A_1197], %sub3A_1192 {strides = array<i32>} : memref<8192xf32, #tpu.memory_space<vmem>>, vector<16xf32>,
      %mul3A_1199 = arith.mulf %gather3A_842, %get3A_605 : vector<16xf32>
      %add3A_1200 = arith.addf %gather3A_778, %mul3A_1199 : vector<16xf32>
      %le3A_1201 = arith.cmpf ole, %get3A_605, %gather3A_501 : vector<16xf32>
      %ge3A_1202 = arith.cmpf oge, %get3A_605, %gather3A_502 : vector<16xf32>
      %select_n3A_1203 = arith.select %ge3A_1202, %gather3A_522, %add3A_1200 : vector<16xi1>, vector<16xf32>
      %select_n3A_1204 = arith.select %le3A_1201, %gather3A_521, %select_n3A_1203 : vector<16xi1>, vector<16xf32>
      %jit3A_1205 = arith.constant 0.000000e+00 : f32
      %jit3A_1206 = arith.constant 1.000000e+00 : f32
      %max3A_1207 = vector.broadcast %jit3A_1205 : f32 to vector<16xf32>
      %max3A_1208 = arith.maximumf %max3A_1207, %select_n3A_1204 : vector<16xf32>
      %min3A_1209 = vector.broadcast %jit3A_1206 : f32 to vector<16xf32>
      %min3A_1210 = arith.minimumf %min3A_1209, %max3A_1208 : vector<16xf32>
      %mul3A_1211 = arith.constant 2.00787401 : f32
      %mul3A_1212 = vector.broadcast %mul3A_1211 : f32 to vector<16xf32>
      %mul3A_1213 = arith.mulf %min3A_1210, %mul3A_1212 : vector<16xf32>
      %sub3A_1214 = arith.constant 1.000000e+00 : f32
      %sub3A_1215 = vector.broadcast %sub3A_1214 : f32 to vector<16xf32>
      %sub3A_1216 = arith.subf %mul3A_1213, %sub3A_1215 : vector<16xf32>
      %mul3A_1217 = arith.constant 256 : i32
      %mul3A_1218 = arith.muli %scan3A_537, %mul3A_1217 : i32
      %add3A_1219 = arith.constant 240 : i32
      %add3A_1220 = arith.addi %mul3A_1218, %add3A_1219 : i32
      %swap3A_1221 = arith.index_cast %add3A_1220 : i32 to index
      %swap3A_1222 = tpu.vector_load %arg18[%swap3A_1221] {strides = array<i32>} : memref<8192xf32, #tpu.memory_space<vmem>>, vector<16xf32>,
      tpu.vector_store %arg18[%swap3A_1221], %sub3A_1216 {strides = array<i32>} : memref<8192xf32, #tpu.memory_space<vmem>>, vector<16xf32>,
      %scan3A_1223 = arith.constant 0 : i32
      scf.yield %scan3A_1223 : i32
    }
    %scan3A_531 = arith.constant 32 : i32
    %mul3A_532 = arith.constant 16384 : i32
    %mul3A_533 = arith.muli %arg1, %mul3A_532 : i32
    %mul3A_534 = arith.constant 8192 : i32
    %mul3A_535 = arith.muli %arg0, %mul3A_534 : i32
    %add3A_536 = arith.addi %mul3A_533, %mul3A_535 : i32
    "tpu.region"() ({
      %run_scoped3A = tpu.sem_alloc : memref<!tpu.dma_semaphore, #tpu.memory_space<semaphore_mem>>
      %dma_start3A_537 = tpu.memref_slice %arg5[%add3A_536] : memref<262144xf32, #tpu.memory_space<hbm>> -> memref<8192xf32, #tpu.memory_space<hbm>>
      %dma_start3A_538 = tpu.memref_slice %arg5[%add3A_536] : memref<262144xf32, #tpu.memory_space<hbm>> -> memref<8192xf32, #tpu.memory_space<hbm>>
      tpu.enqueue_dma source(%arg18 : memref<8192xf32, #tpu.memory_space<vmem>>) target(%dma_start3A_538 : memref<8192xf32, #tpu.memory_space<hbm>>) target_semaphore(%run_scoped3A : memref<!tpu.dma_semaphore, #tpu.memory_space<semaphore_mem>>)
      %dma_wait3A_539 = tpu.memref_slice %arg5[%add3A_536] : memref<262144xf32, #tpu.memory_space<hbm>> -> memref<8192xf32, #tpu.memory_space<hbm>>
      %dma_wait3A_540 = tpu.memref_slice %arg5[%add3A_536] : memref<262144xf32, #tpu.memory_space<hbm>> -> memref<8192xf32, #tpu.memory_space<hbm>>
      tpu.wait_dma2 semaphore(%run_scoped3A : memref<!tpu.dma_semaphore, #tpu.memory_space<semaphore_mem>>) src(%arg18 : memref<8192xf32, #tpu.memory_space<vmem>>) dst(%dma_wait3A_540 : memref<8192xf32, #tpu.memory_space<hbm>>)
      tpu.yield
    }) : () -> ()
    return
  }
}

module attributes {stable_mosaic.version = 14 : i64} {
  func.func @_pre_body(%arg0: i32, %arg1: memref<1x256x512xf32, #tpu.memory_space<vmem>>, %arg2: memref<3x256x512xf32, #tpu.memory_space<vmem>>, %arg3: memref<131072xf32, #tpu.memory_space<vmem>>, %arg4: memref<131072xf32, #tpu.memory_space<vmem>>) attributes {dimension_semantics = [#tpu.dimension_semantics<arbitrary>], iteration_bounds = array<i64: 2>, scalar_prefetch = 0 : i64, scratch_operands = 0 : i64, tpu.core_type = #tpu.core_type<tc>, window_params = [{transform_indices = @transform_0, window_bounds = array<i64: 1, 256, 512>}, {transform_indices = @transform_1, window_bounds = array<i64: 3, 256, 512>}, {transform_indices = @transform_2, window_bounds = array<i64: 131072>}, {transform_indices = @transform_3, window_bounds = array<i64: 131072>}]} {
    %get3A = arith.constant 0 : index
    %get3A_0 = arith.constant 0 : index
    %get3A_1 = arith.constant 0 : index
    %get3A_2 = vector.load %arg1[%get3A, %get3A_0, %get3A_1] : memref<1x256x512xf32, #tpu.memory_space<vmem>>, vector<1x256x512xf32>
    %get3A_3 = vector.shape_cast %get3A_2 : vector<1x256x512xf32> to vector<256x512xf32>
    %add3A = arith.constant 1.000000e+00 : f32
    %add3A_4 = vector.broadcast %add3A : f32 to vector<256x512xf32>
    %add3A_5 = arith.addf %get3A_3, %add3A_4 : vector<256x512xf32>
    %mul3A = arith.constant 0.498039216 : f32
    %mul3A_6 = vector.broadcast %mul3A : f32 to vector<256x512xf32>
    %mul3A_7 = arith.mulf %add3A_5, %mul3A_6 : vector<256x512xf32>
    %reshape3A = vector.shape_cast %mul3A_7 : vector<256x512xf32> to vector<131072xf32>
    %swap3A = arith.constant 0 : index
    %swap3A_8 = vector.load %arg3[%swap3A] : memref<131072xf32, #tpu.memory_space<vmem>>, vector<131072xf32>
    tpu.vector_store %arg3[%swap3A], %reshape3A {strides = array<i32>} : memref<131072xf32, #tpu.memory_space<vmem>>, vector<131072xf32>,
    %get3A_9 = arith.constant 0 : index
    %get3A_10 = arith.constant 0 : index
    %get3A_11 = arith.constant 0 : index
    %get3A_12 = vector.load %arg2[%get3A_9, %get3A_10, %get3A_11] : memref<3x256x512xf32, #tpu.memory_space<vmem>>, vector<1x256x512xf32>
    %get3A_13 = vector.shape_cast %get3A_12 : vector<1x256x512xf32> to vector<256x512xf32>
    %add3A_14 = arith.constant 1.000000e+00 : f32
    %add3A_15 = vector.broadcast %add3A_14 : f32 to vector<256x512xf32>
    %add3A_16 = arith.addf %get3A_13, %add3A_15 : vector<256x512xf32>
    %mul3A_17 = arith.constant 0.498039216 : f32
    %mul3A_18 = vector.broadcast %mul3A_17 : f32 to vector<256x512xf32>
    %mul3A_19 = arith.mulf %add3A_16, %mul3A_18 : vector<256x512xf32>
    %convert_element_type3A = arith.truncf %mul3A_19 : vector<256x512xf32> to vector<256x512xbf16>
    %convert_element_type3A_20 = arith.extf %convert_element_type3A : vector<256x512xbf16> to vector<256x512xf32>
    %mul3A_21 = arith.constant 0.298828125 : f32
    %mul3A_22 = vector.broadcast %mul3A_21 : f32 to vector<256x512xf32>
    %mul3A_23 = arith.mulf %convert_element_type3A_20, %mul3A_22 : vector<256x512xf32>
    %get3A_24 = arith.constant 1 : index
    %get3A_25 = arith.constant 0 : index
    %get3A_26 = arith.constant 0 : index
    %get3A_27 = vector.load %arg2[%get3A_24, %get3A_25, %get3A_26] : memref<3x256x512xf32, #tpu.memory_space<vmem>>, vector<1x256x512xf32>
    %get3A_28 = vector.shape_cast %get3A_27 : vector<1x256x512xf32> to vector<256x512xf32>
    %add3A_29 = arith.constant 1.000000e+00 : f32
    %add3A_30 = vector.broadcast %add3A_29 : f32 to vector<256x512xf32>
    %add3A_31 = arith.addf %get3A_28, %add3A_30 : vector<256x512xf32>
    %mul3A_32 = arith.constant 0.498039216 : f32
    %mul3A_33 = vector.broadcast %mul3A_32 : f32 to vector<256x512xf32>
    %mul3A_34 = arith.mulf %add3A_31, %mul3A_33 : vector<256x512xf32>
    %convert_element_type3A_35 = arith.truncf %mul3A_34 : vector<256x512xf32> to vector<256x512xbf16>
    %convert_element_type3A_36 = arith.extf %convert_element_type3A_35 : vector<256x512xbf16> to vector<256x512xf32>
    %mul3A_37 = arith.constant 0.5859375 : f32
    %mul3A_38 = vector.broadcast %mul3A_37 : f32 to vector<256x512xf32>
    %mul3A_39 = arith.mulf %convert_element_type3A_36, %mul3A_38 : vector<256x512xf32>
    %add3A_40 = arith.addf %mul3A_23, %mul3A_39 : vector<256x512xf32>
    %get3A_41 = arith.constant 2 : index
    %get3A_42 = arith.constant 0 : index
    %get3A_43 = arith.constant 0 : index
    %get3A_44 = vector.load %arg2[%get3A_41, %get3A_42, %get3A_43] : memref<3x256x512xf32, #tpu.memory_space<vmem>>, vector<1x256x512xf32>
    %get3A_45 = vector.shape_cast %get3A_44 : vector<1x256x512xf32> to vector<256x512xf32>
    %add3A_46 = arith.constant 1.000000e+00 : f32
    %add3A_47 = vector.broadcast %add3A_46 : f32 to vector<256x512xf32>
    %add3A_48 = arith.addf %get3A_45, %add3A_47 : vector<256x512xf32>
    %mul3A_49 = arith.constant 0.498039216 : f32
    %mul3A_50 = vector.broadcast %mul3A_49 : f32 to vector<256x512xf32>
    %mul3A_51 = arith.mulf %add3A_48, %mul3A_50 : vector<256x512xf32>
    %convert_element_type3A_52 = arith.truncf %mul3A_51 : vector<256x512xf32> to vector<256x512xbf16>
    %convert_element_type3A_53 = arith.extf %convert_element_type3A_52 : vector<256x512xbf16> to vector<256x512xf32>
    %mul3A_54 = arith.constant 0.113769531 : f32
    %mul3A_55 = vector.broadcast %mul3A_54 : f32 to vector<256x512xf32>
    %mul3A_56 = arith.mulf %convert_element_type3A_53, %mul3A_55 : vector<256x512xf32>
    %add3A_57 = arith.addf %add3A_40, %mul3A_56 : vector<256x512xf32>
    %reshape3A_58 = vector.shape_cast %add3A_57 : vector<256x512xf32> to vector<131072xf32>
    %swap3A_59 = arith.constant 0 : index
    %swap3A_60 = vector.load %arg4[%swap3A_59] : memref<131072xf32, #tpu.memory_space<vmem>>, vector<131072xf32>
    tpu.vector_store %arg4[%swap3A_59], %reshape3A_58 {strides = array<i32>} : memref<131072xf32, #tpu.memory_space<vmem>>, vector<131072xf32>,
    return
  }
  func.func @transform_0(%arg0: i32) -> (i32, i32, i32) {
    %c0_i32 = arith.constant 0 : i32
    %c0_i32_0 = arith.constant 0 : i32
    %c0_i32_1 = arith.constant 0 : i32
    return %c0_i32, %arg0, %c0_i32_0 : i32, i32, i32
  }
  func.func @transform_1(%arg0: i32) -> (i32, i32, i32) {
    %c0_i32 = arith.constant 0 : i32
    %c0_i32_0 = arith.constant 0 : i32
    %c0_i32_1 = arith.constant 0 : i32
    return %c0_i32, %arg0, %c0_i32_0 : i32, i32, i32
  }
  func.func @transform_2(%arg0: i32) -> i32 {
    %c0_i32 = arith.constant 0 : i32
    return %arg0 : i32
  }
  func.func @transform_3(%arg0: i32) -> i32 {
    %c0_i32 = arith.constant 0 : i32
    return %arg0 : i32
  }
}

</mosaic_0001>

<sc_bundles>
// kernel: kernel.4.cloned.1.call-start
scs
__scs_entry_jumppad:
0x0: {  	(pc) =	sbr.rel $0x88, $3  }
0x1: {  	(tag) =	ssettag $0x0;
	lr =	simm.s32 $0x1  }
0x2: {  	[smem:$0x3F9F] =	sst lr;
	_ =	strace $0xD0000000  }
0x3: {  	_ = 	snop  }
0x4: {  	_ = 	snop  }
0x5: {  	_ = 	snop  }
0x6: {  	_ = 	snop  }
0x7: {  	_ = 	snop  }
__scs_overlays_trampoline_lowered:
0x8: {  	[smem:$0x3FAE] =	sst s0  }
0x9: {  	[smem:$0x3FAF] =	sst s1  }
0xa: {  	[smem:$0x3FB0] =	sst s2  }
0xb: {  	[smem:$0x3FB1] =	sst s3  }
0xc: {  	[smem:$0x3FB2] =	sst s4  }
0xd: {  	[smem:$0x3FB3] =	sst s5  }
0xe: {  	[smem:$0x3FB4] =	sst s6  }
0xf: {  	[smem:$0x3FB5] =	sst s7  }
0x10: {  	[smem:$0x3FB6] =	sst s8  }
0x11: {  	[smem:$0x3FB7] =	sst s9;
	s0 =	simm.s32 @!p0 $0x0  }
0x12: {  	s1 =	sld [smem:$0x3F9D];
	s0 =	simm.s32 @p0 $0x1  }
0x13: {  	[smem:$0x3FB8] =	sst s0;
	s0 =	simm.s32 @!p1 $0x0  }
0x14: {  	s2 =	sld [smem:$0x3F9C];
	s0 =	simm.s32 @p1 $0x1  }
0x15: {  	[smem:$0x3FB9] =	sst s0;
	s0 =	simm.s32 @!p2 $0x0  }
0x16: {  	s3 =	sld [smem:$0x3FDB];
	s0 =	simm.s32 @p2 $0x1  }
0x17: {  	s4 =	simm.s32 $0x1BF5;
	[smem:$0x3FBB] =	sst s0  }
0x18: {  	s0 =	sld [smem:$0x3F9E];
	_ =	swait.ge [sflag:s4], $0x0  }
0x19: {  	s7 =	sld [smem:$0x3F9F]  }
0x1a: {  	s8 =	sadd.s32 $0xFFFFE003, lr  }
0x1b: {  	s9 =	sadd.s32 $0xFFFFFEF7, lr;
	s5 =	simm.s32 $0xFFFFFFFF;
	p2 =	slt.u32 s8, $0xFFFFF086  }
0x1c: {  	p1 =	slt.u32 s9, $0xF7A;
	s5 =	simm.s32 @!p2 $0x0  }
0x1d: {  	s5 =	simm.s32 @p1 $0x1;
	p0 =	seq.s32 s7, s2  }
0x1e: {  	s7 =	smul.u32 @!p0 $0xF7A, s2;
	p2 =	seq.s32 @!p0 s5, $0x0  }
0x1f: {  	s9 =	smul.u32 $0xF7A, s1;
	s8 =	simm.s32 @!p0 $0x1BF5;
	p2 =	por !p2, p0  }
0x20: {  	[sflag:s8] =	ssyncset.s32 @!p0 $0xFFFFF086;
	s6 =	sadd.s32 @!p0 s3, s7;
	s7 =	simm.s32 @!p0 $0x108  }
0x21: {  	s3 =	sadd.s32 s3, s9;
	s6 =	sadd.s32 @!p0 $0x88, s6;
	s7 =	simm.s32 @p2 $0x1082  }
0x22: {  	[simem:s7], [sflag:s8] =	dma.local @!p0 [hbm:s6], $0xF7A  }
0x23: {  	s9 =	sor.u32 $0xD0000000, s2;
	s6 =	simm.s32 $0x108;
	_ =	swait.ge @!p0 [sflag:s8], $0x0  }
0x24: {  	s3 =	sadd.s32 $0x88, s3;
	s6 =	simm.s32 @!p1 $0x1082;
	[sflag:s4] =	ssyncset.s32 $0xFFFFF086  }
0x25: {  	[simem:s6], [sflag:s4] =	dma.local [hbm:s3], $0xF7A  }
0x26: {  	[smem:$0x3F9F] =	sst s1;
	(tag) =	ssettag s2;
	_ =	strace s9  }
0x27: {  	s1 =	sld [smem:$0x3FAF]  }
0x28: {  	s2 =	sld [smem:$0x3FB0]  }
0x29: {  	s4 =	sld [smem:$0x3FB2]  }
0x2a: {  	p0 =	seq.s32 s5, $0x0;
	s5 =	sld [smem:$0x3FB3]  }
0x2b: {  	s6 =	sld [smem:$0x3FB4]  }
0x2c: {  	s7 =	sld [smem:$0x3FB5]  }
0x2d: {  	s3 =	simm.s32 $0x108;
	s8 =	sld [smem:$0x3FB6]  }
0x2e: {  	s3 =	simm.s32 @!p0 $0x1082;
	s9 =	sld [smem:$0x3FB7]  }
0x2f: {  	lr =	sadd.s32 s0, s3;
	s0 =	sld [smem:$0x3FAE]  }
0x30: {  	s3 =	sld [smem:$0x3FB1]  }
0x31: {  	[smem:$0x3FBA] =	sst s10  }
0x32: {  	s10 =	sld [smem:$0x3FB8];
	_ =	sdelay $0x3  }
0x33: {  	p0 =	seq.s32 s10, $0x1;
	s10 =	sld [smem:$0x3FBA];
	_ =	sdelay $0x3  }
0x34: {  	[smem:$0x3FBA] =	sst s10  }
0x35: {  	s10 =	sld [smem:$0x3FB9];
	_ =	sdelay $0x3  }
0x36: {  	p1 =	seq.s32 s10, $0x1;
	s10 =	sld [smem:$0x3FBA];
	_ =	sdelay $0x3  }
0x37: {  	[smem:$0x3FBA] =	sst s10  }
0x38: {  	s10 =	sld [smem:$0x3FBB]  }
0x39: {  	_ = 	snop;
	(pc) =	sbr.ind lr, $3  }
0x3a: {  	_ = 	snop  }
0x3b: {  	_ = 	snop  }
0x3c: {  	p2 =	seq.s32 s10, $0x1;
	s10 =	sld [smem:$0x3FBA]  }
0x3d: {  	_ =	shalt  }
0x3e: {  	_ =	shalt  }
0x3f: {  	_ =	shalt  }
0x40: {  	_ =	shalt  }
0x41: {  	_ =	shalt  }
0x42: {  	_ =	shalt  }
0x43: {  	_ =	shalt  }
0x44: {  	_ =	shalt  }
0x45: {  	_ =	shalt  }
0x46: {  	_ =	shalt  }
0x47: {  	_ =	shalt  }
0x48: {  	_ =	shalt  }
0x49: {  	_ =	shalt  }
0x4a: {  	_ =	shalt  }
0x4b: {  	_ =	shalt  }
0x4c: {  	_ =	shalt  }
0x4d: {  	_ =	shalt  }
0x4e: {  	_ =	shalt  }
0x4f: {  	_ =	shalt  }
0x50: {  	_ =	shalt  }
0x51: {  	_ =	shalt  }
0x52: {  	_ =	shalt  }
0x53: {  	_ =	shalt  }
0x54: {  	_ =	shalt  }
0x55: {  	_ =	shalt  }
0x56: {  	_ =	shalt  }
0x57: {  	_ =	shalt  }
0x58: {  	_ =	shalt  }
0x59: {  	_ =	shalt  }
0x5a: {  	_ =	shalt  }
0x5b: {  	_ =	shalt  }
0x5c: {  	_ =	shalt  }
0x5d: {  	_ =	shalt  }
0x5e: {  	_ =	shalt  }
0x5f: {  	_ =	shalt  }
0x60: {  	_ =	shalt  }
0x61: {  	_ =	shalt  }
0x62: {  	_ =	shalt  }
0x63: {  	_ =	shalt  }
0x64: {  	_ =	shalt  }
0x65: {  	_ =	shalt  }
0x66: {  	_ =	shalt  }
0x67: {  	_ =	shalt  }
0x68: {  	_ =	shalt  }
0x69: {  	_ =	shalt  }
0x6a: {  	_ =	shalt  }
0x6b: {  	_ =	shalt  }
0x6c: {  	_ =	shalt  }
0x6d: {  	_ =	shalt  }
0x6e: {  	_ =	shalt  }
0x6f: {  	_ =	shalt  }
0x70: {  	_ =	shalt  }
0x71: {  	_ =	shalt  }
0x72: {  	_ =	shalt  }
0x73: {  	_ =	shalt  }
0x74: {  	_ =	shalt  }
0x75: {  	_ =	shalt  }
0x76: {  	_ =	shalt  }
0x77: {  	_ =	shalt  }
0x78: {  	_ =	shalt  }
0x79: {  	_ =	shalt  }
0x7a: {  	_ =	shalt  }
0x7b: {  	_ =	shalt  }
0x7c: {  	_ =	shalt  }
0x7d: {  	_ =	shalt  }
0x7e: {  	_ =	shalt  }
0x7f: {  	_ =	shalt  }
0x80: {  	_ =	shalt  }
0x81: {  	_ =	shalt  }
0x82: {  	_ =	shalt  }
0x83: {  	_ =	shalt  }
0x84: {  	_ =	shalt  }
0x85: {  	_ =	shalt  }
0x86: {  	_ =	shalt  }
0x87: {  	_ =	shalt  }
.Lfunc_end0:
.L_simem_size_0:
called_computation_lowered:
.L_overlay_start_0:
0x88: {  	s2 =	sld [smem:$0x3FD9]  }
0x89: {  	s3 =	sld [smem:$0x3FFE];
	_ =	sdelay $0x1  }
0x8a: {  	s1 =	srdreg.scid  }
0x8b: {  	s0 =	sand.u32 $0x1, s1  }
0x8c: {  	s17 =	sshll.u32 s0, $0xA;
	s2 =	sadd.s32 s3, s2  }
0x8d: {  	s2 =	sadd.s32 s2, s17  }
0x8e: {  	[smem:$0x3FC6] =	sst s2  }
0x8f: {  	_ = 	snop  }
0x90: {  	s2 =	sld [smem:$0x3FD0];
	(tm) =	ssettm $0x1  }
0x91: {  	s18 =	sld [smem:$0x3FFB];
	_ =	sdelay $0x3  }
0x92: {  	_ =	strace s18  }
0x93: {  	s3 =	sld [smem:$0x3FFC];
	_ =	sdelay $0x3  }
0x94: {  	_ =	strace s3  }
0x95: {  	s3 =	sld [smem:$0x3FFD];
	_ =	sdelay $0x3  }
0x96: {  	_ =	strace s3  }
0x97: {  	_ =	strace $0x8FFFFFFF  }
0x98: {  	s19 =	sld [smem:$0x3FDB];
	_ =	sdelay $0x1  }
0x99: {  	s4 =	simm.s32 $_scs_section_size  }
0x9a: {  	s5 =	simm.s32 $_size__tile_overlayer_lowered;
	s6 =	simm.s32 $_tile_overlayer_lowered  }
0x9b: {  	s22 =	simm.s32 $0x1BFF;
	s21 =	sshll.u32 s6, $0x1;
	s3 =	sadd.s32 s4, s19  }
0x9c: {  	s7 =	simm.s32 $0x0;
	s20 =	sshll.u32 s5, $0x1;
	s5 =	sadd.s32 s21, s3  }
0x9d: {  	[timem:s7], [sflag:s22] =	dma.local [hbm:s5], s20  }
0x9e: {  	_ =	swait.ge [sflag:s22], s20  }
0x9f: {  	s4 =	ssub.s32 $0x0, s20;
	[sflag:s22] =	ssyncset.done $0x0  }
0xa0: {  	[sflag:s22] =	ssyncadd.s32 s4;
	_ =	sdelay $0x1  }
0xa1: {  	s23 =	simm.s32 $0x1B8B  }
0xa2: {  	_ =	swait.ge [sflag:s23], $0x1  }
0xa3: {  	[sflag:s23] =	ssyncset.done $0x0  }
0xa4: {  	s25 =	simm.s32 $0x1B8E;
	s24 =	sld [smem:$0x3FFE];
	[sflag:s23] =	ssyncadd.s32 $0xFFFFFFFF  }
0xa5: {  	s26 =	simm.s32 $execute0_lowered;
	[smem:$0x3FD2] =	sst s25  }
0xa6: {  	s5 =	sshll.u32 s26, $0x1;
	_ =	strace $0x80000046;
	[dreg:$0x1] =	wrdreg $0xFFFFFFFF  }
0xa7: {  	s28 =	simm.s32 $_size_execute0_lowered;
	s3 =	sadd.s32 s3, s5;
	[dreg:$0x0] =	wrdreg $0x0  }
0xa8: {  	s5 =	sshll.u32 s28, $0x1;
	[dreg:$0x2] =	wrdreg s3  }
0xa9: {  	[dreg:$0x3] =	wrdreg s5  }
0xaa: {  	[dreg:$0x4] =	wrdreg $0xC0  }
0xab: {  	_ =	task [dreg:s7], $0x5FFFF  }
0xac: {  	[dreg:$0x1] =	wrdreg $0xFFFFFFFF  }
0xad: {  	[dreg:$0x0] =	wrdreg $0x60  }
0xae: {  	[dreg:$0x2] =	wrdreg s24  }
0xaf: {  	[dreg:$0x3] =	wrdreg s2  }
0xb0: {  	[dreg:$0x4] =	wrdreg $0xCF000  }
0xb1: {  	[dreg:$0x5] =	wrdreg $0x9  }
0xb2: {  	_ =	task.clear_ibuf [dreg:s7], $0x6FFFF;
	_ =	strace $0x90000046  }
0xb3: {  	s29 =	simm.s32 $0x9;
	_ =	strace $0x80000048  }
0xb4: {  	_ =	swait.ge [sflag:s29], $0x1  }
0xb5: {  	[sflag:s29] =	ssyncadd.s32 $0xFFFFFFFF  }
0xb6: {  	_ =	strace $0x90000048  }
0xb7: {  	_ =	sfence  }
0xb8: {  	s30 =	sld [smem:$0x0];
	_ =	sdelay $0x2  }
0xb9: {  	s31 =	sshll.u32 s1, $0xD;
	s1 =	sshrl.u32 s1, $0x2  }
0xba: {  	s3 =	sand.u32 $0x4000, s31;
	s1 =	sadd.s32 s1, s30  }
0xbb: {  	s0 =	sor.u32 s3, s0;
	s1 =	sshll.u32 s1, $0x11  }
0xbc: {  	s0 =	sor.u32 s1, s0  }
0xbd: {  	s0 =	sadd.s32 $0x8F2B, s0  }
0xbe: {  	[sflag:s0] =	ssyncadd.remote.s32 $0x1  }
0xbf: {  	_ =	sfence.sel $0xFFFF  }
0xc0: {  	[dreg:$0x0] =	wrdreg $0xFFFFFFFF;
	(pc) =	sbr.abs _section_cstart, $3  }
0xc1: {  	[dreg:$0x1] =	wrdreg $0xFFFFFFFF  }
0xc2: {  	_ =	task.clear_ibuf [dreg:s7], $0x2FFFF;
	_ =	strace $0x9FFFFFFF  }
0xc3: {  	(tm) =	ssettm $0x7FFFFFFF  }
tec
execute0_lowered:
.L_overlay_start_1:
0x0: {  	(tag) =	ssettag $0x1  }
0x1: {  	s3 =	rddreg [dreg:$0x0]  }
0x2: {  	s6 =	rddreg [dreg:$0x1]  }
0x3: {  	s1 =	rddreg [dreg:$0x2];
	s2 =	simm.s32 $0x0;
	s11 =	stileid.u32  }
0x4: {  	s4 =	srdreg.scid;
	[smem:$0x7FF] =	sst s2  }
0x5: {  	v0 =	vimm.s32 $0x0;
	v1 =	vimm.f32 $2.621430000e+05;
	s10 =	simm.s32 $0x3;
	s12 =	simm.s32 $0x2;
	_ =	strace $0x80000047  }
0x6: {  	s13 =	simm.s32 $0x8000;
	s14 =	simm.s32 $0x200;
	s15 =	simm.s32 $0xA200;
	(xrf0) =	vadd.scan.msk.s32 $0xffff, v0;
	(erf) = vrcp.f32 v1  }
0x7: {  	s16 =	simm.s32 $0xA000;
	s17 =	simm.s32 $0xA400;
	s18 =	simm.s32 $0xAA80  }
0x8: {  	s19 =	simm.s32 $0xAB80;
	s20 =	simm.s32 $0xAD00;
	s21 =	simm.s32 $0xAF00  }
0x9: {  	s5 =	sshll.u32 s11, $0xB;
	s4 =	sand.u32 $0x1, s4;
	s8 =	sshll.u32 s11, $0xE  }
0xa: {  	p0 =	sne.s32 s11, $0x0;
	s11 =	simm.s32 $0x1;
	s9 =	sshll.u32 s4, $0xD  }
0xb: {  	s7 =	ssub.s32 $0x2, s4;
	s5 =	sadd.s32 s5, s3;
	s22 =	sor.u32 $0x80, s9  }
0xc: {  	s3 =	sadd.s32 $0xE00, s3;
	s31 =	sshrl.u32 s7, $0x1;
	s8 =	sor.u32 s9, s8;
	v1 =	vlaneseq.u32;
	v11 =	vmov s22;
	v3, _, _ =	vpop (xrf0)  }
0xd: {  	s4 =	sadd.s32 $0x1000, s5;
	s5 =	sadd.s32 $0x9000, s5;
	s9 =	simm.s32 $0xA600;
	v2 =	vmul.u32 $0x100, v1;
	v3 =	vbroadcast v3, $0xF  }
0xe: {  	s7 =	ssub.s32 s7, s31;
	s8 =	sshrl.u32 s8, $0x3;
	s22 =	simm.s32 $0x0  }
0xf: {  	v5 =	vimm.s32 $0x1;
	s6 =	sadd.s32 s6, s8;
	s7 =	smax.u32 s7, $0x1;
	s8 =	simm.s32 $0x4000;
	v4 =	vor.u32 $0x1000, v2;
	[tilespmem:$0x1FFF0] =	vst v3;
	v8 =	vpop (erf)  }
.LBB2_1:
0x10: {  	[tilespmem:s2], [sflag:$0x1] =	stream.linear.gather [hbm4b:s4+s2], $0x4000, $0x38;
	[tilespmem:$0xCF20] =	vst v63  }
0x11: {  	_ = 	snop  }
0x12: {  	[tilespmem:s8], [sflag:$0x2] =	stream.linear.gather [hbm4b:s5+s2], $0x4000, $0x38;
	[tilespmem:$0xCF20] =	vst v63  }
0x13: {  	_ = 	snop  }
0x14: {  	[tilespmem:s9], [sflag:$0x3] =	stream.linear.gather [hbm4b:s3+s2], $0x180, $0x38;
	[tilespmem:$0xCF20] =	vst v63  }
0x15: {  	_ =	swait.ge [sflag:s10], $0x180  }
0x16: {  	[sflag:s10] =	ssyncset.done $0x0  }
0x17: {  	[sflag:s10] =	ssyncadd.s32 $0xFFFFFE80  }
0x18: {  	v12 =	vor.u32 s2, v1;
	[tilespmem:s16+$0x0] =	vst v0  }
0x19: {  	s23 =	simm.s32 $0x10;
	s24 =	simm.s32 $0xA010;
	s25 =	simm.s32 $0xA200;
	[tilespmem:s15+$0x0] =	vst v12  }
.LBB2_2:
0x1a: {  	[tilespmem:s24+$0x0] =	vst v0;
	v12 =	vor.u32 s23, v1;
	p1 =	sne.s32 s23, $0x1F0;
	s23 =	sadd.s32 $0x10, s23;
	s25 =	sadd.s32 $0x10, s25  }
.Ltmp0:
0x1b: {  	[tilespmem:s25+$0x0] =	vst v12;
	(pc) =	sbr.rel @p1 .LBB2_2-.Ltmp0, $2  }
0x1c: {  	_ =	sdelay $0x2  }
0x1d: {  	s24 =	sadd.s32 $0x10, s24  }
0x1e: {  	s23 =	simm.s32 @!p0 $0xA000  }
0x1f: {  	[spmem:s1] =	stream.linear.scatter @!p0 [tilespmem:s23], [sflag:$0x3], $0x200, $0x38;
	[tilespmem:$0xCF20] =	vst v63  }
0x20: {  	s23 =	simm.s32 @!p0 $0x3  }
0x21: {  	_ =	swait.ge @!p0 [sflag:s23], $0x200  }
0x22: {  	[sflag:s23] =	ssyncset.done @!p0 $0x0  }
0x23: {  	s24 =	simm.s32 $0x400;
	[sflag:s23] =	ssyncadd.s32 @!p0 $0xFFFFFE00;
	s23 =	simm.s32 $0x0  }
.LBB2_4:
0x24: {  	p1 =	sne.s32 s24, $0x7C00;
	[tilespmem:s23+$0x80F0] =	vst v0  }
0x25: {  	[tilespmem:s23+$0x8000] =	vst v0  }
0x26: {  	[tilespmem:s23+$0x8010] =	vst v0  }
0x27: {  	[tilespmem:s23+$0x8020] =	vst v0  }
0x28: {  	[tilespmem:s23+$0x8030] =	vst v0  }
0x29: {  	[tilespmem:s23+$0x8040] =	vst v0  }
0x2a: {  	[tilespmem:s23+$0x8050] =	vst v0  }
0x2b: {  	[tilespmem:s23+$0x8060] =	vst v0  }
0x2c: {  	[tilespmem:s23+$0x8070] =	vst v0  }
0x2d: {  	[tilespmem:s23+$0x8080] =	vst v0  }
0x2e: {  	[tilespmem:s23+$0x8090] =	vst v0  }
.Ltmp1:
0x2f: {  	[tilespmem:s23+$0x80A0] =	vst v0;
	(pc) =	sbr.rel @p1 .LBB2_4-.Ltmp1, $4  }
0x30: {  	[tilespmem:s23+$0x80B0] =	vst v0  }
0x31: {  	[tilespmem:s23+$0x80C0] =	vst v0  }
0x32: {  	[tilespmem:s23+$0x80D0] =	vst v0  }
0x33: {  	[tilespmem:s23+$0x80E0] =	vst v0;
	s23 =	sshra.s32 s24, $0x2;
	s24 =	sadd.s32 $0x400, s24  }
0x34: {  	[tilespmem:s23+$0x80F0] =	vst v0  }
0x35: {  	[tilespmem:s23+$0x8000] =	vst v0  }
0x36: {  	[tilespmem:s23+$0x8010] =	vst v0  }
0x37: {  	[tilespmem:s23+$0x8020] =	vst v0  }
0x38: {  	[tilespmem:s23+$0x8030] =	vst v0  }
0x39: {  	[tilespmem:s23+$0x8040] =	vst v0  }
0x3a: {  	[tilespmem:s23+$0x8050] =	vst v0  }
0x3b: {  	[tilespmem:s23+$0x8060] =	vst v0  }
0x3c: {  	[tilespmem:s23+$0x8070] =	vst v0  }
0x3d: {  	[tilespmem:s23+$0x8080] =	vst v0  }
0x3e: {  	[tilespmem:s23+$0x8090] =	vst v0  }
0x3f: {  	[tilespmem:s23+$0x80A0] =	vst v0  }
0x40: {  	[tilespmem:s23+$0x80B0] =	vst v0  }
0x41: {  	[tilespmem:s23+$0x80C0] =	vst v0  }
0x42: {  	[tilespmem:s23+$0x80D0] =	vst v0  }
0x43: {  	[tilespmem:s23+$0x80E0] =	vst v0  }
0x44: {  	_ =	swait.ge [sflag:s11], $0x4000  }
0x45: {  	[sflag:s11] =	ssyncset.done $0x0  }
0x46: {  	[sflag:s11] =	ssyncadd.s32 $0xFFFFC000  }
0x47: {  	_ =	swait.ge [sflag:s12], $0x4000  }
0x48: {  	[sflag:s12] =	ssyncset.done $0x0  }
0x49: {  	s23 =	simm.s32 $0x0;
	s24 =	simm.s32 $0x0;
	[sflag:s12] =	ssyncadd.s32 $0xFFFFC000  }
.LBB2_6:
0x4a: {  	s25 =	sshra.s32 s24, $0x2  }
0x4b: {  	v12 =	vld [tilespmem:s25+$0x0]  }
0x4c: {  	v13 =	vld [tilespmem:s25+$0x10]  }
0x4d: {  	v14 =	vld [tilespmem:s25+$0x20]  }
0x4e: {  	v15 =	vld [tilespmem:s25+$0x30]  }
0x4f: {  	v16 =	vld [tilespmem:s25+$0x40]  }
0x50: {  	v17 =	vld [tilespmem:s25+$0x50]  }
0x51: {  	v18 =	vld [tilespmem:s25+$0x60]  }
0x52: {  	v19 =	vld [tilespmem:s25+$0x70]  }
0x53: {  	v20 =	vld [tilespmem:s25+$0x80]  }
0x54: {  	v21 =	vld [tilespmem:s25+$0x90]  }
0x55: {  	v23 =	vld [tilespmem:s25+$0xA0]  }
0x56: {  	v25 =	vld [tilespmem:s25+$0xD0]  }
0x57: {  	v26 =	vld [tilespmem:s25+$0xE0]  }
0x58: {  	v27 =	vld [tilespmem:s25+$0xF0]  }
0x59: {  	v28 =	vld [tilespmem:s25+$0x4000]  }
0x5a: {  	v29 =	vld [tilespmem:s25+$0x4010]  }
0x5b: {  	v30 =	vld [tilespmem:s25+$0x4020];
	v12 =	vmul.f32 $2.560000000e+02, v12  }
0x5c: {  	v31 =	vld [tilespmem:s25+$0x4030];
	v13 =	vmul.f32 $2.560000000e+02, v13;
	v14 =	vmul.f32 $2.560000000e+02, v14  }
0x5d: {  	v32 =	vld [tilespmem:s25+$0x4040];
	v15 =	vmul.f32 $2.560000000e+02, v15;
	v16 =	vmul.f32 $2.560000000e+02, v16  }
0x5e: {  	v33 =	vld [tilespmem:s25+$0x4050];
	v17 =	vmul.f32 $2.560000000e+02, v17;
	v18 =	vmul.f32 $2.560000000e+02, v18  }
0x5f: {  	v34 =	vld [tilespmem:s25+$0x4060];
	v19 =	vmul.f32 $2.560000000e+02, v19;
	v20 =	vmul.f32 $2.560000000e+02, v20  }
0x60: {  	v35 =	vld [tilespmem:s25+$0x4070];
	v21 =	vmul.f32 $2.560000000e+02, v21;
	v23 =	vmul.f32 $2.560000000e+02, v23  }
0x61: {  	v36 =	vld [tilespmem:s25+$0x4080];
	v25 =	vmul.f32 $2.560000000e+02, v25;
	v26 =	vmul.f32 $2.560000000e+02, v26  }
0x62: {  	v37 =	vld [tilespmem:s25+$0x4090];
	v27 =	vmul.f32 $2.560000000e+02, v27;
	v28 =	vmul.f32 $2.560000000e+02, v28  }
0x63: {  	v29 =	vmul.f32 $2.560000000e+02, v29;
	v30 =	vmul.f32 $2.560000000e+02, v30  }
0x64: {  	v31 =	vmul.f32 $2.560000000e+02, v31;
	v32 =	vmul.f32 $2.560000000e+02, v32  }
0x65: {  	v33 =	vmul.f32 $2.560000000e+02, v33;
	v34 =	vmul.f32 $2.560000000e+02, v34  }
0x66: {  	v58 =	vmul.f32 $2.560000000e+02, v35;
	v45 =	vmul.f32 $2.560000000e+02, v36  }
0x67: {  	v48 =	vmul.f32 $2.560000000e+02, v37;
	v12 =	vtrunc.f32 v12  }
0x68: {  	v13 =	vtrunc.f32 v13;
	v14 =	vtrunc.f32 v14  }
0x69: {  	v15 =	vtrunc.f32 v15;
	v16 =	vtrunc.f32 v16  }
0x6a: {  	v17 =	vtrunc.f32 v17;
	v50 =	vtrunc.f32 v18  }
0x6b: {  	v19 =	vtrunc.f32 v19;
	v20 =	vtrunc.f32 v20  }
0x6c: {  	v21 =	vtrunc.f32 v21;
	v23 =	vtrunc.f32 v23  }
0x6d: {  	v25 =	vtrunc.f32 v25;
	v26 =	vtrunc.f32 v26  }
0x6e: {  	v27 =	vtrunc.f32 v27;
	v28 =	vtrunc.f32 v28  }
0x6f: {  	v29 =	vtrunc.f32 v29;
	v30 =	vtrunc.f32 v30  }
0x70: {  	v31 =	vtrunc.f32 v31;
	v32 =	vtrunc.f32 v32  }
0x71: {  	v33 =	vtrunc.f32 v33;
	v34 =	vtrunc.f32 v34  }
0x72: {  	v63 =	vtrunc.f32 v58;
	v47 =	vtrunc.f32 v45  }
0x73: {  	v12 =	vcvt.f32.s32 v12;
	v13 =	vcvt.f32.s32 v13  }
0x74: {  	v14 =	vcvt.f32.s32 v14;
	v15 =	vcvt.f32.s32 v15  }
0x75: {  	v16 =	vcvt.f32.s32 v16;
	v17 =	vcvt.f32.s32 v17  }
0x76: {  	v18 =	vcvt.f32.s32 v50;
	v19 =	vcvt.f32.s32 v19  }
0x77: {  	v20 =	vcvt.f32.s32 v20;
	v21 =	vcvt.f32.s32 v21  }
0x78: {  	v23 =	vcvt.f32.s32 v23;
	v25 =	vcvt.f32.s32 v25  }
0x79: {  	v38 =	vld [tilespmem:s25+$0x40A0];
	v26 =	vcvt.f32.s32 v26;
	v27 =	vcvt.f32.s32 v27  }
0x7a: {  	v28 =	vcvt.f32.s32 v28;
	v29 =	vcvt.f32.s32 v29  }
0x7b: {  	v30 =	vcvt.f32.s32 v30;
	v31 =	vcvt.f32.s32 v31  }
0x7c: {  	v32 =	vcvt.f32.s32 v32;
	v33 =	vcvt.f32.s32 v33  }
0x7d: {  	v57 =	vcvt.f32.s32 v34;
	v44 =	vcvt.f32.s32 v63  }
0x7e: {  	v49 =	vcvt.f32.s32 v47;
	v50 =	vmul.f32 $2.560000000e+02, v38  }
0x7f: {  	vm0 =	vgt.s32 v12, $0x0;
	vm9 =	vgt.s32 v13, $0x0;
	vm10 =	vgt.s32 v14, $0x0  }
0x80: {  	vm11 =	vgt.s32 v15, $0x0;
	vm12 =	vgt.s32 v16, $0x0;
	vm13 =	vgt.s32 v17, $0x0  }
0x81: {  	vm14 =	vgt.s32 v18, $0x0;
	vm15 =	vgt.s32 v19, $0x0;
	vm4 =	vgt.s32 v20, $0x0  }
0x82: {  	vm5 =	vgt.s32 v21, $0x0;
	vm6 =	vgt.s32 v23, $0x0;
	v12 =	vnsel vm0, $0x0, v12  }
0x83: {  	v13 =	vnsel vm9, $0x0, v13;
	v14 =	vnsel vm10, $0x0, v14;
	v15 =	vnsel vm11, $0x0, v15  }
0x84: {  	v16 =	vnsel vm12, $0x0, v16;
	v17 =	vnsel vm13, $0x0, v17;
	v18 =	vnsel vm14, $0x0, v18  }
0x85: {  	v19 =	vnsel vm15, $0x0, v19;
	v20 =	vnsel vm4, $0x0, v20;
	v21 =	vnsel vm5, $0x0, v21  }
0x86: {  	v23 =	vnsel vm6, $0x0, v23;
	vm9 =	vgt.s32 v25, $0x0;
	vm10 =	vgt.s32 v26, $0x0  }
0x87: {  	vm11 =	vgt.s32 v27, $0x0;
	vm12 =	vgt.s32 v28, $0x0;
	vm13 =	vgt.s32 v29, $0x0  }
0x88: {  	vm14 =	vgt.s32 v30, $0x0;
	vm15 =	vgt.s32 v31, $0x0;
	vm4 =	vgt.s32 v32, $0x0  }
0x89: {  	vm5 =	vgt.s32 v33, $0x0;
	vm6 =	vgt.s32 v57, $0x0;
	v12 =	vmin.u32 v12, $0xFF  }
0x8a: {  	v13 =	vmin.u32 v13, $0xFF;
	v14 =	vmin.u32 v14, $0xFF;
	v15 =	vmin.u32 v15, $0xFF  }
0x8b: {  	v22 =	vmin.u32 v16, $0xFF;
	v17 =	vmin.u32 v17, $0xFF;
	v24 =	vmin.u32 v18, $0xFF  }
0x8c: {  	v19 =	vmin.u32 v19, $0xFF;
	v20 =	vmin.u32 v20, $0xFF;
	v21 =	vmin.u32 v21, $0xFF  }
0x8d: {  	v53 =	vld [tilespmem:s25+$0xB0];
	v23 =	vmin.u32 v23, $0xFF;
	v25 =	vnsel vm9, $0x0, v25;
	v26 =	vnsel vm10, $0x0, v26  }
0x8e: {  	v56 =	vld [tilespmem:s25+$0xC0];
	v27 =	vnsel vm11, $0x0, v27;
	v28 =	vnsel vm12, $0x0, v28;
	v29 =	vnsel vm13, $0x0, v29  }
0x8f: {  	v30 =	vnsel vm14, $0x0, v30;
	v31 =	vnsel vm15, $0x0, v31;
	v32 =	vnsel vm4, $0x0, v32  }
0x90: {  	v61 =	vnsel vm5, $0x0, v33;
	v18 =	vtrunc.f32 v50;
	v12 =	vor.u32 v2, v12  }
0x91: {  	v13 =	vor.u32 v2, v13;
	v14 =	vor.u32 v2, v14;
	v51 =	vor.u32 v2, v15  }
0x92: {  	v40 =	vld [tilespmem:s25+$0x40C0];
	v52 =	vor.u32 v2, v22;
	v54 =	vor.u32 v2, v17;
	v55 =	vor.u32 v2, v24  }
0x93: {  	v43 =	vld [tilespmem:s25+$0x40F0];
	v22 =	vmul.f32 $2.560000000e+02, v53;
	v19 =	vor.u32 v2, v19;
	v24 =	vmul.f32 $2.560000000e+02, v56  }
0x94: {  	v20 =	vor.u32 v2, v20;
	v21 =	vor.u32 v2, v21;
	v23 =	vor.u32 v2, v23  }
0x95: {  	v39 =	vld [tilespmem:s25+$0x40B0];
	v25 =	vmin.u32 v25, $0xFF;
	v26 =	vmin.u32 v26, $0xFF;
	v27 =	vmin.u32 v27, $0xFF  }
0x96: {  	v41 =	vld [tilespmem:s25+$0x40D0];
	v28 =	vmin.u32 v28, $0xFF;
	v29 =	vmin.u32 v29, $0xFF;
	v30 =	vmin.u32 v30, $0xFF  }
0x97: {  	v42 =	vld [tilespmem:s25+$0x40E0];
	v31 =	vmin.u32 v31, $0xFF;
	v18 =	vcvt.f32.s32 v18;
	v53 =	vmul.f32 $2.560000000e+02, v40  }
0x98: {  	v60 =	vmin.u32 v32, $0xFF;
	v56 =	vmul.f32 $2.560000000e+02, v43;
	v22 =	vtrunc.f32 v22;
	[tilespmem:v12+s13+$0x0] =	vst.idx.add.s32.msk $0xffff, v5  }
0x99: {  	v62 =	vmin.u32 v61, $0xFF;
	v24 =	vtrunc.f32 v24;
	v22 =	vcvt.f32.s32 v22;
	[tilespmem:v13+s13+$0x0] =	vst.idx.add.s32.msk $0xffff, v5  }
0x9a: {  	v25 =	vor.u32 v2, v25;
	v26 =	vor.u32 v2, v26;
	v24 =	vcvt.f32.s32 v24;
	[tilespmem:v14+s13+$0x0] =	vst.idx.add.s32.msk $0xffff, v5  }
0x9b: {  	v27 =	vor.u32 v2, v27;
	v28 =	vor.u32 v4, v28;
	vm7 =	vgt.s32 v22, $0x0;
	[tilespmem:v51+s13+$0x0] =	vst.idx.add.s32.msk $0xffff, v5  }
0x9c: {  	v29 =	vor.u32 v4, v29;
	vm8 =	vgt.s32 v24, $0x0;
	v22 =	vnsel vm7, $0x0, v22;
	[tilespmem:v52+s13+$0x0] =	vst.idx.add.s32.msk $0xffff, v5  }
0x9d: {  	v30 =	vor.u32 v4, v30;
	v24 =	vnsel vm8, $0x0, v24;
	v22 =	vmin.u32 v22, $0xFF;
	[tilespmem:v54+s13+$0x0] =	vst.idx.add.s32.msk $0xffff, v5  }
0x9e: {  	vm10 =	vgt.s32 v18, $0x0;
	v24 =	vmin.u32 v24, $0xFF;
	v22 =	vor.u32 v2, v22;
	[tilespmem:v55+s13+$0x0] =	vst.idx.add.s32.msk $0xffff, v5  }
0x9f: {  	v59 =	vor.u32 v4, v31;
	v18 =	vnsel vm10, $0x0, v18;
	v24 =	vor.u32 v2, v24;
	[tilespmem:v19+s13+$0x0] =	vst.idx.add.s32.msk $0xffff, v5  }
0xa0: {  	v46 =	vor.u32 v4, v60;
	v18 =	vmin.u32 v18, $0xFF;
	v12 =	vnsel vm6, $0x0, v57;
	[tilespmem:v20+s13+$0x0] =	vst.idx.add.s32.msk $0xffff, v5  }
0xa1: {  	v18 =	vor.u32 v4, v18;
	v12 =	vmin.u32 v12, $0xFF;
	vm7 =	vgt.s32 v44, $0x0;
	[tilespmem:v21+s13+$0x0] =	vst.idx.add.s32.msk $0xffff, v5  }
0xa2: {  	vm8 =	vgt.s32 v49, $0x0;
	v14 =	vor.u32 v4, v62;
	v16 =	vnsel vm7, $0x0, v44;
	[tilespmem:v23+s13+$0x0] =	vst.idx.add.s32.msk $0xffff, v5  }
0xa3: {  	v12 =	vor.u32 v4, v12;
	v17 =	vnsel vm8, $0x0, v49;
	v16 =	vmin.u32 v16, $0xFF;
	[tilespmem:v22+s13+$0x0] =	vst.idx.add.s32.msk $0xffff, v5  }
0xa4: {  	v51 =	vtrunc.f32 v48;
	v17 =	vmin.u32 v17, $0xFF;
	v52 =	vmul.f32 $2.560000000e+02, v39;
	[tilespmem:v24+s13+$0x0] =	vst.idx.add.s32.msk $0xffff, v5  }
0xa5: {  	v16 =	vor.u32 v4, v16;
	v54 =	vmul.f32 $2.560000000e+02, v41;
	v19 =	vcvt.f32.s32 v51;
	[tilespmem:v25+s13+$0x0] =	vst.idx.add.s32.msk $0xffff, v5  }
0xa6: {  	v17 =	vor.u32 v4, v17;
	v55 =	vmul.f32 $2.560000000e+02, v42;
	v20 =	vtrunc.f32 v52;
	[tilespmem:v26+s13+$0x0] =	vst.idx.add.s32.msk $0xffff, v5  }
0xa7: {  	vm9 =	vgt.s32 v19, $0x0;
	v20 =	vcvt.f32.s32 v20;
	v21 =	vtrunc.f32 v53;
	[tilespmem:v27+s13+$0x0] =	vst.idx.add.s32.msk $0xffff, v5  }
0xa8: {  	v19 =	vnsel vm9, $0x0, v19;
	v21 =	vcvt.f32.s32 v21;
	v23 =	vtrunc.f32 v55;
	[tilespmem:v28+s13+$0x0] =	vst.idx.add.s32.msk $0xffff, v5  }
0xa9: {  	v19 =	vmin.u32 v19, $0xFF;
	vm11 =	vgt.s32 v20, $0x0;
	v22 =	vtrunc.f32 v54;
	[tilespmem:v29+s13+$0x0] =	vst.idx.add.s32.msk $0xffff, v5  }
0xaa: {  	v58 =	vcvt.f32.s32 v23;
	v19 =	vor.u32 v4, v19;
	v20 =	vnsel vm11, $0x0, v20;
	[tilespmem:v30+s13+$0x0] =	vst.idx.add.s32.msk $0xffff, v5  }
0xab: {  	vm12 =	vgt.s32 v21, $0x0;
	v22 =	vcvt.f32.s32 v22;
	v20 =	vmin.u32 v20, $0xFF;
	[tilespmem:v59+s13+$0x0] =	vst.idx.add.s32.msk $0xffff, v5  }
0xac: {  	v57 =	vnsel vm12, $0x0, v21;
	vm14 =	vgt.s32 v58, $0x0;
	v59 =	vtrunc.f32 v56;
	[tilespmem:v46+s13+$0x0] =	vst.idx.add.s32.msk $0xffff, v5  }
0xad: {  	v20 =	vor.u32 v4, v20;
	vm13 =	vgt.s32 v22, $0x0;
	v60 =	vcvt.f32.s32 v59;
	[tilespmem:v14+s13+$0x0] =	vst.idx.add.s32.msk $0xffff, v5  }
0xae: {  	v13 =	vmin.u32 v57, $0xFF;
	v63 =	vnsel vm14, $0x0, v58;
	v61 =	vnsel vm13, $0x0, v22;
	[tilespmem:v12+s13+$0x0] =	vst.idx.add.s32.msk $0xffff, v5  }
0xaf: {  	v13 =	vor.u32 v4, v13;
	v62 =	vmin.u32 v61, $0xFF;
	vm15 =	vgt.s32 v60, $0x0;
	[tilespmem:v16+s13+$0x0] =	vst.idx.add.s32.msk $0xffff, v5  }
0xb0: {  	v14 =	vmin.u32 v63, $0xFF;
	v12 =	vor.u32 v4, v62;
	v15 =	vnsel vm15, $0x0, v60;
	[tilespmem:v17+s13+$0x0] =	vst.idx.add.s32.msk $0xffff, v5  }
0xb1: {  	v14 =	vor.u32 v4, v14;
	v15 =	vmin.u32 v15, $0xFF;
	[tilespmem:v19+s13+$0x0] =	vst.idx.add.s32.msk $0xffff, v5  }
0xb2: {  	p1 =	sne.s32 s24, $0xFC00;
	v15 =	vor.u32 v4, v15;
	[tilespmem:v18+s13+$0x0] =	vst.idx.add.s32.msk $0xffff, v5  }
.Ltmp2:
0xb3: {  	[tilespmem:v20+s13+$0x0] =	vst.idx.add.s32.msk $0xffff, v5;
	(pc) =	sbr.rel @p1 .LBB2_6-.Ltmp2, $4  }
0xb4: {  	[tilespmem:v13+s13+$0x0] =	vst.idx.add.s32.msk $0xffff, v5  }
0xb5: {  	[tilespmem:v12+s13+$0x0] =	vst.idx.add.s32.msk $0xffff, v5  }
0xb6: {  	[tilespmem:v14+s13+$0x0] =	vst.idx.add.s32.msk $0xffff, v5  }
0xb7: {  	s24 =	sadd.s32 $0x400, s24;
	[tilespmem:v15+s13+$0x0] =	vst.idx.add.s32.msk $0xffff, v5  }
0xb8: {  	s24 =	sand.u32 $0xF0, s23  }
0xb9: {  	s0 =	simm.s32 $0x8100;
	v12 =	vld [tilespmem:s24+$0x9B00]  }
0xba: {  	v20 =	vld [tilespmem:s0+$0x0]  }
0xbb: {  	v21 =	vld [tilespmem:s0+$0xFFFFFF00]  }
0xbc: {  	v15 =	vld [tilespmem:s24+$0x9600]  }
0xbd: {  	v13 =	vld [tilespmem:s24+$0x8900]  }
0xbe: {  	v17 =	vld [tilespmem:s24+$0x9500]  }
0xbf: {  	v16 =	vld [tilespmem:s24+$0x8800]  }
0xc0: {  	v19 =	vld [tilespmem:s24+$0x9400]  }
0xc1: {  	v25 =	vld [tilespmem:s24+$0x9300]  }
0xc2: {  	v18 =	vld [tilespmem:s24+$0x8700]  }
0xc3: {  	v26 =	vld [tilespmem:s24+$0x8600]  }
0xc4: {  	v24 =	vld [tilespmem:s24+$0x9200]  }
0xc5: {  	v27 =	vld [tilespmem:s24+$0x8500]  }
0xc6: {  	v28 =	vld [tilespmem:s24+$0x8200]  }
0xc7: {  	v29 =	vld [tilespmem:s24+$0x9000]  }
0xc8: {  	v30 =	vld [tilespmem:s24+$0x9100]  }
0xc9: {  	v22 =	vld [tilespmem:s24+$0x8300]  }
0xca: {  	v23 =	vld [tilespmem:s24+$0x8400]  }
0xcb: {  	v14 =	vld [tilespmem:s24+$0x9E00]  }
0xcc: {  	v20 =	vadd.s32 v21, v20;
	v21 =	vld [tilespmem:s24+$0x9700]  }
0xcd: {  	v29 =	vadd.s32 v29, v30;
	v28 =	vadd.s32 v28, v20;
	v20 =	vld [tilespmem:s24+$0x9A00]  }
0xce: {  	v29 =	vadd.s32 v24, v29;
	v24 =	vld [tilespmem:s24+$0x8A00];
	v28 =	vadd.s32 v22, v28  }
0xcf: {  	s26 =	simm.s32 $0xA100;
	s25 =	simm.s32 $0x10;
	v22 =	vld [tilespmem:s24+$0x9800];
	v28 =	vadd.s32 v23, v28  }
0xd0: {  	s29 =	simm.s32 $0xA110;
	s30 =	simm.s32 $0x8110;
	s31 =	simm.s32 $0x20;
	v23 =	vld [tilespmem:s24+$0x9900];
	v28 =	vadd.s32 v27, v28  }
0xd1: {  	s23 =	simm.s32 $0xA110;
	s28 =	simm.s32 $0x8110;
	s25 =	sand.u32 $0xF0, s25;
	v27 =	vadd.s32 v25, v29;
	v25 =	vld [tilespmem:s24+$0x8B00];
	v26 =	vadd.s32 v26, v28  }
.LBB2_8:
0xd2: {  	p1 =	sne.s32 s31, $0xF0;
	s29 =	sadd.s32 $0x10, s29;
	s30 =	sadd.s32 $0x10, s30;
	v19 =	vadd.s32 v19, v27;
	v27 =	vld [tilespmem:s24+$0x8C00]  }
0xd3: {  	s0 =	smov.u32 s31;
	s31 =	sadd.s32 $0x10, s31;
	v17 =	vadd.s32 v17, v19;
	v19 =	vld [tilespmem:s24+$0x9C00]  }
0xd4: {  	v15 =	vadd.s32 v15, v17;
	v17 =	vadd.s32 v18, v26;
	v18 =	vld [tilespmem:s24+$0x8E00]  }
0xd5: {  	v15 =	vadd.s32 v21, v15;
	v16 =	vadd.s32 v16, v17;
	v17 =	vld [tilespmem:s24+$0x8D00]  }
0xd6: {  	v15 =	vadd.s32 v22, v15;
	v13 =	vadd.s32 v13, v16;
	v16 =	vld [tilespmem:s24+$0x9D00]  }
0xd7: {  	v15 =	vadd.s32 v23, v15;
	v13 =	vadd.s32 v24, v13;
	v21 =	vld [tilespmem:s24+$0x8F00]  }
0xd8: {  	v15 =	vadd.s32 v20, v15;
	v13 =	vadd.s32 v25, v13;
	v20 =	vld [tilespmem:s24+$0x9F00];
	s24 =	smov.u32 s25  }
0xd9: {  	v12 =	vadd.s32 v12, v15;
	v13 =	vadd.s32 v27, v13  }
0xda: {  	v12 =	vadd.s32 v19, v12;
	v13 =	vadd.s32 v17, v13  }
0xdb: {  	v12 =	vadd.s32 v16, v12;
	v13 =	vadd.s32 v18, v13  }
0xdc: {  	v12 =	vadd.s32 v14, v12;
	v13 =	vadd.s32 v21, v13  }
0xdd: {  	v12 =	vadd.s32 v20, v12;
	[tilespmem:s26+$0xFFFFFF00] =	vst v13  }
0xde: {  	[tilespmem:s26+$0x0] =	vst v12;
	s26 =	smov.u32 s23;
	s23 =	smov.u32 s29  }
0xdf: {  	v12 =	vld [tilespmem:s24+$0x9B00]  }
0xe0: {  	v14 =	vld [tilespmem:s28+$0x0]  }
0xe1: {  	v18 =	vld [tilespmem:s28+$0xFFFFFF00];
	s28 =	smov.u32 s30  }
0xe2: {  	v15 =	vld [tilespmem:s24+$0x9600]  }
0xe3: {  	s25 =	sand.u32 $0xF0, s0;
	v13 =	vld [tilespmem:s24+$0x8900]  }
0xe4: {  	v17 =	vld [tilespmem:s24+$0x9500]  }
0xe5: {  	v16 =	vld [tilespmem:s24+$0x8800]  }
0xe6: {  	v20 =	vadd.s32 v18, v14;
	v19 =	vld [tilespmem:s24+$0x9400]  }
0xe7: {  	v25 =	vld [tilespmem:s24+$0x9300]  }
0xe8: {  	v18 =	vld [tilespmem:s24+$0x8700]  }
0xe9: {  	v26 =	vld [tilespmem:s24+$0x8600]  }
0xea: {  	v24 =	vld [tilespmem:s24+$0x9200]  }
0xeb: {  	v27 =	vld [tilespmem:s24+$0x8500]  }
0xec: {  	v23 =	vld [tilespmem:s24+$0x8400]  }
0xed: {  	v22 =	vld [tilespmem:s24+$0x8300]  }
0xee: {  	v28 =	vld [tilespmem:s24+$0x8200]  }
0xef: {  	v29 =	vld [tilespmem:s24+$0x9000]  }
0xf0: {  	v30 =	vld [tilespmem:s24+$0x9100]  }
0xf1: {  	v14 =	vld [tilespmem:s24+$0x9E00]  }
0xf2: {  	v21 =	vld [tilespmem:s24+$0x9700]  }
.Ltmp3:
0xf3: {  	v28 =	vadd.s32 v28, v20;
	v20 =	vld [tilespmem:s24+$0x9A00];
	(pc) =	sbr.rel @p1 .LBB2_8-.Ltmp3, $4  }
0xf4: {  	v28 =	vadd.s32 v22, v28;
	v22 =	vld [tilespmem:s24+$0x9800]  }
0xf5: {  	v29 =	vadd.s32 v29, v30;
	v28 =	vadd.s32 v23, v28;
	v23 =	vld [tilespmem:s24+$0x9900]  }
0xf6: {  	v29 =	vadd.s32 v24, v29;
	v28 =	vadd.s32 v27, v28;
	v24 =	vld [tilespmem:s24+$0x8A00]  }
0xf7: {  	v27 =	vadd.s32 v25, v29;
	v26 =	vadd.s32 v26, v28;
	v25 =	vld [tilespmem:s24+$0x8B00]  }
0xf8: {  	v19 =	vadd.s32 v19, v27;
	v31 =	vld [tilespmem:s24+$0x8C00]  }
0xf9: {  	v32 =	vld [tilespmem:s24+$0x9C00];
	v17 =	vadd.s32 v17, v19  }
0xfa: {  	v33 =	vadd.s32 v18, v26;
	v34 =	vld [tilespmem:s24+$0x8E00];
	v15 =	vadd.s32 v15, v17  }
0xfb: {  	v35 =	vld [tilespmem:s24+$0x8D00];
	v16 =	vadd.s32 v16, v33;
	v15 =	vadd.s32 v21, v15  }
0xfc: {  	v36 =	vld [tilespmem:s24+$0x9D00];
	v13 =	vadd.s32 v13, v16;
	v15 =	vadd.s32 v22, v15  }
0xfd: {  	v37 =	vld [tilespmem:s24+$0x8F00];
	v13 =	vadd.s32 v24, v13;
	v15 =	vadd.s32 v23, v15  }
0xfe: {  	v38 =	vld [tilespmem:s24+$0x9F00];
	v13 =	vadd.s32 v25, v13;
	v15 =	vadd.s32 v20, v15  }
0xff: {  	v13 =	vadd.s32 v31, v13;
	v12 =	vadd.s32 v12, v15  }
0x100: {  	v13 =	vadd.s32 v35, v13;
	v12 =	vadd.s32 v32, v12  }
0x101: {  	v13 =	vadd.s32 v34, v13;
	v12 =	vadd.s32 v36, v12  }
0x102: {  	v13 =	vadd.s32 v37, v13;
	v12 =	vadd.s32 v14, v12  }
0x103: {  	[tilespmem:s26+$0xFFFFFF00] =	vst v13;
	v12 =	vadd.s32 v38, v12  }
0x104: {  	[tilespmem:s26+$0x0] =	vst v12  }
0x105: {  	v12 =	vld [tilespmem:s25+$0x9B00]  }
0x106: {  	v13 =	vld [tilespmem:s28+$0x0]  }
0x107: {  	v14 =	vld [tilespmem:s28+$0xFFFFFF00]  }
0x108: {  	v15 =	vld [tilespmem:s25+$0x9600]  }
0x109: {  	v39 =	vld [tilespmem:s25+$0x8900]  }
0x10a: {  	v40 =	vld [tilespmem:s25+$0x9500]  }
0x10b: {  	v41 =	vld [tilespmem:s25+$0x8800]  }
0x10c: {  	v42 =	vld [tilespmem:s25+$0x9400]  }
0x10d: {  	v43 =	vld [tilespmem:s25+$0x9300]  }
0x10e: {  	v44 =	vld [tilespmem:s25+$0x8700]  }
0x10f: {  	v45 =	vld [tilespmem:s25+$0x8600]  }
0x110: {  	v46 =	vld [tilespmem:s25+$0x9200]  }
0x111: {  	v47 =	vld [tilespmem:s25+$0x8500]  }
0x112: {  	v48 =	vld [tilespmem:s25+$0x8400]  }
0x113: {  	v49 =	vld [tilespmem:s25+$0x8300]  }
0x114: {  	v50 =	vld [tilespmem:s25+$0x8200]  }
0x115: {  	v28 =	vld [tilespmem:s25+$0x9000]  }
0x116: {  	v29 =	vld [tilespmem:s25+$0x9100]  }
0x117: {  	v30 =	vld [tilespmem:s25+$0x9E00]  }
0x118: {  	v31 =	vld [tilespmem:s25+$0x9700]  }
0x119: {  	v32 =	vld [tilespmem:s25+$0x9A00]  }
0x11a: {  	v52 =	vld [tilespmem:s25+$0x9900];
	v13 =	vadd.s32 v14, v13  }
0x11b: {  	v53 =	vld [tilespmem:s25+$0x8A00];
	v51 =	vadd.s32 v28, v29;
	v13 =	vadd.s32 v50, v13  }
0x11c: {  	v54 =	vld [tilespmem:s25+$0x8B00];
	v23 =	vadd.s32 v46, v51;
	v13 =	vadd.s32 v49, v13  }
0x11d: {  	v14 =	vld [tilespmem:s25+$0x9800];
	v20 =	vadd.s32 v43, v23;
	v13 =	vadd.s32 v48, v13  }
0x11e: {  	v55 =	vld [tilespmem:s25+$0x8C00];
	v19 =	vadd.s32 v42, v20;
	v13 =	vadd.s32 v47, v13  }
0x11f: {  	v56 =	vld [tilespmem:s25+$0x9C00];
	v17 =	vadd.s32 v40, v19;
	v13 =	vadd.s32 v45, v13  }
0x120: {  	v57 =	vld [tilespmem:s25+$0x8E00];
	v15 =	vadd.s32 v15, v17;
	v13 =	vadd.s32 v44, v13  }
0x121: {  	v58 =	vld [tilespmem:s25+$0x8D00];
	v15 =	vadd.s32 v31, v15;
	v13 =	vadd.s32 v41, v13  }
0x122: {  	v14 =	vadd.s32 v14, v15;
	v15 =	vld [tilespmem:s25+$0x9D00];
	v13 =	vadd.s32 v39, v13  }
0x123: {  	v59 =	vld [tilespmem:s25+$0x8F00];
	v14 =	vadd.s32 v52, v14;
	v13 =	vadd.s32 v53, v13  }
0x124: {  	v60 =	vld [tilespmem:s25+$0x9F00];
	v14 =	vadd.s32 v32, v14;
	v13 =	vadd.s32 v54, v13  }
0x125: {  	v12 =	vadd.s32 v12, v14;
	v13 =	vadd.s32 v55, v13  }
0x126: {  	v12 =	vadd.s32 v56, v12;
	v13 =	vadd.s32 v58, v13  }
0x127: {  	v12 =	vadd.s32 v15, v12;
	v13 =	vadd.s32 v57, v13  }
0x128: {  	v12 =	vadd.s32 v30, v12;
	v13 =	vadd.s32 v59, v13  }
0x129: {  	v12 =	vadd.s32 v60, v12;
	[tilespmem:s23+$0xFFFFFF00] =	vst v13  }
0x12a: {  	[tilespmem:s23+$0x0] =	vst v12  }
0x12b: {  	[bflag:$0x0] =	sbarrier.arrive $0xFFFF  }
0x12c: {  	[spmem:s1] =	stream.indirect.scatter.add.s32 [tilespmem:s16], [sflag:$0x3], $0x1, s15, s14, $0xb8;
	[tilespmem:$0xCF20] =	vst v63  }
0x12d: {  	_ =	swait.ge [sflag:s10], $0x200  }
0x12e: {  	[sflag:s10] =	ssyncset.done $0x0  }
0x12f: {  	[sflag:s10] =	ssyncadd.s32 $0xFFFFFE00  }
0x130: {  	[bflag:$0x0] =	sbarrier.arrive $0xFFFF  }
0x131: {  	[tilespmem:s17], [sflag:$0x3] =	stream.linear.gather [spmem:s1], $0x200, $0x38;
	[tilespmem:$0xCF20] =	vst v63  }
0x132: {  	_ =	swait.ge [sflag:s10], $0x200  }
0x133: {  	[sflag:s10] =	ssyncset.done $0x0  }
0x134: {  	[sflag:s10] =	ssyncadd.s32 $0xFFFFFE00  }
0x135: {  	v12 =	vld [tilespmem:$0xA400]  }
0x136: {  	v23 =	vld [tilespmem:$0xA410]  }
0x137: {  	v26 =	vld [tilespmem:$0xA420]  }
0x138: {  	v31 =	vld [tilespmem:$0xA430]  }
0x139: {  	v35 =	vld [tilespmem:$0xA440]  }
0x13a: {  	v36 =	vld [tilespmem:$0xA450]  }
0x13b: {  	v37 =	vld [tilespmem:$0xA460]  }
0x13c: {  	v38 =	vld [tilespmem:$0xA470];
	v13 =	vadd.s32 v12, v23;
	(xrf0) =	vadd.scan.msk.s32 $0xffff, v12  }
0x13d: {  	v39 =	vld [tilespmem:$0xA480];
	v12 =	vadd.s32 v26, v13;
	(xrf0) =	vadd.scan.msk.s32 $0xffff, v13  }
0x13e: {  	v40 =	vld [tilespmem:$0xA490];
	v13 =	vadd.s32 v31, v12;
	(xrf0) =	vadd.scan.msk.s32 $0xffff, v12  }
0x13f: {  	v41 =	vld [tilespmem:$0xA4A0];
	v12 =	vadd.s32 v35, v13;
	(xrf0) =	vadd.scan.msk.s32 $0xffff, v13  }
0x140: {  	v42 =	vld [tilespmem:$0xA4B0];
	v13 =	vadd.s32 v36, v12;
	(xrf0) =	vadd.scan.msk.s32 $0xffff, v12  }
0x141: {  	v43 =	vld [tilespmem:$0xA4C0];
	v12 =	vadd.s32 v37, v13;
	(xrf0) =	vadd.scan.msk.s32 $0xffff, v13  }
0x142: {  	v45 =	vld [tilespmem:$0xA4D0];
	v13 =	vadd.s32 v38, v12;
	v44, _, _ =	vpop (xrf0);
	(xrf0) =	vadd.scan.msk.s32 $0xffff, v12  }
0x143: {  	v46 =	vld [tilespmem:$0xA4E0];
	v12 =	vadd.s32 v39, v13;
	v33, _, _ =	vpop (xrf0);
	(xrf0) =	vadd.scan.msk.s32 $0xffff, v13  }
0x144: {  	v47 =	vld [tilespmem:$0xA510];
	v13 =	vadd.s32 v40, v12;
	v30, _, _ =	vpop (xrf0);
	(xrf0) =	vadd.scan.msk.s32 $0xffff, v12  }
0x145: {  	v12 =	vld [tilespmem:$0xA500];
	v14 =	vadd.s32 v41, v13;
	v28, _, _ =	vpop (xrf0);
	(xrf0) =	vadd.scan.msk.s32 $0xffff, v13  }
0x146: {  	v48 =	vld [tilespmem:$0xA520];
	v13 =	vadd.s32 v42, v14;
	v25, _, _ =	vpop (xrf0);
	(xrf0) =	vadd.scan.msk.s32 $0xffff, v14  }
0x147: {  	v49 =	vld [tilespmem:$0xA530];
	v14 =	vadd.s32 v43, v13;
	v22, _, _ =	vpop (xrf0);
	(xrf0) =	vadd.scan.msk.s32 $0xffff, v13  }
0x148: {  	v50 =	vld [tilespmem:$0xA540];
	v13 =	vadd.s32 v45, v14;
	v20, _, _ =	vpop (xrf0);
	(xrf0) =	vadd.scan.msk.s32 $0xffff, v14  }
0x149: {  	v51 =	vld [tilespmem:$0xA550];
	v14 =	vadd.s32 v46, v13;
	v19, _, _ =	vpop (xrf0);
	(xrf0) =	vadd.scan.msk.s32 $0xffff, v13  }
0x14a: {  	v52 =	vld [tilespmem:$0xA560];
	v13 =	vadd.s32 v12, v47;
	v18, _, _ =	vpop (xrf0);
	(xrf0) =	vadd.scan.msk.s32 $0xffff, v14  }
0x14b: {  	v53 =	vld [tilespmem:$0xA570];
	v17, _, _ =	vpop (xrf0);
	(xrf0) =	vadd.scan.msk.s32 $0xffff, v12;
	v12 =	vadd.s32 v48, v13  }
0x14c: {  	v54 =	vld [tilespmem:$0xA580];
	v16, _, _ =	vpop (xrf0);
	(xrf0) =	vadd.scan.msk.s32 $0xffff, v13;
	v13 =	vadd.s32 v49, v12  }
0x14d: {  	v55 =	vld [tilespmem:$0xA590];
	v15, _, _ =	vpop (xrf0);
	(xrf0) =	vadd.scan.msk.s32 $0xffff, v12;
	v12 =	vadd.s32 v50, v13  }
0x14e: {  	v32 =	vld [tilespmem:$0xA5A0];
	v14, _, _ =	vpop (xrf0);
	(xrf0) =	vadd.scan.msk.s32 $0xffff, v13;
	v61 =	vadd.s32 v51, v12  }
0x14f: {  	v29 =	vld [tilespmem:$0xA5B0];
	v13, _, _ =	vpop (xrf0);
	(xrf0) =	vadd.scan.msk.s32 $0xffff, v12;
	v62 =	vadd.s32 v52, v61  }
0x150: {  	v27 =	vld [tilespmem:$0xA5C0];
	v3, _, _ =	vpop (xrf0);
	(xrf0) =	vadd.scan.msk.s32 $0xffff, v61;
	v63 =	vadd.s32 v53, v62  }
0x151: {  	v24 =	vld [tilespmem:$0xA5D0];
	v56, _, _ =	vpop (xrf0);
	(xrf0) =	vadd.scan.msk.s32 $0xffff, v62;
	v34 =	vadd.s32 v54, v63  }
0x152: {  	v57, _, _ =	vpop (xrf0);
	(xrf0) =	vadd.scan.msk.s32 $0xffff, v63;
	v58 =	vadd.s32 v55, v34  }
0x153: {  	v21 =	vld [tilespmem:$0xA5E0];
	v59, _, _ =	vpop (xrf0);
	(xrf0) =	vadd.scan.msk.s32 $0xffff, v34;
	v34 =	vadd.s32 v32, v58  }
0x154: {  	v60, _, _ =	vpop (xrf0);
	(xrf0) =	vadd.scan.msk.s32 $0xffff, v58;
	v58 =	vadd.s32 v29, v34  }
0x155: {  	v61, _, _ =	vpop (xrf0);
	(xrf0) =	vadd.scan.msk.s32 $0xffff, v34;
	v34 =	vadd.s32 v27, v58  }
0x156: {  	v62, _, _ =	vpop (xrf0);
	(xrf0) =	vadd.scan.msk.s32 $0xffff, v58;
	v58 =	vadd.s32 v24, v34  }
0x157: {  	v63, _, _ =	vpop (xrf0);
	(xrf0) =	vadd.scan.msk.s32 $0xffff, v34  }
0x158: {  	v34 =	vadd.s32 v21, v58;
	v6, _, _ =	vpop (xrf0);
	(xrf0) =	vadd.scan.msk.s32 $0xffff, v58  }
0x159: {  	v58, _, _ =	vpop (xrf0);
	(xrf0) =	vadd.scan.msk.s32 $0xffff, v34  }
0x15a: {  	v10, _, _ =	vpop (xrf0);
	(xrf0) =	vadd.scan.msk.s32 $0xffff, v23  }
0x15b: {  	v12, _, _ =	vpop (xrf0);
	(xrf0) =	vadd.scan.msk.s32 $0xffff, v26  }
0x15c: {  	v34, _, _ =	vpop (xrf0);
	(xrf0) =	vadd.scan.msk.s32 $0xffff, v31  }
0x15d: {  	v31, _, _ =	vpop (xrf0);
	(xrf0) =	vadd.scan.msk.s32 $0xffff, v35  }
0x15e: {  	v26, _, _ =	vpop (xrf0);
	(xrf0) =	vadd.scan.msk.s32 $0xffff, v36  }
0x15f: {  	v23, _, _ =	vpop (xrf0);
	(xrf0) =	vadd.scan.msk.s32 $0xffff, v37  }
0x160: {  	v35, _, _ =	vpop (xrf0);
	(xrf0) =	vadd.scan.msk.s32 $0xffff, v38  }
0x161: {  	v36, _, _ =	vpop (xrf0);
	(xrf0) =	vadd.scan.msk.s32 $0xffff, v39  }
0x162: {  	v37, _, _ =	vpop (xrf0);
	(xrf0) =	vadd.scan.msk.s32 $0xffff, v40  }
0x163: {  	v38 =	vld [tilespmem:$0xA4F0];
	v39, _, _ =	vpop (xrf0);
	(xrf0) =	vadd.scan.msk.s32 $0xffff, v41  }
0x164: {  	v40, _, _ =	vpop (xrf0);
	(xrf0) =	vadd.scan.msk.s32 $0xffff, v42  }
0x165: {  	v41, _, _ =	vpop (xrf0);
	(xrf0) =	vadd.scan.msk.s32 $0xffff, v43  }
0x166: {  	v42, _, _ =	vpop (xrf0);
	(xrf0) =	vadd.scan.msk.s32 $0xffff, v45  }
0x167: {  	v43, _, _ =	vpop (xrf0);
	(xrf0) =	vadd.scan.msk.s32 $0xffff, v46  }
0x168: {  	[tilespmem:$0x1FFE0] =	vst v3;
	v3 =	vld [tilespmem:$0x1FFF0];
	v45, _, _ =	vpop (xrf0);
	(xrf0) =	vadd.scan.msk.s32 $0xffff, v38  }
0x169: {  	v38, _, _ =	vpop (xrf0);
	(xrf0) =	vadd.scan.msk.s32 $0xffff, v47  }
0x16a: {  	v46, _, _ =	vpop (xrf0)  }
0x16b: {  	(xrf0) =	vadd.scan.msk.s32 $0xffff, v48;
	v47, _, _ =	vpop (xrf0)  }
0x16c: {  	v48, _, _ =	vpop (xrf0)  }
0x16d: {  	(xrf0) =	vadd.scan.msk.s32 $0xffff, v49;
	v49 =	vadd.s32 v3, v44;
	v7, _, _ =	vpop (xrf0)  }
0x16e: {  	[tilespmem:$0xA780] =	vst v49;
	v49 =	vadd.s32 v3, v56;
	v56 =	vbroadcast v56, $0xF;
	v9, _, _ =	vpop (xrf0)  }
0x16f: {  	v33 =	vbroadcast v33, $0xF;
	(xrf0) =	vadd.scan.msk.s32 $0xffff, v50;
	v3, _, _ =	vpop (xrf0)  }
0x170: {  	v44 =	vbroadcast v44, $0xF;
	[tilespmem:$0xA880] =	vst v49;
	v3 =	vadd.s32 v56, v3;
	v56 =	vbroadcast v57, $0xF  }
0x171: {  	v30 =	vbroadcast v30, $0xF;
	(xrf0) =	vadd.scan.msk.s32 $0xffff, v51;
	v57, _, _ =	vpop (xrf0);
	[tilespmem:$0xA890] =	vst v3;
	v3 =	vadd.s32 v36, v33  }
0x172: {  	v35 =	vadd.s32 v44, v35;
	v44 =	vbroadcast v59, $0xF;
	[tilespmem:$0xA7A0] =	vst v3;
	v3 =	vadd.s32 v57, v56  }
0x173: {  	v28 =	vbroadcast v28, $0xF;
	v49, _, _ =	vpop (xrf0);
	(xrf0) =	vadd.scan.msk.s32 $0xffff, v52;
	[tilespmem:$0xA8A0] =	vst v3;
	v3 =	vadd.s32 v37, v30  }
0x174: {  	v50 =	vbroadcast v60, $0xF;
	[tilespmem:$0xA7B0] =	vst v3;
	v3 =	vadd.s32 v49, v44  }
0x175: {  	v25 =	vbroadcast v25, $0xF;
	v51, _, _ =	vpop (xrf0);
	(xrf0) =	vadd.scan.msk.s32 $0xffff, v53;
	[tilespmem:$0xA8B0] =	vst v3;
	v3 =	vadd.s32 v39, v28  }
0x176: {  	v52 =	vbroadcast v61, $0xF;
	[tilespmem:$0xA7C0] =	vst v3;
	v3 =	vadd.s32 v51, v50  }
0x177: {  	v22 =	vbroadcast v22, $0xF;
	v53, _, _ =	vpop (xrf0);
	(xrf0) =	vadd.scan.msk.s32 $0xffff, v54;
	[tilespmem:$0xA8C0] =	vst v3;
	v3 =	vadd.s32 v40, v25  }
0x178: {  	v56 =	vbroadcast v62, $0xF;
	[tilespmem:$0xA7D0] =	vst v3;
	v3 =	vadd.s32 v53, v52  }
0x179: {  	v20 =	vbroadcast v20, $0xF;
	v57, _, _ =	vpop (xrf0);
	(xrf0) =	vadd.scan.msk.s32 $0xffff, v55;
	[tilespmem:$0xA8D0] =	vst v3;
	v3 =	vadd.s32 v41, v22  }
0x17a: {  	v59 =	vbroadcast v63, $0xF;
	[tilespmem:$0xA7E0] =	vst v3;
	v3 =	vadd.s32 v57, v56  }
0x17b: {  	v19 =	vbroadcast v19, $0xF;
	v60, _, _ =	vpop (xrf0);
	(xrf0) =	vadd.scan.msk.s32 $0xffff, v32;
	[tilespmem:$0xA8E0] =	vst v3;
	v3 =	vadd.s32 v42, v20  }
0x17c: {  	v6 =	vbroadcast v6, $0xF;
	[tilespmem:$0xA7F0] =	vst v3;
	v3 =	vadd.s32 v60, v59  }
0x17d: {  	v18 =	vbroadcast v18, $0xF;
	v61, _, _ =	vpop (xrf0);
	(xrf0) =	vadd.scan.msk.s32 $0xffff, v29;
	[tilespmem:$0xA8F0] =	vst v3;
	v3 =	vadd.s32 v43, v19  }
0x17e: {  	[tilespmem:$0xA800] =	vst v3;
	v3 =	vadd.s32 v61, v6;
	v6 =	vbroadcast v58, $0xF  }
0x17f: {  	v17 =	vbroadcast v17, $0xF;
	v62, _, _ =	vpop (xrf0);
	(xrf0) =	vadd.scan.msk.s32 $0xffff, v27;
	[tilespmem:$0xA900] =	vst v3;
	v3 =	vadd.s32 v45, v18  }
0x180: {  	[tilespmem:$0xA810] =	vst v3;
	v3 =	vadd.s32 v62, v6;
	v6 =	vbroadcast v10, $0xF  }
0x181: {  	v16 =	vbroadcast v16, $0xF;
	v10, _, _ =	vpop (xrf0);
	(xrf0) =	vadd.scan.msk.s32 $0xffff, v24;
	[tilespmem:$0xA910] =	vst v3;
	v3 =	vadd.s32 v38, v17  }
0x182: {  	[tilespmem:$0xA820] =	vst v3;
	v3 =	vadd.s32 v10, v6;
	v6 =	vbroadcast v12, $0xF  }
0x183: {  	v10, _, _ =	vpop (xrf0);
	v12 =	vbroadcast v15, $0xF;
	[tilespmem:$0xA920] =	vst v3;
	v3 =	vadd.s32 v46, v16  }
0x184: {  	[tilespmem:$0xA830] =	vst v3;
	v3 =	vadd.s32 v10, v6;
	v6 =	vbroadcast v34, $0xF  }
0x185: {  	v63 =	vld [tilespmem:$0xA5F0];
	v10, _, _ =	vpop (xrf0);
	[tilespmem:$0xA930] =	vst v3;
	v3 =	vadd.s32 v47, v12;
	v12 =	vbroadcast v14, $0xF  }
0x186: {  	[tilespmem:$0xA840] =	vst v3;
	v3 =	vadd.s32 v10, v6;
	v6 =	vbroadcast v31, $0xF  }
0x187: {  	v10, _, _ =	vpop (xrf0);
	[tilespmem:$0xA940] =	vst v3;
	v3 =	vadd.s32 v48, v12;
	v12 =	vbroadcast v13, $0xF  }
0x188: {  	(xrf0) =	vadd.scan.msk.s32 $0xffff, v21;
	[tilespmem:$0xA850] =	vst v3;
	v3 =	vadd.s32 v10, v6  }
0x189: {  	[tilespmem:$0xA950] =	vst v3;
	v3 =	vadd.s32 v7, v12;
	v7 =	vld [tilespmem:$0x1FFE0]  }
0x18a: {  	(xrf0) =	vadd.scan.msk.s32 $0xffff, v63;
	_ =	sdelay $0x2  }
0x18b: {  	v6 =	vbroadcast v26, $0xF  }
0x18c: {  	v10, _, _ =	vpop (xrf0);
	v7 =	vbroadcast v7, $0xF  }
0x18d: {  	[tilespmem:$0xA860] =	vst v3;
	v3 =	vadd.s32 v10, v6;
	v6 =	vbroadcast v23, $0xF  }
0x18e: {  	v10, _, _ =	vpop (xrf0);
	[tilespmem:$0xA960] =	vst v3;
	v3 =	vadd.s32 v9, v7  }
0x18f: {  	[tilespmem:$0xA870] =	vst v3;
	v3 =	vadd.s32 v10, v6  }
0x190: {  	[tilespmem:$0xA970] =	vst v3;
	v3 =	vimm.s32 $0x100;
	_ =	sdelay $0x2  }
0x191: {  	s0 =	simm.s32 $0xA780;
	[tilespmem:$0xA790] =	vst v35  }
0x192: {  	v13 =	vld.msk [tilespmem:s0+$0x0], $0xffff  }
0x193: {  	s29 =	simm.s32 $0x0;
	v12 =	vld.idx.msk [tilespmem:v3+s0+$0x0], $0xffff  }
0x194: {  	s30 =	sand.u32 $0xF0, s29;
	v3 =	vld [tilespmem:s0+$0x0]  }
0x195: {  	v6 =	vld [tilespmem:s30+$0xA880];
	_ =	sdelay $0x3  }
0x196: {  	v3 =	vsub.s32 v3, v13  }
0x197: {  	v6 =	vsub.s32 v6, v12;
	v3 =	vcvt.s32.f32 v3  }
0x198: {  	v6 =	vcvt.s32.f32 v6  }
0x199: {  	v3 =	vmul.f32 v3, v8  }
0x19a: {  	s23 =	simm.s32 $0xA980;
	v6 =	vmul.f32 v6, v8  }
0x19b: {  	s24 =	simm.s32 $0xAA80;
	[tilespmem:s23+$0x0] =	vst v3  }
0x19c: {  	s31 =	simm.s32 $0x10;
	s25 =	simm.s32 $0xA790;
	[tilespmem:s24+$0x0] =	vst v6  }
0x19d: {  	s26 =	simm.s32 $0x20;
	s28 =	sand.u32 $0xF0, s31;
	v14 =	vld [tilespmem:s25+$0x0]  }
.LBB2_10:
0x19e: {  	p1 =	sne.s32 s26, $0xF0;
	v3 =	vld [tilespmem:s28+$0xA880];
	_ =	sdelay $0x3  }
0x19f: {  	v6 =	vsub.s32 v14, v13  }
0x1a0: {  	v6 =	vcvt.s32.f32 v6;
	v3 =	vsub.s32 v3, v12  }
0x1a1: {  	v3 =	vcvt.s32.f32 v3  }
.Ltmp4:
0x1a2: {  	v6 =	vmul.f32 v6, v8;
	(pc) =	sbr.rel @p1 .LBB2_10-.Ltmp4, $4  }
0x1a3: {  	s23 =	sadd.s32 $0x10, s23;
	v3 =	vmul.f32 v3, v8  }
0x1a4: {  	s24 =	sadd.s32 $0x10, s24;
	[tilespmem:s23+$0x0] =	vst v6  }
0x1a5: {  	s25 =	sadd.s32 $0x10, s25;
	[tilespmem:s24+$0x0] =	vst v3  }
0x1a6: {  	s28 =	sand.u32 $0xF0, s26;
	s26 =	sadd.s32 $0x10, s26;
	v14 =	vld [tilespmem:s25+$0x0]  }
0x1a7: {  	v3 =	vld [tilespmem:s28+$0xA880];
	_ =	sdelay $0x3  }
0x1a8: {  	v6 =	vsub.s32 v14, v13  }
0x1a9: {  	v6 =	vcvt.s32.f32 v6;
	v3 =	vsub.s32 v3, v12  }
0x1aa: {  	v3 =	vcvt.s32.f32 v3  }
0x1ab: {  	v31 =	vimm.s32 $0xFF;
	v6 =	vmul.f32 v6, v8  }
0x1ac: {  	s0 =	sadd.s32 $0x10, s23;
	v3 =	vmul.f32 v3, v8  }
0x1ad: {  	s31 =	sadd.s32 $0x10, s24;
	[tilespmem:s0+$0x0] =	vst v6  }
0x1ae: {  	v32 =	vimm.s32 $0x7F;
	[tilespmem:s31+$0x0] =	vst v3  }
0x1af: {  	v14 =	vld.msk [tilespmem:s18+$0x0], $0xffff  }
0x1b0: {  	v15 =	vld.idx.msk [tilespmem:v31+s18+$0x0], $0xffff  }
0x1b1: {  	v12 =	vld.msk [tilespmem:s9+$0x0], $0xffff  }
0x1b2: {  	s23 =	simm.s32 $0x0;
	v13 =	vld.idx.msk [tilespmem:v31+s9+$0x0], $0xffff  }
.LBB2_12:
0x1b3: {  	s24 =	sshra.s32 s23, $0x2;
	v3 =	vld.idx.msk [tilespmem:v32+s18+$0x0], $0xffff  }
0x1b4: {  	v19 =	vld [tilespmem:s24+$0xA980]  }
0x1b5: {  	v18 =	vld [tilespmem:s24+$0xA990]  }
0x1b6: {  	v17 =	vld [tilespmem:s24+$0xA9A0];
	_ =	sdelay $0x2  }
0x1b7: {  	v16 =	vld [tilespmem:s24+$0xA9B0];
	vm0 =	vle.f32 v3, v19  }
0x1b8: {  	vm10 =	vle.f32 v3, v18;
	v6 =	vsel vm0, $0x80, v0  }
0x1b9: {  	vm11 =	vle.f32 v3, v17;
	v7 =	vsel vm10, $0x80, v0;
	v9 =	vor.u32 $0x3F, v6  }
0x1ba: {  	v10 =	vsel vm11, $0x80, v0;
	v20 =	vor.u32 $0x3F, v7  }
0x1bb: {  	v21 =	vor.u32 $0x3F, v10  }
0x1bc: {  	vm12 =	vle.f32 v3, v16  }
0x1bd: {  	v3 =	vsel vm12, $0x80, v0  }
0x1be: {  	v22 =	vor.u32 $0x3F, v3;
	v9 =	vld.idx.msk [tilespmem:v9+s18+$0x0], $0xffff  }
0x1bf: {  	v20 =	vld.idx.msk [tilespmem:v20+s18+$0x0], $0xffff  }
0x1c0: {  	v21 =	vld.idx.msk [tilespmem:v21+s18+$0x0], $0xffff;
	_ =	sdelay $0x1  }
0x1c1: {  	v23 =	vor.u32 $0x40, v6  }
0x1c2: {  	v24 =	vor.u32 $0x40, v7;
	v25 =	vor.u32 $0x40, v10;
	v22 =	vld.idx.msk [tilespmem:v22+s18+$0x0], $0xffff;
	vm13 =	vle.f32 v9, v19  }
0x1c3: {  	v9 =	vor.u32 $0x40, v3;
	vm14 =	vle.f32 v20, v18;
	v23 =	vsel vm13, v23, v6  }
0x1c4: {  	vm15 =	vle.f32 v21, v17;
	v20 =	vsel vm14, v24, v7;
	v54 =	vand.u32 $0x40, v23  }
0x1c5: {  	v55 =	vsel vm15, v25, v10;
	v56 =	vand.u32 $0x40, v20;
	v6 =	vor.u32 v54, v6  }
0x1c6: {  	v57 =	vand.u32 $0x40, v55;
	v7 =	vor.u32 v56, v7;
	v6 =	vor.u32 $0x1F, v6  }
0x1c7: {  	vm4 =	vle.f32 v22, v16;
	v10 =	vor.u32 v57, v10;
	v7 =	vor.u32 $0x1F, v7  }
0x1c8: {  	v9 =	vsel vm4, v9, v3;
	v10 =	vor.u32 $0x1F, v10  }
0x1c9: {  	v58 =	vand.u32 $0x40, v9  }
0x1ca: {  	v3 =	vor.u32 v58, v3  }
0x1cb: {  	v3 =	vor.u32 $0x1F, v3;
	v6 =	vld.idx.msk [tilespmem:v6+s18+$0x0], $0xffff  }
0x1cc: {  	v7 =	vld.idx.msk [tilespmem:v7+s18+$0x0], $0xffff  }
0x1cd: {  	v10 =	vld.idx.msk [tilespmem:v10+s18+$0x0], $0xffff;
	_ =	sdelay $0x2  }
0x1ce: {  	v59 =	vor.u32 $0x20, v23;
	v60 =	vor.u32 $0x20, v20;
	v3 =	vld.idx.msk [tilespmem:v3+s18+$0x0], $0xffff;
	vm5 =	vle.f32 v6, v19  }
0x1cf: {  	v6 =	vor.u32 $0x20, v55;
	vm6 =	vle.f32 v7, v18;
	v21 =	vsel vm5, v59, v23  }
0x1d0: {  	vm7 =	vle.f32 v10, v17;
	v7 =	vsel vm6, v60, v20;
	v10 =	vor.u32 $0xF, v21  }
0x1d1: {  	v6 =	vsel vm7, v6, v55;
	v20 =	vor.u32 $0xF, v7  }
0x1d2: {  	v61 =	vor.u32 $0xF, v6  }
0x1d3: {  	v62 =	vor.u32 $0x20, v9;
	vm8 =	vle.f32 v3, v16  }
0x1d4: {  	v3 =	vsel vm8, v62, v9  }
0x1d5: {  	v9 =	vld.idx.msk [tilespmem:v10+s18+$0x0], $0xffff;
	v10 =	vor.u32 $0xF, v3  }
0x1d6: {  	v20 =	vld.idx.msk [tilespmem:v20+s18+$0x0], $0xffff  }
0x1d7: {  	v22 =	vld.idx.msk [tilespmem:v61+s18+$0x0], $0xffff;
	_ =	sdelay $0x2  }
0x1d8: {  	v63 =	vor.u32 $0x10, v21;
	v33 =	vor.u32 $0x10, v7;
	v10 =	vld.idx.msk [tilespmem:v10+s18+$0x0], $0xffff;
	vm9 =	vle.f32 v9, v19  }
0x1d9: {  	v9 =	vor.u32 $0x10, v6;
	vm10 =	vle.f32 v20, v18;
	v21 =	vsel vm9, v63, v21  }
0x1da: {  	vm11 =	vle.f32 v22, v17;
	v7 =	vsel vm10, v33, v7;
	v34 =	vadd.s32 $0x7, v21  }
0x1db: {  	v6 =	vsel vm11, v9, v6;
	v9 =	vadd.s32 $0x7, v7  }
0x1dc: {  	v35 =	vadd.s32 $0x7, v6  }
0x1dd: {  	v36 =	vor.u32 $0x10, v3;
	vm12 =	vle.f32 v10, v16  }
0x1de: {  	v3 =	vsel vm12, v36, v3  }
0x1df: {  	v10 =	vld.idx.msk [tilespmem:v34+s18+$0x0], $0xffff;
	v37 =	vadd.s32 $0x7, v3  }
0x1e0: {  	v9 =	vld.idx.msk [tilespmem:v9+s18+$0x0], $0xffff  }
0x1e1: {  	v22 =	vld.idx.msk [tilespmem:v35+s18+$0x0], $0xffff;
	_ =	sdelay $0x2  }
0x1e2: {  	v38 =	vadd.s32 $0x8, v21;
	v24 =	vadd.s32 $0x8, v7;
	v20 =	vld.idx.msk [tilespmem:v37+s18+$0x0], $0xffff;
	vm13 =	vle.f32 v10, v19  }
0x1e3: {  	v10 =	vadd.s32 $0x8, v6;
	vm14 =	vle.f32 v9, v18;
	v21 =	vsel vm13, v38, v21  }
0x1e4: {  	vm15 =	vle.f32 v22, v17;
	v7 =	vsel vm14, v24, v7;
	v9 =	vadd.s32 $0x3, v21  }
0x1e5: {  	v6 =	vsel vm15, v10, v6;
	v10 =	vadd.s32 $0x3, v7  }
0x1e6: {  	v39 =	vadd.s32 $0x3, v6  }
0x1e7: {  	v40 =	vadd.s32 $0x8, v3;
	vm4 =	vle.f32 v20, v16  }
0x1e8: {  	v3 =	vsel vm4, v40, v3  }
0x1e9: {  	v9 =	vld.idx.msk [tilespmem:v9+s18+$0x0], $0xffff;
	v41 =	vadd.s32 $0x3, v3  }
0x1ea: {  	v10 =	vld.idx.msk [tilespmem:v10+s18+$0x0], $0xffff  }
0x1eb: {  	v22 =	vld.idx.msk [tilespmem:v39+s18+$0x0], $0xffff;
	_ =	sdelay $0x2  }
0x1ec: {  	v42 =	vadd.s32 $0x4, v21;
	v24 =	vadd.s32 $0x4, v7;
	v20 =	vld.idx.msk [tilespmem:v41+s18+$0x0], $0xffff;
	vm5 =	vle.f32 v9, v19  }
0x1ed: {  	v9 =	vadd.s32 $0x4, v6;
	vm6 =	vle.f32 v10, v18;
	v21 =	vsel vm5, v42, v21  }
0x1ee: {  	vm7 =	vle.f32 v22, v17;
	v7 =	vsel vm6, v24, v7;
	v10 =	vadd.s32 $0x1, v21  }
0x1ef: {  	v6 =	vsel vm7, v9, v6;
	v9 =	vadd.s32 $0x1, v7  }
0x1f0: {  	v43 =	vadd.s32 $0x1, v6  }
0x1f1: {  	v44 =	vadd.s32 $0x4, v3;
	vm8 =	vle.f32 v20, v16  }
0x1f2: {  	v3 =	vsel vm8, v44, v3  }
0x1f3: {  	v10 =	vld.idx.msk [tilespmem:v10+s18+$0x0], $0xffff;
	v45 =	vadd.s32 $0x1, v3  }
0x1f4: {  	v9 =	vld.idx.msk [tilespmem:v9+s18+$0x0], $0xffff  }
0x1f5: {  	v22 =	vld.idx.msk [tilespmem:v43+s18+$0x0], $0xffff;
	_ =	sdelay $0x2  }
0x1f6: {  	v46 =	vadd.s32 $0x2, v21;
	v20 =	vld.idx.msk [tilespmem:v45+s18+$0x0], $0xffff;
	vm9 =	vle.f32 v10, v19  }
0x1f7: {  	v10 =	vadd.s32 $0x2, v7;
	vm10 =	vle.f32 v9, v18;
	v21 =	vsel vm9, v46, v21  }
0x1f8: {  	v9 =	vadd.s32 $0x2, v6;
	vm11 =	vle.f32 v22, v17;
	v7 =	vsel vm10, v10, v7  }
0x1f9: {  	v6 =	vsel vm11, v9, v6;
	_ =	sdelay $0x1  }
0x1fa: {  	v9 =	vadd.s32 $0x2, v3;
	vm12 =	vle.f32 v20, v16  }
0x1fb: {  	v3 =	vsel vm12, v9, v3;
	v9 =	vld.idx.msk [tilespmem:v21+s18+$0x0], $0xffff  }
0x1fc: {  	v10 =	vld.idx.msk [tilespmem:v7+s18+$0x0], $0xffff  }
0x1fd: {  	v47 =	vld.idx.msk [tilespmem:v6+s18+$0x0], $0xffff;
	_ =	sdelay $0x2  }
0x1fe: {  	v48 =	vld.idx.msk [tilespmem:v3+s18+$0x0], $0xffff;
	vm13 =	vle.f32 v9, v19  }
0x1ff: {  	vm14 =	vle.f32 v10, v18;
	v9 =	vsel vm13, $0x1, v0  }
0x200: {  	vm1 =	vle.f32 v47, v17;
	v10 =	vsel vm14, $0x1, v0;
	v9 =	vadd.s32 v9, v21  }
0x201: {  	v20 =	vsel vm1, $0x1, v0;
	v7 =	vadd.s32 v10, v7;
	v9 =	vmin.u32 v9, $0xFF  }
0x202: {  	v6 =	vadd.s32 v20, v6;
	v7 =	vmin.u32 v7, $0xFF  }
0x203: {  	v6 =	vmin.u32 v6, $0xFF;
	v10 =	vmax.u32 v9, $0x1;
	vm15 =	vle.f32 v48, v16  }
0x204: {  	v50 =	vmax.u32 v7, $0x1;
	v10 =	vsub.s32 v10, v5;
	v49 =	vsel vm15, $0x1, v0  }
0x205: {  	v52 =	vmax.u32 v6, $0x1;
	v51 =	vsub.s32 v50, v5;
	v3 =	vadd.s32 v49, v3  }
0x206: {  	v21 =	vsub.s32 v52, v5;
	v3 =	vmin.u32 v3, $0xFF;
	v55 =	vld.idx.msk [tilespmem:v9+s18+$0x0], $0xffff  }
0x207: {  	v27 =	vld.idx.msk [tilespmem:v7+s18+$0x0], $0xffff;
	v53 =	vmax.u32 v3, $0x1  }
0x208: {  	v29 =	vld.idx.msk [tilespmem:v6+s18+$0x0], $0xffff;
	v22 =	vsub.s32 v53, v5  }
0x209: {  	v54 =	vld.idx.msk [tilespmem:v10+s18+$0x0], $0xffff  }
0x20a: {  	v56 =	vld.idx.msk [tilespmem:v51+s18+$0x0], $0xffff  }
0x20b: {  	v26 =	vld.idx.msk [tilespmem:v21+s18+$0x0], $0xffff  }
0x20c: {  	v30 =	vld.idx.msk [tilespmem:v3+s18+$0x0], $0xffff  }
0x20d: {  	v28 =	vld.idx.msk [tilespmem:v22+s18+$0x0], $0xffff  }
0x20e: {  	v24 =	vsub.f32 v55, v54;
	_ =	sdelay $0x1  }
0x20f: {  	v9 =	vld.idx.msk [tilespmem:v9+s9+$0x0], $0xffff;
	v27 =	vsub.f32 v27, v56;
	vm4 =	veq.f32 v24, $0.0e+00  }
0x210: {  	v7 =	vld.idx.msk [tilespmem:v7+s9+$0x0], $0xffff;
	v57 =	vsub.f32 v29, v26;
	v24 =	vsel vm4, $0x3F800000, v24  }
0x211: {  	v6 =	vld.idx.msk [tilespmem:v6+s9+$0x0], $0xffff;
	vm5 =	veq.f32 v27, $0.0e+00;
	(erf) = vrcp.f32 v24;
	v29 =	vsub.f32 v30, v28  }
0x212: {  	v10 =	vld.idx.msk [tilespmem:v10+s9+$0x0], $0xffff;
	vm6 =	veq.f32 v57, $0.0e+00;
	v27 =	vsel vm5, $0x3F800000, v27  }
0x213: {  	v20 =	vld.idx.msk [tilespmem:v51+s9+$0x0], $0xffff;
	v24 =	vsel vm6, $0x3F800000, v57;
	(erf) = vrcp.f32 v27;
	vm7 =	veq.f32 v29, $0.0e+00  }
0x214: {  	v21 =	vld.idx.msk [tilespmem:v21+s9+$0x0], $0xffff;
	(erf) = vrcp.f32 v24;
	v58 =	vsel vm7, $0x3F800000, v29  }
0x215: {  	v3 =	vld.idx.msk [tilespmem:v3+s9+$0x0], $0xffff;
	(erf) = vrcp.f32 v58  }
0x216: {  	v22 =	vld.idx.msk [tilespmem:v22+s9+$0x0], $0xffff  }
0x217: {  	v9 =	vsub.f32 v9, v10;
	v23 =	vsub.f32 v19, v54  }
0x218: {  	v7 =	vsub.f32 v7, v20;
	v60 =	vsub.f32 v18, v56  }
0x219: {  	v9 =	vmul.f32 v9, v23  }
0x21a: {  	v6 =	vsub.f32 v6, v21;
	v61 =	vsub.f32 v17, v26;
	v7 =	vmul.f32 v7, v60;
	v59 =	vpop (erf)  }
0x21b: {  	v3 =	vsub.f32 v3, v22;
	v63 =	vsub.f32 v16, v28;
	v9 =	vmul.f32 v9, v59  }
0x21c: {  	vm8 =	vle.f32 v19, v14;
	vm9 =	vge.f32 v19, v15;
	v6 =	vmul.f32 v6, v61;
	v62 =	vpop (erf)  }
0x21d: {  	v3 =	vmul.f32 v3, v63;
	v7 =	vmul.f32 v7, v62;
	v9 =	vadd.f32 v9, v10;
	v10 =	vpop (erf)  }
0x21e: {  	vm10 =	vge.f32 v18, v15;
	vm11 =	vle.f32 v18, v14;
	v6 =	vmul.f32 v6, v10;
	v10 =	vpop (erf)  }
0x21f: {  	vm12 =	vge.f32 v17, v15;
	v7 =	vadd.f32 v7, v20;
	v3 =	vmul.f32 v3, v10  }
0x220: {  	p1 =	sne.s32 s23, $0x300;
	vm13 =	vle.f32 v17, v14;
	v9 =	vsel vm9, v13, v9;
	v6 =	vadd.f32 v6, v21  }
.Ltmp5:
0x221: {  	v9 =	vsel vm8, v12, v9;
	v7 =	vsel vm10, v13, v7;
	v3 =	vadd.f32 v3, v22;
	(pc) =	sbr.rel @p1 .LBB2_12-.Ltmp5, $4  }
0x222: {  	vm14 =	vge.f32 v16, v15;
	v7 =	vsel vm11, v12, v7;
	[tilespmem:s24+$0xAB80] =	vst v9;
	v6 =	vsel vm12, v13, v6  }
0x223: {  	vm15 =	vle.f32 v16, v14;
	[tilespmem:s24+$0xAB90] =	vst v7;
	v6 =	vsel vm13, v12, v6;
	v3 =	vsel vm14, v13, v3  }
0x224: {  	[tilespmem:s24+$0xABA0] =	vst v6;
	v3 =	vsel vm15, v12, v3  }
0x225: {  	s23 =	sadd.s32 $0x100, s23;
	[tilespmem:s24+$0xABB0] =	vst v3  }
0x226: {  	s0 =	simm.s32 $0x0  }
0x227: {  	v14 =	vadd.s32 $0x1, v1;
	v3 =	vor.u32 s0, v1  }
0x228: {  	v6 =	vadd.s32 s0, v14;
	_ =	sdelay $0x1  }
0x229: {  	v7 =	vimm.f32 $0.0e+00  }
0x22a: {  	[tilespmem:$0xAC80] =	vst v7  }
0x22b: {  	v7 =	vld.idx.msk [tilespmem:v3+s9+$0x0], $0xffff  }
0x22c: {  	v9 =	vld.idx.msk [tilespmem:v6+s9+$0x0], $0xffff;
	_ =	sdelay $0x4  }
0x22d: {  	v9 =	vsub.f32 v9, v7;
	_ =	sdelay $0x1  }
0x22e: {  	(erf) = vrcp.f32 v9;
	_ =	sdelay $0x1  }
0x22f: {  	v6 =	vld.idx.msk [tilespmem:v6+s19+$0x0], $0xffff  }
0x230: {  	v3 =	vld.idx.msk [tilespmem:v3+s19+$0x0], $0xffff;
	_ =	sdelay $0x4  }
0x231: {  	v6 =	vsub.f32 v6, v3  }
0x232: {  	v9 =	vpop (erf)  }
0x233: {  	v6 =	vmul.f32 v9, v6;
	_ =	sdelay $0x1  }
0x234: {  	s23 =	simm.s32 $0x10;
	v7 =	vmul.f32 v6, v7  }
0x235: {  	v9 =	vor.u32 s23, v1  }
0x236: {  	v10 =	vadd.s32 s23, v14;
	v3 =	vsub.f32 v3, v7  }
0x237: {  	s25 =	simm.s32 $0xAD00  }
0x238: {  	s0 =	sand.u32 $0xF0, s0;
	[tilespmem:s25+$0x0] =	vst v3  }
0x239: {  	[tilespmem:s0+$0xAE00] =	vst v6  }
0x23a: {  	v3 =	vld.idx.msk [tilespmem:v9+s9+$0x0], $0xffff  }
0x23b: {  	v6 =	vld.idx.msk [tilespmem:v10+s9+$0x0], $0xffff;
	_ =	sdelay $0x4  }
0x23c: {  	v6 =	vsub.f32 v6, v3;
	_ =	sdelay $0x1  }
0x23d: {  	(erf) = vrcp.f32 v6;
	_ =	sdelay $0x1  }
0x23e: {  	v7 =	vld.idx.msk [tilespmem:v9+s19+$0x0], $0xffff  }
0x23f: {  	v6 =	vld.idx.msk [tilespmem:v10+s19+$0x0], $0xffff;
	_ =	sdelay $0x4  }
0x240: {  	v6 =	vsub.f32 v6, v7  }
0x241: {  	v9 =	vpop (erf)  }
0x242: {  	v17 =	vmul.f32 v9, v6;
	_ =	sdelay $0x1  }
0x243: {  	s24 =	simm.s32 $0x20;
	v3 =	vmul.f32 v17, v3  }
0x244: {  	v15 =	vor.u32 s24, v1  }
0x245: {  	s26 =	simm.s32 $0x30;
	v16 =	vadd.s32 s24, v14;
	v18 =	vsub.f32 v7, v3  }
.LBB2_14:
0x246: {  	p1 =	sne.s32 s26, $0xF0;
	s25 =	sadd.s32 $0x10, s25  }
0x247: {  	s0 =	sand.u32 $0xF0, s23;
	s23 =	smov.u32 s24;
	s24 =	smov.u32 s26;
	[tilespmem:s25+$0x0] =	vst v18  }
0x248: {  	[tilespmem:s0+$0xAE00] =	vst v17  }
0x249: {  	v3 =	vld.idx.msk [tilespmem:v15+s9+$0x0], $0xffff  }
0x24a: {  	v6 =	vld.idx.msk [tilespmem:v16+s9+$0x0], $0xffff;
	_ =	sdelay $0x5  }
0x24b: {  	v6 =	vsub.f32 v6, v3;
	_ =	sdelay $0x1  }
0x24c: {  	(erf) = vrcp.f32 v6  }
0x24d: {  	v6 =	vld.idx.msk [tilespmem:v16+s19+$0x0], $0xffff  }
0x24e: {  	v7 =	vld.idx.msk [tilespmem:v15+s19+$0x0], $0xffff;
	_ =	sdelay $0x5  }
0x24f: {  	v6 =	vsub.f32 v6, v7  }
0x250: {  	v9 =	vpop (erf)  }
.Ltmp6:
0x251: {  	v17 =	vmul.f32 v9, v6;
	(pc) =	sbr.rel @p1 .LBB2_14-.Ltmp6, $4  }
0x252: {  	_ = 	snop  }
0x253: {  	v3 =	vmul.f32 v17, v3  }
0x254: {  	v15 =	vor.u32 s26, v1  }
0x255: {  	v16 =	vadd.s32 s24, v14;
	s26 =	sadd.s32 $0x10, s26;
	v18 =	vsub.f32 v7, v3  }
0x256: {  	_ = 	snop  }
0x257: {  	s0 =	sadd.s32 $0x10, s25  }
0x258: {  	s23 =	sand.u32 $0xF0, s23;
	[tilespmem:s0+$0x0] =	vst v18  }
0x259: {  	[tilespmem:s23+$0xAE00] =	vst v17  }
0x25a: {  	v3 =	vld.idx.msk [tilespmem:v15+s9+$0x0], $0xffff  }
0x25b: {  	v6 =	vld.idx.msk [tilespmem:v16+s9+$0x0], $0xffff;
	_ =	sdelay $0x4  }
0x25c: {  	v6 =	vsub.f32 v6, v3;
	_ =	sdelay $0x1  }
0x25d: {  	(erf) = vrcp.f32 v6;
	_ =	sdelay $0x1  }
0x25e: {  	v7 =	vld.idx.msk [tilespmem:v15+s19+$0x0], $0xffff  }
0x25f: {  	v6 =	vld.idx.msk [tilespmem:v16+s19+$0x0], $0xffff;
	_ =	sdelay $0x4  }
0x260: {  	v6 =	vsub.f32 v6, v7  }
0x261: {  	v9 =	vpop (erf)  }
0x262: {  	v6 =	vmul.f32 v9, v6;
	_ =	sdelay $0x1  }
0x263: {  	v3 =	vmul.f32 v6, v3;
	_ =	sdelay $0x1  }
0x264: {  	v3 =	vsub.f32 v7, v3  }
0x265: {  	s0 =	sadd.s32 $0x10, s0  }
0x266: {  	s31 =	sand.u32 $0xF0, s24;
	[tilespmem:s0+$0x0] =	vst v3  }
0x267: {  	[tilespmem:s31+$0xAE00] =	vst v6  }
0x268: {  	v14 =	vld.msk [tilespmem:s19+$0x0], $0xffff  }
0x269: {  	s23 =	simm.s32 $0x0;
	v15 =	vld.idx.msk [tilespmem:v31+s19+$0x0], $0xffff  }
.LBB2_16:
0x26a: {  	s24 =	sshra.s32 s23, $0x2  }
0x26b: {  	v38 =	vld.idx.msk [tilespmem:v11+s24+$0xFFFFFF80 ss:$0x1], $0xffff  }
0x26c: {  	v33 =	vld.idx.msk [tilespmem:v11+s24+$0xFFFFFF90 ss:$0x1], $0xffff  }
0x26d: {  	v30 =	vld.idx.msk [tilespmem:v11+s24+$0xFFFFFFA0 ss:$0x1], $0xffff  }
0x26e: {  	v28 =	vld.idx.msk [tilespmem:v11+s24+$0xFFFFFFB0 ss:$0x1], $0xffff  }
0x26f: {  	v27 =	vld.idx.msk [tilespmem:v11+s24+$0xFFFFFFC0 ss:$0x1], $0xffff  }
0x270: {  	v26 =	vld.idx.msk [tilespmem:v11+s24+$0xFFFFFFD0 ss:$0x1], $0xffff  }
0x271: {  	v25 =	vld.idx.msk [tilespmem:v11+s24+$0xFFFFFFE0 ss:$0x1], $0xffff  }
0x272: {  	v24 =	vld.idx.msk [tilespmem:v11+s24+$0xFFFFFFF0 ss:$0x1], $0xffff  }
0x273: {  	v23 =	vld.idx.msk [tilespmem:v11+s24+$0x0 ss:$0x1], $0xffff  }
0x274: {  	v21 =	vld.idx.msk [tilespmem:v11+s24+$0x10 ss:$0x1], $0xffff  }
0x275: {  	v20 =	vld.idx.msk [tilespmem:v11+s24+$0x20 ss:$0x1], $0xffff  }
0x276: {  	v22 =	vld.idx.msk [tilespmem:v11+s24+$0x30 ss:$0x1], $0xffff;
	v3 =	vmul.f32 $2.550000000e+02, v38;
	v6 =	vmul.f32 $2.550000000e+02, v33  }
0x277: {  	v7 =	vmul.f32 $2.550000000e+02, v30;
	v9 =	vmul.f32 $2.550000000e+02, v28  }
0x278: {  	v10 =	vmul.f32 $2.550000000e+02, v27;
	v16 =	vmul.f32 $2.550000000e+02, v26  }
0x279: {  	v17 =	vmul.f32 $2.550000000e+02, v25;
	v18 =	vmul.f32 $2.550000000e+02, v24  }
0x27a: {  	v19 =	vmul.f32 $2.550000000e+02, v23;
	v47 =	vmul.f32 $2.550000000e+02, v21  }
0x27b: {  	v32 =	vmul.f32 $2.550000000e+02, v20;
	v35 =	vmul.f32 $2.550000000e+02, v22  }
0x27c: {  	v3 =	vtrunc.f32 v3;
	v6 =	vtrunc.f32 v6  }
0x27d: {  	v7 =	vtrunc.f32 v7;
	v9 =	vtrunc.f32 v9  }
0x27e: {  	v10 =	vtrunc.f32 v10;
	v16 =	vtrunc.f32 v16  }
0x27f: {  	v17 =	vtrunc.f32 v17;
	v19 =	vtrunc.f32 v19  }
0x280: {  	v48 =	vtrunc.f32 v35;
	v3 =	vcvt.f32.s32 v3  }
0x281: {  	v6 =	vcvt.f32.s32 v6;
	v7 =	vcvt.f32.s32 v7  }
0x282: {  	v9 =	vcvt.f32.s32 v9;
	v10 =	vcvt.f32.s32 v10  }
0x283: {  	v16 =	vcvt.f32.s32 v16;
	v17 =	vcvt.f32.s32 v17  }
0x284: {  	v29 =	vcvt.f32.s32 v19;
	vm0 =	vgt.s32 v3, $0x0;
	vm6 =	vgt.s32 v6, $0x0  }
0x285: {  	vm7 =	vgt.s32 v7, $0x0;
	vm8 =	vgt.s32 v9, $0x0;
	vm9 =	vgt.s32 v10, $0x0  }
0x286: {  	vm10 =	vgt.s32 v16, $0x0;
	vm11 =	vgt.s32 v17, $0x0;
	vm13 =	vgt.s32 v29, $0x0  }
0x287: {  	v3 =	vnsel vm0, $0x0, v3;
	v6 =	vnsel vm6, $0x0, v6;
	v7 =	vnsel vm7, $0x0, v7  }
0x288: {  	v9 =	vnsel vm8, $0x0, v9;
	v10 =	vnsel vm9, $0x0, v10;
	v16 =	vnsel vm10, $0x0, v16  }
0x289: {  	v17 =	vnsel vm11, $0x0, v17;
	v29 =	vnsel vm13, $0x0, v29;
	vm8 =	vge.f32 v38, v13  }
0x28a: {  	v19 =	vld.idx.msk [tilespmem:v11+s24+$0x40 ss:$0x1], $0xffff;
	vm9 =	vle.f32 v38, v12;
	vm10 =	vge.f32 v33, v13;
	vm11 =	vle.f32 v33, v12  }
0x28b: {  	vm13 =	vle.f32 v30, v12;
	v3 =	vmin.u32 v3, $0xFE;
	v6 =	vmin.u32 v6, $0xFE  }
0x28c: {  	v7 =	vmin.u32 v7, $0xFE;
	v9 =	vmin.u32 v9, $0xFE;
	v10 =	vmin.u32 v10, $0xFE  }
0x28d: {  	v40 =	vmin.u32 v16, $0xFE;
	v16 =	vtrunc.f32 v18;
	v18 =	vtrunc.f32 v47  }
0x28e: {  	v43 =	vmin.u32 v29, $0xFE;
	v29 =	vcvt.f32.s32 v48;
	v16 =	vcvt.f32.s32 v16  }
0x28f: {  	v41 =	vmin.u32 v17, $0xFE;
	v31 =	vcvt.f32.s32 v18;
	v49 =	vmul.f32 $2.550000000e+02, v19  }
0x290: {  	v51 =	vor.u32 $0x100, v3;
	v55 =	vor.u32 $0x100, v6;
	v47 =	vor.u32 $0x100, v7  }
0x291: {  	v17 =	vld.idx.msk [tilespmem:v11+s24+$0x60 ss:$0x1], $0xffff;
	v58 =	vor.u32 $0x100, v9;
	v59 =	vor.u32 $0x100, v10;
	v48 =	vor.u32 $0x100, v40  }
0x292: {  	v18 =	vld.idx.msk [tilespmem:v11+s24+$0x50 ss:$0x1], $0xffff;
	vm4 =	vgt.s32 v29, $0x0;
	vm12 =	vgt.s32 v16, $0x0;
	vm14 =	vgt.s32 v31, $0x0  }
0x293: {  	v29 =	vnsel vm4, $0x0, v29;
	vm4 =	vge.f32 v27, v13;
	v34 =	vnsel vm12, $0x0, v16  }
0x294: {  	v16 =	vtrunc.f32 v32;
	v31 =	vnsel vm14, $0x0, v31;
	v37 =	vmin.u32 v29, $0xFE  }
0x295: {  	vm12 =	vge.f32 v30, v13;
	vm14 =	vge.f32 v28, v13;
	v32 =	vcvt.f32.s32 v16  }
0x296: {  	v42 =	vmin.u32 v34, $0xFE;
	v36 =	vmin.u32 v31, $0xFE;
	v31 =	vtrunc.f32 v49  }
0x297: {  	v16 =	vld.idx.msk [tilespmem:v11+s24+$0x70 ss:$0x1], $0xffff;
	v39 =	vmul.f32 $2.550000000e+02, v17;
	v49 =	vor.u32 $0x100, v41;
	v50 =	vmul.f32 $2.550000000e+02, v18  }
0x298: {  	v31 =	vcvt.f32.s32 v31;
	v46 =	vld.idx.msk [tilespmem:v51+s20+$0x0], $0xffff;
	v51 =	vor.u32 $0x100, v43;
	vm15 =	vgt.s32 v32, $0x0  }
0x299: {  	v47 =	vld.idx.msk [tilespmem:v47+s20+$0x0], $0xffff;
	v53 =	vtrunc.f32 v39;
	v32 =	vnsel vm15, $0x0, v32;
	v34 =	vtrunc.f32 v50  }
0x29a: {  	v60 =	vld.idx.msk [tilespmem:v59+s20+$0x0], $0xffff;
	vm5 =	vgt.s32 v31, $0x0;
	v45 =	vcvt.f32.s32 v53;
	v50 =	vor.u32 $0x100, v42  }
0x29b: {  	v3 =	vld.idx.msk [tilespmem:v3+s20+$0x0], $0xffff;
	vm15 =	vle.f32 v28, v12;
	v35 =	vmin.u32 v32, $0xFE;
	v52 =	vcvt.f32.s32 v34  }
0x29c: {  	v7 =	vld.idx.msk [tilespmem:v7+s20+$0x0], $0xffff;
	v31 =	vnsel vm5, $0x0, v31;
	vm5 =	vle.f32 v27, v12;
	v44 =	vmul.f32 $2.550000000e+02, v16  }
0x29d: {  	v10 =	vld.idx.msk [tilespmem:v10+s20+$0x0], $0xffff;
	v34 =	vmin.u32 v31, $0xFE;
	vm7 =	vgt.s32 v45, $0x0;
	v53 =	vor.u32 $0x100, v35  }
0x29e: {  	v63 =	vld.idx.msk [tilespmem:v40+s20+$0x0], $0xffff;
	vm6 =	vgt.s32 v52, $0x0;
	v56 =	vnsel vm7, $0x0, v45;
	v46 =	vmul.f32 v46, v38  }
0x29f: {  	v62 =	vld.idx.msk [tilespmem:v48+s20+$0x0], $0xffff;
	v47 =	vmul.f32 v47, v30;
	v40 =	vmul.f32 v60, v27;
	vm7 =	vle.f32 v26, v12  }
0x2a0: {  	v54 =	vtrunc.f32 v44;
	v29 =	vnsel vm6, $0x0, v52;
	v31 =	vmin.u32 v56, $0xFE  }
0x2a1: {  	v52 =	vor.u32 $0x100, v36;
	vm6 =	vge.f32 v26, v13;
	v39 =	vcvt.f32.s32 v54  }
0x2a2: {  	v32 =	vmin.u32 v29, $0xFE;
	v3 =	vadd.f32 v46, v3;
	v46 =	vor.u32 $0x100, v37  }
0x2a3: {  	v57 =	vld.idx.msk [tilespmem:v55+s20+$0x0], $0xffff;
	v54 =	vor.u32 $0x100, v34;
	v38 =	vor.u32 $0x100, v31;
	v7 =	vadd.f32 v47, v7  }
0x2a4: {  	v45 =	vld.idx.msk [tilespmem:v49+s20+$0x0], $0xffff;
	v10 =	vadd.f32 v40, v10;
	v47 =	vmul.f32 v62, v26;
	v55 =	vor.u32 $0x100, v32  }
0x2a5: {  	v44 =	vld.idx.msk [tilespmem:v58+s20+$0x0], $0xffff;
	vm1 =	vgt.s32 v39, $0x0;
	v3 =	vsel vm8, v15, v3;
	v7 =	vsel vm12, v15, v7  }
0x2a6: {  	v49 =	vld.idx.msk [tilespmem:v50+s20+$0x0], $0xffff;
	v10 =	vsel vm4, v15, v10;
	v50 =	vadd.f32 v47, v63;
	vm8 =	vge.f32 v25, v13  }
0x2a7: {  	v58 =	vld.idx.msk [tilespmem:v51+s20+$0x0], $0xffff;
	vm12 =	vge.f32 v23, v13;
	vm4 =	vge.f32 v20, v13;
	v39 =	vnsel vm1, $0x0, v39  }
0x2a8: {  	v3 =	vsel vm9, v14, v3;
	v7 =	vsel vm13, v14, v7;
	v10 =	vsel vm5, v14, v10  }
0x2a9: {  	v48 =	vld.idx.msk [tilespmem:v41+s20+$0x0], $0xffff;
	v59 =	vmul.f32 v45, v25;
	vm9 =	vle.f32 v25, v12;
	vm13 =	vle.f32 v23, v12  }
0x2aa: {  	v6 =	vld.idx.msk [tilespmem:v6+s20+$0x0], $0xffff;
	vm5 =	vge.f32 v22, v13;
	v29 =	vmin.u32 v39, $0xFE;
	v39 =	vmul.f32 v57, v33  }
0x2ab: {  	v9 =	vld.idx.msk [tilespmem:v9+s20+$0x0], $0xffff;
	v3 =	vmax.f32 v3, $0.0e+00;
	v61 =	vmul.f32 v44, v28;
	v7 =	vmax.f32 v7, $0.0e+00  }
0x2ac: {  	v60 =	vld.idx.msk [tilespmem:v43+s20+$0x0], $0xffff;
	v10 =	vmax.f32 v10, $0.0e+00;
	v57 =	vsel vm6, v15, v50;
	v27 =	vmul.f32 v58, v23  }
0x2ad: {  	v56 =	vld.idx.msk [tilespmem:v42+s20+$0x0], $0xffff;
	vm6 =	vle.f32 v20, v12;
	v3 =	vmin.f32 v3, $1.000000000e+00;
	v7 =	vmin.f32 v7, $1.000000000e+00  }
0x2ae: {  	v42 =	vld.idx.msk [tilespmem:v53+s20+$0x0], $0xffff;
	v10 =	vmin.f32 v10, $1.000000000e+00;
	v26 =	vsel vm7, v14, v57;
	v30 =	vadd.f32 v59, v48  }
0x2af: {  	vm7 =	vle.f32 v22, v12;
	v6 =	vadd.f32 v39, v6;
	v39 =	vor.u32 $0x100, v29  }
0x2b0: {  	v3 =	vmul.f32 $2.007874010e+00, v3;
	v9 =	vadd.f32 v61, v9;
	v7 =	vmul.f32 $2.007874010e+00, v7  }
0x2b1: {  	v10 =	vmul.f32 $2.007874010e+00, v10;
	v26 =	vmax.f32 v26, $0.0e+00;
	v61 =	vmul.f32 v49, v24  }
0x2b2: {  	v27 =	vadd.f32 v27, v60;
	v26 =	vmin.f32 v26, $1.000000000e+00;
	v62 =	vsel vm8, v15, v30  }
0x2b3: {  	v47 =	vmul.f32 v42, v20;
	vm8 =	vge.f32 v19, v13;
	v6 =	vsel vm10, v15, v6  }
0x2b4: {  	v63 =	vld.idx.msk [tilespmem:v52+s20+$0x0], $0xffff;
	v3 =	vadd.f32 $-1.000000000e+00, v3;
	v9 =	vsel vm14, v15, v9;
	v7 =	vadd.f32 $-1.000000000e+00, v7  }
0x2b5: {  	v45 =	vld.idx.msk [tilespmem:v35+s20+$0x0], $0xffff;
	v10 =	vadd.f32 $-1.000000000e+00, v10;
	v26 =	vmul.f32 $2.007874010e+00, v26;
	v28 =	vadd.f32 v61, v56  }
0x2b6: {  	v25 =	vsel vm9, v14, v62;
	vm10 =	vge.f32 v24, v13;
	v44 =	vsel vm12, v15, v27  }
0x2b7: {  	v43 =	vld.idx.msk [tilespmem:v46+s20+$0x0], $0xffff;
	vm14 =	vge.f32 v21, v13;
	vm9 =	vle.f32 v19, v12;
	vm12 =	vge.f32 v17, v13  }
0x2b8: {  	v48 =	vld.idx.msk [tilespmem:v54+s20+$0x0], $0xffff;
	v6 =	vsel vm11, v14, v6;
	v9 =	vsel vm15, v14, v9;
	v25 =	vmax.f32 v25, $0.0e+00  }
0x2b9: {  	vm11 =	vle.f32 v24, v12;
	v23 =	vsel vm13, v14, v44;
	v30 =	vmul.f32 v63, v21  }
0x2ba: {  	v41 =	vld.idx.msk [tilespmem:v36+s20+$0x0], $0xffff;
	vm15 =	vle.f32 v21, v12;
	v27 =	vadd.f32 v47, v45;
	vm13 =	vle.f32 v17, v12  }
0x2bb: {  	v52 =	vld.idx.msk [tilespmem:v55+s20+$0x0], $0xffff;
	v6 =	vmax.f32 v6, $0.0e+00;
	v9 =	vmax.f32 v9, $0.0e+00;
	v40 =	vsel vm10, v15, v28  }
0x2bc: {  	v25 =	vmin.f32 v25, $1.000000000e+00;
	v26 =	vadd.f32 $-1.000000000e+00, v26;
	v23 =	vmax.f32 v23, $0.0e+00  }
0x2bd: {  	v46 =	vld.idx.msk [tilespmem:v37+s20+$0x0], $0xffff;
	v50 =	vmul.f32 v43, v22;
	v55 =	vmul.f32 v48, v19;
	vm10 =	vge.f32 v18, v13  }
0x2be: {  	v54 =	vld.idx.msk [tilespmem:v32+s20+$0x0], $0xffff;
	v6 =	vmin.f32 v6, $1.000000000e+00;
	v9 =	vmin.f32 v9, $1.000000000e+00;
	v24 =	vsel vm11, v14, v40  }
0x2bf: {  	v56 =	vld.idx.msk [tilespmem:v38+s20+$0x0], $0xffff;
	v25 =	vmul.f32 $2.007874010e+00, v25;
	v23 =	vmin.f32 v23, $1.000000000e+00;
	v28 =	vadd.f32 v30, v41  }
0x2c0: {  	v27 =	vsel vm4, v15, v27;
	v59 =	vmul.f32 v52, v18;
	vm11 =	vle.f32 v18, v12  }
0x2c1: {  	v6 =	vmul.f32 $2.007874010e+00, v6;
	v9 =	vmul.f32 $2.007874010e+00, v9;
	v24 =	vmax.f32 v24, $0.0e+00  }
0x2c2: {  	v23 =	vmul.f32 $2.007874010e+00, v23;
	v27 =	vsel vm6, v14, v27;
	v24 =	vmin.f32 v24, $1.000000000e+00  }
0x2c3: {  	v51 =	vld.idx.msk [tilespmem:v34+s20+$0x0], $0xffff;
	v25 =	vadd.f32 $-1.000000000e+00, v25;
	v49 =	vsel vm14, v15, v28;
	v28 =	vadd.f32 v50, v46  }
0x2c4: {  	v31 =	vld.idx.msk [tilespmem:v31+s20+$0x0], $0xffff;
	v27 =	vmax.f32 v27, $0.0e+00;
	v61 =	vadd.f32 v59, v54;
	v62 =	vmul.f32 v56, v17  }
0x2c5: {  	v57 =	vld.idx.msk [tilespmem:v39+s20+$0x0], $0xffff;
	vm14 =	vge.f32 v16, v13;
	v6 =	vadd.f32 $-1.000000000e+00, v6;
	v9 =	vadd.f32 $-1.000000000e+00, v9  }
0x2c6: {  	v24 =	vmul.f32 $2.007874010e+00, v24;
	v23 =	vadd.f32 $-1.000000000e+00, v23;
	v21 =	vsel vm15, v14, v49  }
0x2c7: {  	v27 =	vmin.f32 v27, $1.000000000e+00;
	vm15 =	vle.f32 v16, v12;
	v21 =	vmax.f32 v21, $0.0e+00  }
0x2c8: {  	v53 =	vsel vm5, v15, v28;
	v28 =	vadd.f32 v55, v51;
	v27 =	vmul.f32 $2.007874010e+00, v27  }
0x2c9: {  	v29 =	vld.idx.msk [tilespmem:v29+s20+$0x0], $0xffff;
	[tilespmem:s24+$0xAF40] =	vst v10;
	v10 =	vadd.f32 v62, v31;
	v24 =	vadd.f32 $-1.000000000e+00, v24;
	v21 =	vmin.f32 v21, $1.000000000e+00  }
0x2ca: {  	v20 =	vsel vm7, v14, v53;
	[tilespmem:s24+$0xAF30] =	vst v9;
	v9 =	vsel vm10, v15, v61;
	v63 =	vmul.f32 v57, v16  }
0x2cb: {  	[tilespmem:s24+$0xAF00] =	vst v3;
	v21 =	vmul.f32 $2.007874010e+00, v21;
	v20 =	vmax.f32 v20, $0.0e+00;
	v58 =	vsel vm8, v15, v28  }
0x2cc: {  	[tilespmem:s24+$0xAF20] =	vst v7;
	v60 =	vadd.f32 $-1.000000000e+00, v27;
	v9 =	vsel vm11, v14, v9;
	v10 =	vsel vm12, v15, v10  }
0x2cd: {  	[tilespmem:s24+$0xAF50] =	vst v26;
	v20 =	vmin.f32 v20, $1.000000000e+00;
	v19 =	vsel vm9, v14, v58;
	v9 =	vmax.f32 v9, $0.0e+00  }
0x2ce: {  	[tilespmem:s24+$0xAF60] =	vst v25;
	v18 =	vadd.f32 v63, v29;
	v10 =	vsel vm13, v14, v10;
	v20 =	vmul.f32 $2.007874010e+00, v20  }
0x2cf: {  	[tilespmem:s24+$0xAF10] =	vst v6;
	v3 =	vadd.f32 $-1.000000000e+00, v21;
	v19 =	vmax.f32 v19, $0.0e+00;
	v9 =	vmin.f32 v9, $1.000000000e+00  }
0x2d0: {  	[tilespmem:s24+$0xAF80] =	vst v23;
	v10 =	vmax.f32 v10, $0.0e+00;
	v7 =	vmin.f32 v19, $1.000000000e+00;
	v16 =	vsel vm14, v15, v18  }
0x2d1: {  	[tilespmem:s24+$0xAF70] =	vst v24;
	v6 =	vadd.f32 $-1.000000000e+00, v20;
	v7 =	vmul.f32 $2.007874010e+00, v7;
	v16 =	vsel vm15, v14, v16  }
0x2d2: {  	[tilespmem:s24+$0xAF90] =	vst v3;
	v3 =	vmul.f32 $2.007874010e+00, v9;
	v9 =	vmin.f32 v10, $1.000000000e+00;
	v10 =	vmax.f32 v16, $0.0e+00  }
0x2d3: {  	p1 =	sne.s32 s23, $0x7C00;
	[tilespmem:s24+$0xAFA0] =	vst v60;
	v9 =	vmul.f32 $2.007874010e+00, v9;
	v7 =	vadd.f32 $-1.000000000e+00, v7;
	v10 =	vmin.f32 v10, $1.000000000e+00  }
.Ltmp7:
0x2d4: {  	[tilespmem:s24+$0xAFB0] =	vst v6;
	v3 =	vadd.f32 $-1.000000000e+00, v3;
	v6 =	vmul.f32 $2.007874010e+00, v10;
	(pc) =	sbr.rel @p1 .LBB2_16-.Ltmp7, $4  }
0x2d5: {  	[tilespmem:s24+$0xAFC0] =	vst v7;
	v7 =	vadd.f32 $-1.000000000e+00, v9  }
0x2d6: {  	[tilespmem:s24+$0xAFD0] =	vst v3;
	v3 =	vadd.f32 $-1.000000000e+00, v6  }
0x2d7: {  	[tilespmem:s24+$0xAFE0] =	vst v7  }
0x2d8: {  	s23 =	sadd.s32 $0x400, s23;
	[tilespmem:s24+$0xAFF0] =	vst v3  }
0x2d9: {  	s22 =	sadd.s32 $0x1, s22  }
0x2da: {  	p1 =	sne.s32 s22, s7  }
.Ltmp8:
0x2db: {  	_ = 	snop;
	(pc) =	sbr.rel @p1 .LBB2_1-.Ltmp8, $4  }
0x2dc: {  	[hbm4b:s6+s2] =	stream.linear.scatter [tilespmem:s21], [sflag:$0x3], $0x2000, $0x38;
	[tilespmem:$0xCF20] =	vst v63  }
0x2dd: {  	_ =	swait.ge [sflag:s10], $0x2000  }
0x2de: {  	[sflag:s10] =	ssyncset.done $0x0  }
0x2df: {  	[sflag:s10] =	ssyncadd.s32 $0xFFFFE000  }
0x2e0: {  	_ =	sfence.sel $0x180000  }
0x2e1: {  	[bflag:$0x0] =	sbarrier.arrive $0xFFFF  }
0x2e2: {  	_ =	strace $0x90000047  }
0x2e3: {  	[bflag:$0x2] =	sbarrier.arrive $0xFFFF  }
0x2e4: {  	s0 =	rddreg [dreg:$0x3]  }
0x2e5: {  	s0 =	sadd.s32 @!p0 $0x100000, s0  }
0x2e6: {  	[sflag:s0] =	ssyncadd.tile.s32 @!p0 $0x1;
	_ =	shalt  }
.Lfunc_end2:
_tile_overlayer_lowered:
.L_overlay_start_2:
0x2e7: {  	(tag) =	ssettag $0x2  }
0x2e8: {  	s0 =	rddreg [dreg:$0x0];
	s2 =	stileid.u32  }
0x2e9: {  	s1 =	rddreg [dreg:$0x1];
	p0 =	sne.s32 s2, $0x0  }
0x2ea: {  	s3 =	rddreg [dreg:$0x2];
	[bflag:$0x3] =	sbarrier.arrive $0xFFFF;
	s2 =	simm.s32 @!p0 $0x1C03  }
0x2eb: {  	[timem:s3], [sflag:s2] =	dma.local @!p0 [hbm:s0], s1  }
0x2ec: {  	s0 =	simm.s32 @!p0 $0x3  }
0x2ed: {  	_ =	swait.ge @!p0 [sflag:s0], s1  }
0x2ee: {  	s1 =	ssub.s32 @!p0 $0x0, s1;
	[sflag:s0] =	ssyncset.done @!p0 $0x0  }
0x2ef: {  	[sflag:s0] =	ssyncadd.s32 @!p0 s1  }
0x2f0: {  	[bflag:$0x3] =	sbarrier.arrive $0xFFFF  }
0x2f1: {  	_ =	shalt  }

</sc_bundles>
